<compile_context>
chip_gen: v7x
topology: tpu7x:2x2x1
jax: 0.10.2.dev20260603
libtpu: 0.0.44.dev20260713+nightly
codegen_flags: <defaults>
</compile_context>

<pallas_src>
import functools

import jax
import jax.numpy as jnp
from jax import lax
from jax.experimental import pallas as pl
from jax.experimental.pallas import tpu as pltpu
from jax.experimental.pallas import tpu_sc as plsc

_N = 1000
_E = 16000
_NG = 64
_H = 64
_GPB = 4
_COLS = _GPB * _H
_HALVES = 2
_WIDE = _COLS * _HALVES
_STEPS = _NG // (_GPB * _HALVES)
_ROWS = 32
_TILES = 32
_NPAD = 1024


def _rsqrt_newton(x):
    i = plsc.bitcast(x, jnp.int32)
    i = 0x5F3759DF - lax.shift_right_arithmetic(i, 1)
    y = plsc.bitcast(i, jnp.float32)
    for _ in range(3):
        y = y * (1.5 - 0.5 * x * y * y)
    return y


_ECH = _E // 16
_CPT = -(-_ECH // 16)
_DPS = _NPAD // 16


def _adj_body(src_hbm, dst_hbm, out_hbm, src_v, dst_v, deg_v, part_v, dinv_v,
              dloc_v, blk_v, shdeg_s, shdinv_s):
    sid = lax.axis_index("s")
    wid = sid * 2 + lax.axis_index("c")
    r0 = wid * _ROWS
    pltpu.sync_copy(src_hbm, src_v)
    pltpu.sync_copy(dst_hbm, dst_v)
    ones = jnp.ones((16,), jnp.float32)
    zeros = jnp.zeros((16,), jnp.float32)

    def init_deg(i, c):
        deg_v[pl.ds(i * 16, 16)] = zeros
        return c
    lax.fori_loop(0, _NPAD // 16, init_deg, 0, unroll=8)

    def count(i, c):
        ch = sid * _CPT + i

        @pl.when(ch < _ECH)
        def _():
            d = dst_v[pl.ds(ch * 16, 16)]
            cnt, last = plsc.scan_count(d)
            plsc.addupdate_scatter(deg_v, [d], cnt.astype(jnp.float32),
                                   mask=last)
        return c
    lax.fori_loop(0, _CPT, count, 0, unroll=8)

    pltpu.sync_copy(deg_v, shdeg_s.at[pl.ds(sid * _NPAD, _NPAD)])
    plsc.subcore_barrier()

    for r in range(16):
        pltpu.sync_copy(shdeg_s.at[pl.ds(r * _NPAD + sid * _DPS, _DPS)],
                        part_v.at[pl.ds(r * _DPS, _DPS)])
    for c4 in range(_DPS // 16):
        acc = ones
        for r in range(16):
            acc = acc + part_v[pl.ds(r * _DPS + c4 * 16, 16)]
        dloc_v[pl.ds(c4 * 16, 16)] = _rsqrt_newton(acc)
    pltpu.sync_copy(dloc_v, shdinv_s.at[pl.ds(sid * _DPS, _DPS)])
    plsc.subcore_barrier()
    pltpu.sync_copy(shdinv_s, dinv_v)

    def zero_blk(i, c):
        blk_v[pl.ds(i * 16, 16)] = zeros
        return c
    lax.fori_loop(0, _ROWS * _N // 16, zero_blk, 0, unroll=16)

    def edge(i, c):
        s = src_v[pl.ds(i * 16, 16)]
        d = dst_v[pl.ds(i * 16, 16)]
        owned = (d >= r0) & (d < r0 + _ROWS)
        v = plsc.load_gather(dinv_v, [s]) * plsc.load_gather(dinv_v, [d])
        f = jnp.where(owned, (d - r0) * _N + s, 0)
        cnt, last = plsc.scan_count(f, mask=owned)
        plsc.addupdate_scatter(blk_v, [f], v * cnt.astype(jnp.float32),
                               mask=last)
        return c
    lax.fori_loop(0, _E // 16, edge, 0, unroll=8)

    iota16 = lax.iota(jnp.int32, 16)
    for c2 in range(_ROWS // 16):
        n16 = r0 + c2 * 16 + iota16
        valid = n16 < _N
        dd = plsc.load_gather(dinv_v, [n16])
        f = jnp.where(valid, (n16 - r0) * _N + n16, 0)
        plsc.addupdate_scatter(blk_v, [f], dd * dd, mask=valid)

    @pl.when(wid < _TILES - 1)
    def _copy_full():
        pltpu.sync_copy(blk_v, out_hbm.at[pl.ds(r0 * _N, _ROWS * _N)])

    @pl.when(wid == _TILES - 1)
    def _copy_tail():
        rows = _N - (_TILES - 1) * _ROWS
        pltpu.sync_copy(blk_v.at[pl.ds(0, rows * _N)],
                        out_hbm.at[pl.ds(r0 * _N, rows * _N)])


@functools.cache
def _build_adj_kernel():
    return pl.kernel(
        _adj_body,
        out_type=jax.ShapeDtypeStruct((_N * _N,), jnp.float32),
        mesh=plsc.VectorSubcoreMesh(core_axis_name="c", subcore_axis_name="s"),
        compiler_params=pltpu.CompilerParams(needs_layout_passes=False),
        scratch_types=[
            pltpu.VMEM((_E,), jnp.int32),
            pltpu.VMEM((_E,), jnp.int32),
            pltpu.VMEM((_NPAD,), jnp.float32),
            pltpu.VMEM((16 * _DPS,), jnp.float32),
            pltpu.VMEM((_NPAD,), jnp.float32),
            pltpu.VMEM((_DPS,), jnp.float32),
            pltpu.VMEM((_ROWS * _N,), jnp.float32),
            pltpu.VMEM_SHARED((16 * _NPAD,), jnp.float32),
            pltpu.VMEM_SHARED((_NPAD,), jnp.float32),
        ],
    )


def _gcn_body(xt_ref, A_ref, wk_ref, mavg_ref, vec_ref, out_ref):
    A = A_ref[...]
    M = mavg_ref[...]
    halves = [xt_ref[:, k * _COLS:(k + 1) * _COLS] for k in range(_HALVES)]
    for li in range(3):
        wk = wk_ref[li]
        bias = vec_ref[3 * li:3 * li + 1, :]
        g = vec_ref[3 * li + 1:3 * li + 2, :]
        b = vec_ref[3 * li + 2:3 * li + 3, :]
        hl = jnp.concatenate(
            [jax.lax.dot(h, wk, preferred_element_type=jnp.float32)
             for h in halves], axis=1)
        ha_w = jax.lax.dot(A, hl, preferred_element_type=jnp.float32)
        nxt = []
        for k in range(_HALVES):
            ha = ha_w[:, k * _COLS:(k + 1) * _COLS] + bias
            m = jax.lax.dot(ha, M, preferred_element_type=jnp.float32)
            q = jax.lax.dot(ha * ha, M, preferred_element_type=jnp.float32)
            o = jnp.maximum((ha - m) * lax.rsqrt(q - m * m + 1e-5) * g + b,
                            0.0)
            nxt.append(o if li == 0 else o + halves[k])
        halves = nxt
    out = jnp.concatenate(
        [jnp.mean(h, axis=0, keepdims=True) for h in halves], axis=1)
    out_ref[...] = out.reshape(1, 1, _WIDE)


def _tail_body(seq_ref, P_ref, w1_ref, b1_ref, w2_ref, b2_ref, out_ref):
    pooled = jax.lax.dot(P_ref[...], seq_ref[...],
                         preferred_element_type=jnp.float32)
    hm = jnp.maximum(jax.lax.dot(pooled, w1_ref[...],
                                 preferred_element_type=jnp.float32)
                     + b1_ref[...], 0.0)
    out_ref[...] = jax.lax.dot(hm, w2_ref[...],
                               preferred_element_type=jnp.float32) + b2_ref[...]


def _block_diag(W, k):
    n, m = W.shape
    out = jnp.zeros((k * n, k * m), W.dtype)
    for i in range(k):
        out = out.at[i * n:(i + 1) * n, i * m:(i + 1) * m].set(W)
    return out


def kernel(x, base_adj, base_edge_index, W_in, b_in, ln_in_g, ln_in_b,
           W_h0, b_h0, ln_h0_g, ln_h0_b, W_h1, b_h1, ln_h1_g, ln_h1_b,
           W_c1, b_c1, W_c2, b_c2):
    del base_adj
    src = base_edge_index[0]
    dst = base_edge_index[1]
    A = _build_adj_kernel()(src, dst).reshape(_N, _N)

    xt = jnp.transpose(x.reshape(_NG, _N, _H), (1, 0, 2)).reshape(_N, _NG * _H)

    wks = jnp.stack([_block_diag(W_in, _GPB), _block_diag(W_h0, _GPB),
                     _block_diag(W_h1, _GPB)])
    mavg = _block_diag(jnp.full((_H, _H), 1.0 / _H, jnp.float32), _GPB)
    vecs = jnp.zeros((16, _COLS), jnp.float32)
    for r_i, v in enumerate([b_in, ln_in_g, ln_in_b, b_h0, ln_h0_g, ln_h0_b,
                             b_h1, ln_h1_g, ln_h1_b]):
        vecs = vecs.at[r_i].set(jnp.tile(v, _GPB))

    seq = pl.pallas_call(
        _gcn_body,
        grid=(_STEPS,),
        in_specs=[
            pl.BlockSpec((_N, _WIDE), lambda i: (0, i)),
            pl.BlockSpec((_N, _N), lambda i: (0, 0)),
            pl.BlockSpec((3, _COLS, _COLS), lambda i: (0, 0, 0)),
            pl.BlockSpec((_COLS, _COLS), lambda i: (0, 0)),
            pl.BlockSpec((16, _COLS), lambda i: (0, 0)),
        ],
        out_specs=pl.BlockSpec((1, 1, _WIDE), lambda i: (i, 0, 0)),
        out_shape=jax.ShapeDtypeStruct((_STEPS, 1, _WIDE), jnp.float32),
        compiler_params=pltpu.CompilerParams(
            dimension_semantics=("arbitrary",)),
    )(xt, A, wks, mavg, vecs)

    seq = seq.reshape(_NG, _H)
    P = jnp.repeat(jnp.eye(8, dtype=jnp.float32), 8, axis=1) / 8.0
    logits = pl.pallas_call(
        _tail_body,
        out_shape=jax.ShapeDtypeStruct((8, 2), jnp.float32),
    )(seq, P, W_c1, b_c1.reshape(1, _H), W_c2, b_c2.reshape(1, 2))
    return logits

# --- scband reference (transcript-rebuilt; emitter-appended) ---
"""Pipeline reference for scband-graph-sequence-classifier-13219909337663 (READ-ONLY COPY).

The authoritative reference and input builder live on the scoring server;
editing this copy changes nothing except your own understanding.
"""

import jax, jax.numpy as jnp
import numpy as np

B, T, N, C, H, E = 8, 8, 1000, 64, 64, 16000


def layer_norm(x, g, b):
    m = jnp.mean(x, axis=-1, keepdims=True)
    v = jnp.mean((x - m) ** 2, axis=-1, keepdims=True)
    return (x - m) / jnp.sqrt(v + 1e-5) * g + b


def gcn_conv(x, src, dst, W, b, n):
    # PyG GCNConv semantics: self-loops already appended to (src, dst);
    # symmetric normalization D^-1/2 (A+I) D^-1/2, then linear + bias.
    deg = jnp.zeros((n,), x.dtype).at[dst].add(1.0)
    dinv = jnp.where(deg > 0, jax.lax.rsqrt(jnp.maximum(deg, 1e-12)), 0.0)
    norm = dinv[src] * dinv[dst]
    h = x @ W
    msg = h[src] * norm[:, None]
    out = jnp.zeros((n, W.shape[1]), x.dtype).at[dst].add(msg)
    return out + b


def setup_inputs(seed: int = 0) -> dict:
    key = jax.random.key(seed)
    ks = jax.random.split(key, 24)
    inp = {}
    inp["x"] = jax.random.normal(ks[0], (B, T, N, C), dtype=jnp.float32)
    inp["base_adj"] = jax.random.uniform(ks[1], (N, N), dtype=jnp.float32)
    inp["base_edge_index"] = jax.random.randint(ks[2], (2, E), 0, N, dtype=jnp.int32)
    s_in = 1.0 / np.sqrt(C)
    s_h = 1.0 / np.sqrt(H)
    inp["W_in"] = jax.random.normal(ks[3], (C, H), dtype=jnp.float32) * s_in
    inp["b_in"] = jnp.zeros((H,), jnp.float32)
    inp["ln_in_g"] = jnp.ones((H,), jnp.float32)
    inp["ln_in_b"] = jnp.zeros((H,), jnp.float32)
    inp["W_h0"] = jax.random.normal(ks[4], (H, H), dtype=jnp.float32) * s_h
    inp["b_h0"] = jnp.zeros((H,), jnp.float32)
    inp["ln_h0_g"] = jnp.ones((H,), jnp.float32)
    inp["ln_h0_b"] = jnp.zeros((H,), jnp.float32)
    inp["W_h1"] = jax.random.normal(ks[5], (H, H), dtype=jnp.float32) * s_h
    inp["b_h1"] = jnp.zeros((H,), jnp.float32)
    inp["ln_h1_g"] = jnp.ones((H,), jnp.float32)
    inp["ln_h1_b"] = jnp.zeros((H,), jnp.float32)
    inp["W_c1"] = jax.random.normal(ks[6], (H, H), dtype=jnp.float32) * s_h
    inp["b_c1"] = jnp.zeros((H,), jnp.float32)
    inp["W_c2"] = jax.random.normal(ks[7], (H, 2), dtype=jnp.float32) * s_h
    inp["b_c2"] = jnp.zeros((2,), jnp.float32)
    return inp


def reference(x, base_adj, base_edge_index, W_in, b_in, ln_in_g, ln_in_b,
              W_h0, b_h0, ln_h0_g, ln_h0_b, W_h1, b_h1, ln_h1_g, ln_h1_b,
              W_c1, b_c1, W_c2, b_c2):
    ng = B * T
    nt = ng * N
    flat = x.reshape(nt, C)
    # build_batched_edge_index
    off = jnp.repeat(jnp.arange(ng, dtype=jnp.int32), E) * N
    src = jnp.tile(base_edge_index[0], ng) + off
    dst = jnp.tile(base_edge_index[1], ng) + off
    loop = jnp.arange(nt, dtype=jnp.int32)
    src = jnp.concatenate([src, loop])
    dst = jnp.concatenate([dst, loop])
    # input conv (dropout is identity at eval)
    out = gcn_conv(flat, src, dst, W_in, b_in, nt)
    out = layer_norm(out, ln_in_g, ln_in_b)
    out = jax.nn.relu(out)
    # hidden convs with residual
    for (W, b, g, bb) in [(W_h0, b_h0, ln_h0_g, ln_h0_b), (W_h1, b_h1, ln_h1_g, ln_h1_b)]:
        res = out
        o = gcn_conv(out, src, dst, W, b, nt)
        o = layer_norm(o, g, bb)
        o = jax.nn.relu(o)
        out = o + res
    # encode_sequence: mean over nodes
    seq = out.reshape(B, T, N, H).mean(axis=2)
    # pool_sequence: temporal mean
    pooled = seq.mean(axis=1)
    h = jax.nn.relu(pooled @ W_c1 + b_c1)
    logits = h @ W_c2 + b_c2
    return logits

if __name__ == "__main__":
    import jax
    _d = setup_inputs()
    print(jax.jit(kernel)(*tuple(_d.values())))

</pallas_src>

<mosaic_0001>
#map = affine_map<(d0, d1) -> (0)>
module attributes {stable_mosaic.version = 14 : i64} {
  func.func @_adj_body(%arg0: i32, %arg1: i32, %arg2: memref<16000xi32, #tpu.memory_space<hbm>>, %arg3: memref<16000xi32, #tpu.memory_space<hbm>>, %arg4: memref<1000000xf32, #tpu.memory_space<hbm>>, %arg5: memref<16000xi32, #tpu.memory_space<vmem>>, %arg6: memref<16000xi32, #tpu.memory_space<vmem>>, %arg7: memref<1024xf32, #tpu.memory_space<vmem>>, %arg8: memref<1024xf32, #tpu.memory_space<vmem>>, %arg9: memref<1024xf32, #tpu.memory_space<vmem>>, %arg10: memref<64xf32, #tpu.memory_space<vmem>>, %arg11: memref<32000xf32, #tpu.memory_space<vmem>>, %arg12: memref<16384xf32, #tpu.memory_space<vmem_shared>>, %arg13: memref<1024xf32, #tpu.memory_space<vmem_shared>>) attributes {dimension_semantics = [#tpu.dimension_semantics<core_parallel>, #tpu.dimension_semantics<subcore_parallel>], iteration_bounds = array<i64: 2, 16>, scalar_prefetch = 0 : i64, scratch_operands = 9 : i64, tpu.core_type = #tpu.core_type<sc_vector_subcore>, window_params = [{transform_indices = #map}, {transform_indices = #map}, {transform_indices = #map}]} {
    %mul3A = arith.constant 2 : i32
    %mul3A_0 = arith.muli %arg1, %mul3A : i32
    %add3A = arith.addi %mul3A_0, %arg0 : i32
    %mul3A_1 = arith.constant 32 : i32
    %mul3A_2 = arith.muli %add3A, %mul3A_1 : i32
    "tpu.region"() ({
      %run_scoped3A = tpu.sem_alloc : memref<!tpu.dma_semaphore, #tpu.memory_space<semaphore_mem>>
      tpu.enqueue_dma source(%arg2 : memref<16000xi32, #tpu.memory_space<hbm>>) target(%arg5 : memref<16000xi32, #tpu.memory_space<vmem>>) target_semaphore(%run_scoped3A : memref<!tpu.dma_semaphore, #tpu.memory_space<semaphore_mem>>)
      tpu.wait_dma2 semaphore(%run_scoped3A : memref<!tpu.dma_semaphore, #tpu.memory_space<semaphore_mem>>) src(%arg2 : memref<16000xi32, #tpu.memory_space<hbm>>) dst(%arg5 : memref<16000xi32, #tpu.memory_space<vmem>>)
      tpu.yield
    }) : () -> ()
    "tpu.region"() ({
      %run_scoped3A = tpu.sem_alloc : memref<!tpu.dma_semaphore, #tpu.memory_space<semaphore_mem>>
      tpu.enqueue_dma source(%arg3 : memref<16000xi32, #tpu.memory_space<hbm>>) target(%arg6 : memref<16000xi32, #tpu.memory_space<vmem>>) target_semaphore(%run_scoped3A : memref<!tpu.dma_semaphore, #tpu.memory_space<semaphore_mem>>)
      tpu.wait_dma2 semaphore(%run_scoped3A : memref<!tpu.dma_semaphore, #tpu.memory_space<semaphore_mem>>) src(%arg3 : memref<16000xi32, #tpu.memory_space<hbm>>) dst(%arg6 : memref<16000xi32, #tpu.memory_space<vmem>>)
      tpu.yield
    }) : () -> ()
    %broadcast_in_dim3A = arith.constant 1.000000e+00 : f32
    %broadcast_in_dim3A_3 = vector.broadcast %broadcast_in_dim3A : f32 to vector<16xf32>
    %broadcast_in_dim3A_4 = arith.constant 0.000000e+00 : f32
    %broadcast_in_dim3A_5 = vector.broadcast %broadcast_in_dim3A_4 : f32 to vector<16xf32>
    %scan3A = arith.constant 0 : i32
    %scan3A_6 = arith.constant 0 : i32
    %scan3A_7 = arith.constant 64 : i32
    %scan3A_8 = arith.addi %scan3A_6, %scan3A_7 : i32
    %scan3A_9 = arith.constant 8 : i32
    scf.for %scan3A_542 = %scan3A_6 to %scan3A_8 step %scan3A_9  : i32 {
      %mul3A_543 = arith.constant 16 : i32
      %mul3A_544 = arith.muli %scan3A_542, %mul3A_543 : i32
      %swap3A_545 = arith.index_cast %mul3A_544 : i32 to index
      %swap3A_546 = tpu.vector_load %arg7[%swap3A_545] {strides = array<i32>} : memref<1024xf32, #tpu.memory_space<vmem>>, vector<16xf32>,
      tpu.vector_store %arg7[%swap3A_545], %broadcast_in_dim3A_5 {strides = array<i32>} : memref<1024xf32, #tpu.memory_space<vmem>>, vector<16xf32>,
      %scan3A_547 = arith.constant 1 : i32
      %scan3A_548 = arith.addi %scan3A_542, %scan3A_547 : i32
      %mul3A_549 = arith.constant 16 : i32
      %mul3A_550 = arith.muli %scan3A_548, %mul3A_549 : i32
      %swap3A_551 = arith.index_cast %mul3A_550 : i32 to index
      %swap3A_552 = tpu.vector_load %arg7[%swap3A_551] {strides = array<i32>} : memref<1024xf32, #tpu.memory_space<vmem>>, vector<16xf32>,
      tpu.vector_store %arg7[%swap3A_551], %broadcast_in_dim3A_5 {strides = array<i32>} : memref<1024xf32, #tpu.memory_space<vmem>>, vector<16xf32>,
      %scan3A_553 = arith.constant 2 : i32
      %scan3A_554 = arith.addi %scan3A_542, %scan3A_553 : i32
      %mul3A_555 = arith.constant 16 : i32
      %mul3A_556 = arith.muli %scan3A_554, %mul3A_555 : i32
      %swap3A_557 = arith.index_cast %mul3A_556 : i32 to index
      %swap3A_558 = tpu.vector_load %arg7[%swap3A_557] {strides = array<i32>} : memref<1024xf32, #tpu.memory_space<vmem>>, vector<16xf32>,
      tpu.vector_store %arg7[%swap3A_557], %broadcast_in_dim3A_5 {strides = array<i32>} : memref<1024xf32, #tpu.memory_space<vmem>>, vector<16xf32>,
      %scan3A_559 = arith.constant 3 : i32
      %scan3A_560 = arith.addi %scan3A_542, %scan3A_559 : i32
      %mul3A_561 = arith.constant 16 : i32
      %mul3A_562 = arith.muli %scan3A_560, %mul3A_561 : i32
      %swap3A_563 = arith.index_cast %mul3A_562 : i32 to index
      %swap3A_564 = tpu.vector_load %arg7[%swap3A_563] {strides = array<i32>} : memref<1024xf32, #tpu.memory_space<vmem>>, vector<16xf32>,
      tpu.vector_store %arg7[%swap3A_563], %broadcast_in_dim3A_5 {strides = array<i32>} : memref<1024xf32, #tpu.memory_space<vmem>>, vector<16xf32>,
      %scan3A_565 = arith.constant 4 : i32
      %scan3A_566 = arith.addi %scan3A_542, %scan3A_565 : i32
      %mul3A_567 = arith.constant 16 : i32
      %mul3A_568 = arith.muli %scan3A_566, %mul3A_567 : i32
      %swap3A_569 = arith.index_cast %mul3A_568 : i32 to index
      %swap3A_570 = tpu.vector_load %arg7[%swap3A_569] {strides = array<i32>} : memref<1024xf32, #tpu.memory_space<vmem>>, vector<16xf32>,
      tpu.vector_store %arg7[%swap3A_569], %broadcast_in_dim3A_5 {strides = array<i32>} : memref<1024xf32, #tpu.memory_space<vmem>>, vector<16xf32>,
      %scan3A_571 = arith.constant 5 : i32
      %scan3A_572 = arith.addi %scan3A_542, %scan3A_571 : i32
      %mul3A_573 = arith.constant 16 : i32
      %mul3A_574 = arith.muli %scan3A_572, %mul3A_573 : i32
      %swap3A_575 = arith.index_cast %mul3A_574 : i32 to index
      %swap3A_576 = tpu.vector_load %arg7[%swap3A_575] {strides = array<i32>} : memref<1024xf32, #tpu.memory_space<vmem>>, vector<16xf32>,
      tpu.vector_store %arg7[%swap3A_575], %broadcast_in_dim3A_5 {strides = array<i32>} : memref<1024xf32, #tpu.memory_space<vmem>>, vector<16xf32>,
      %scan3A_577 = arith.constant 6 : i32
      %scan3A_578 = arith.addi %scan3A_542, %scan3A_577 : i32
      %mul3A_579 = arith.constant 16 : i32
      %mul3A_580 = arith.muli %scan3A_578, %mul3A_579 : i32
      %swap3A_581 = arith.index_cast %mul3A_580 : i32 to index
      %swap3A_582 = tpu.vector_load %arg7[%swap3A_581] {strides = array<i32>} : memref<1024xf32, #tpu.memory_space<vmem>>, vector<16xf32>,
      tpu.vector_store %arg7[%swap3A_581], %broadcast_in_dim3A_5 {strides = array<i32>} : memref<1024xf32, #tpu.memory_space<vmem>>, vector<16xf32>,
      %scan3A_583 = arith.constant 7 : i32
      %scan3A_584 = arith.addi %scan3A_542, %scan3A_583 : i32
      %mul3A_585 = arith.constant 16 : i32
      %mul3A_586 = arith.muli %scan3A_584, %mul3A_585 : i32
      %swap3A_587 = arith.index_cast %mul3A_586 : i32 to index
      %swap3A_588 = tpu.vector_load %arg7[%swap3A_587] {strides = array<i32>} : memref<1024xf32, #tpu.memory_space<vmem>>, vector<16xf32>,
      tpu.vector_store %arg7[%swap3A_587], %broadcast_in_dim3A_5 {strides = array<i32>} : memref<1024xf32, #tpu.memory_space<vmem>>, vector<16xf32>,
    }
    %scan3A_10 = arith.constant 64 : i32
    %scan3A_11 = arith.constant 0 : i32
    %scan3A_12 = arith.constant 0 : i32
    %scan3A_13 = arith.constant 56 : i32
    %scan3A_14 = arith.addi %scan3A_12, %scan3A_13 : i32
    %scan3A_15 = arith.constant 8 : i32
    scf.for %scan3A_542 = %scan3A_12 to %scan3A_14 step %scan3A_15  : i32 {
      %mul3A_543 = arith.constant 63 : i32
      %mul3A_544 = arith.muli %arg1, %mul3A_543 : i32
      %add3A_545 = arith.addi %mul3A_544, %scan3A_542 : i32
      %lt3A_546 = arith.constant 1000 : i32
      %lt3A_547 = arith.cmpi slt, %add3A_545, %lt3A_546 : i32
      %convert_element_type3A_548 = arith.extui %lt3A_547 : i1 to i32
      %cond3A_549 = arith.constant 0 : i32
      %cond3A_550 = arith.cmpi ne, %convert_element_type3A_548, %cond3A_549 : i32
      scf.if %cond3A_550 {
        %mul3A_621 = arith.constant 16 : i32
        %mul3A_622 = arith.muli %add3A_545, %mul3A_621 : i32
        %get3A_623 = arith.index_cast %mul3A_622 : i32 to index
        %get3A_624 = tpu.vector_load %arg6[%get3A_623] {strides = array<i32>} : memref<16000xi32, #tpu.memory_space<vmem>>, vector<16xi32>,
        %broadcast_in_dim3A_625 = arith.constant true
        %broadcast_in_dim3A_626 = vector.broadcast %broadcast_in_dim3A_625 : i1 to vector<16xi1>
        %unique3A, %unique3A_627 = tpu.scan_count mask(%broadcast_in_dim3A_626 : vector<16xi1>) value(%get3A_624 : vector<16xi32>) : vector<16xi1>, vector<16xi32>
        %convert_element_type3A_628 = arith.sitofp %unique3A_627 : vector<16xi32> to vector<16xf32>
        tpu.vector_store_idx %arg7[%get3A_624], %convert_element_type3A_628 masked %unique3A {add = true} : memref<1024xf32, #tpu.memory_space<vmem>>[vector<16xi32>], vector<16xf32>, vector<16xi1>
      } else {
      }
      %scan3A_551 = arith.constant 1 : i32
      %scan3A_552 = arith.addi %scan3A_542, %scan3A_551 : i32
      %mul3A_553 = arith.constant 63 : i32
      %mul3A_554 = arith.muli %arg1, %mul3A_553 : i32
      %add3A_555 = arith.addi %mul3A_554, %scan3A_552 : i32
      %lt3A_556 = arith.constant 1000 : i32
      %lt3A_557 = arith.cmpi slt, %add3A_555, %lt3A_556 : i32
      %convert_element_type3A_558 = arith.extui %lt3A_557 : i1 to i32
      %cond3A_559 = arith.constant 0 : i32
      %cond3A_560 = arith.cmpi ne, %convert_element_type3A_558, %cond3A_559 : i32
      scf.if %cond3A_560 {
        %mul3A_621 = arith.constant 16 : i32
        %mul3A_622 = arith.muli %add3A_555, %mul3A_621 : i32
        %get3A_623 = arith.index_cast %mul3A_622 : i32 to index
        %get3A_624 = tpu.vector_load %arg6[%get3A_623] {strides = array<i32>} : memref<16000xi32, #tpu.memory_space<vmem>>, vector<16xi32>,
        %broadcast_in_dim3A_625 = arith.constant true
        %broadcast_in_dim3A_626 = vector.broadcast %broadcast_in_dim3A_625 : i1 to vector<16xi1>
        %unique3A, %unique3A_627 = tpu.scan_count mask(%broadcast_in_dim3A_626 : vector<16xi1>) value(%get3A_624 : vector<16xi32>) : vector<16xi1>, vector<16xi32>
        %convert_element_type3A_628 = arith.sitofp %unique3A_627 : vector<16xi32> to vector<16xf32>
        tpu.vector_store_idx %arg7[%get3A_624], %convert_element_type3A_628 masked %unique3A {add = true} : memref<1024xf32, #tpu.memory_space<vmem>>[vector<16xi32>], vector<16xf32>, vector<16xi1>
      } else {
      }
      %scan3A_561 = arith.constant 2 : i32
      %scan3A_562 = arith.addi %scan3A_542, %scan3A_561 : i32
      %mul3A_563 = arith.constant 63 : i32
      %mul3A_564 = arith.muli %arg1, %mul3A_563 : i32
      %add3A_565 = arith.addi %mul3A_564, %scan3A_562 : i32
      %lt3A_566 = arith.constant 1000 : i32
      %lt3A_567 = arith.cmpi slt, %add3A_565, %lt3A_566 : i32
      %convert_element_type3A_568 = arith.extui %lt3A_567 : i1 to i32
      %cond3A_569 = arith.constant 0 : i32
      %cond3A_570 = arith.cmpi ne, %convert_element_type3A_568, %cond3A_569 : i32
      scf.if %cond3A_570 {
        %mul3A_621 = arith.constant 16 : i32
        %mul3A_622 = arith.muli %add3A_565, %mul3A_621 : i32
        %get3A_623 = arith.index_cast %mul3A_622 : i32 to index
        %get3A_624 = tpu.vector_load %arg6[%get3A_623] {strides = array<i32>} : memref<16000xi32, #tpu.memory_space<vmem>>, vector<16xi32>,
        %broadcast_in_dim3A_625 = arith.constant true
        %broadcast_in_dim3A_626 = vector.broadcast %broadcast_in_dim3A_625 : i1 to vector<16xi1>
        %unique3A, %unique3A_627 = tpu.scan_count mask(%broadcast_in_dim3A_626 : vector<16xi1>) value(%get3A_624 : vector<16xi32>) : vector<16xi1>, vector<16xi32>
        %convert_element_type3A_628 = arith.sitofp %unique3A_627 : vector<16xi32> to vector<16xf32>
        tpu.vector_store_idx %arg7[%get3A_624], %convert_element_type3A_628 masked %unique3A {add = true} : memref<1024xf32, #tpu.memory_space<vmem>>[vector<16xi32>], vector<16xf32>, vector<16xi1>
      } else {
      }
      %scan3A_571 = arith.constant 3 : i32
      %scan3A_572 = arith.addi %scan3A_542, %scan3A_571 : i32
      %mul3A_573 = arith.constant 63 : i32
      %mul3A_574 = arith.muli %arg1, %mul3A_573 : i32
      %add3A_575 = arith.addi %mul3A_574, %scan3A_572 : i32
      %lt3A_576 = arith.constant 1000 : i32
      %lt3A_577 = arith.cmpi slt, %add3A_575, %lt3A_576 : i32
      %convert_element_type3A_578 = arith.extui %lt3A_577 : i1 to i32
      %cond3A_579 = arith.constant 0 : i32
      %cond3A_580 = arith.cmpi ne, %convert_element_type3A_578, %cond3A_579 : i32
      scf.if %cond3A_580 {
        %mul3A_621 = arith.constant 16 : i32
        %mul3A_622 = arith.muli %add3A_575, %mul3A_621 : i32
        %get3A_623 = arith.index_cast %mul3A_622 : i32 to index
        %get3A_624 = tpu.vector_load %arg6[%get3A_623] {strides = array<i32>} : memref<16000xi32, #tpu.memory_space<vmem>>, vector<16xi32>,
        %broadcast_in_dim3A_625 = arith.constant true
        %broadcast_in_dim3A_626 = vector.broadcast %broadcast_in_dim3A_625 : i1 to vector<16xi1>
        %unique3A, %unique3A_627 = tpu.scan_count mask(%broadcast_in_dim3A_626 : vector<16xi1>) value(%get3A_624 : vector<16xi32>) : vector<16xi1>, vector<16xi32>
        %convert_element_type3A_628 = arith.sitofp %unique3A_627 : vector<16xi32> to vector<16xf32>
        tpu.vector_store_idx %arg7[%get3A_624], %convert_element_type3A_628 masked %unique3A {add = true} : memref<1024xf32, #tpu.memory_space<vmem>>[vector<16xi32>], vector<16xf32>, vector<16xi1>
      } else {
      }
      %scan3A_581 = arith.constant 4 : i32
      %scan3A_582 = arith.addi %scan3A_542, %scan3A_581 : i32
      %mul3A_583 = arith.constant 63 : i32
      %mul3A_584 = arith.muli %arg1, %mul3A_583 : i32
      %add3A_585 = arith.addi %mul3A_584, %scan3A_582 : i32
      %lt3A_586 = arith.constant 1000 : i32
      %lt3A_587 = arith.cmpi slt, %add3A_585, %lt3A_586 : i32
      %convert_element_type3A_588 = arith.extui %lt3A_587 : i1 to i32
      %cond3A_589 = arith.constant 0 : i32
      %cond3A_590 = arith.cmpi ne, %convert_element_type3A_588, %cond3A_589 : i32
      scf.if %cond3A_590 {
        %mul3A_621 = arith.constant 16 : i32
        %mul3A_622 = arith.muli %add3A_585, %mul3A_621 : i32
        %get3A_623 = arith.index_cast %mul3A_622 : i32 to index
        %get3A_624 = tpu.vector_load %arg6[%get3A_623] {strides = array<i32>} : memref<16000xi32, #tpu.memory_space<vmem>>, vector<16xi32>,
        %broadcast_in_dim3A_625 = arith.constant true
        %broadcast_in_dim3A_626 = vector.broadcast %broadcast_in_dim3A_625 : i1 to vector<16xi1>
        %unique3A, %unique3A_627 = tpu.scan_count mask(%broadcast_in_dim3A_626 : vector<16xi1>) value(%get3A_624 : vector<16xi32>) : vector<16xi1>, vector<16xi32>
        %convert_element_type3A_628 = arith.sitofp %unique3A_627 : vector<16xi32> to vector<16xf32>
        tpu.vector_store_idx %arg7[%get3A_624], %convert_element_type3A_628 masked %unique3A {add = true} : memref<1024xf32, #tpu.memory_space<vmem>>[vector<16xi32>], vector<16xf32>, vector<16xi1>
      } else {
      }
      %scan3A_591 = arith.constant 5 : i32
      %scan3A_592 = arith.addi %scan3A_542, %scan3A_591 : i32
      %mul3A_593 = arith.constant 63 : i32
      %mul3A_594 = arith.muli %arg1, %mul3A_593 : i32
      %add3A_595 = arith.addi %mul3A_594, %scan3A_592 : i32
      %lt3A_596 = arith.constant 1000 : i32
      %lt3A_597 = arith.cmpi slt, %add3A_595, %lt3A_596 : i32
      %convert_element_type3A_598 = arith.extui %lt3A_597 : i1 to i32
      %cond3A_599 = arith.constant 0 : i32
      %cond3A_600 = arith.cmpi ne, %convert_element_type3A_598, %cond3A_599 : i32
      scf.if %cond3A_600 {
        %mul3A_621 = arith.constant 16 : i32
        %mul3A_622 = arith.muli %add3A_595, %mul3A_621 : i32
        %get3A_623 = arith.index_cast %mul3A_622 : i32 to index
        %get3A_624 = tpu.vector_load %arg6[%get3A_623] {strides = array<i32>} : memref<16000xi32, #tpu.memory_space<vmem>>, vector<16xi32>,
        %broadcast_in_dim3A_625 = arith.constant true
        %broadcast_in_dim3A_626 = vector.broadcast %broadcast_in_dim3A_625 : i1 to vector<16xi1>
        %unique3A, %unique3A_627 = tpu.scan_count mask(%broadcast_in_dim3A_626 : vector<16xi1>) value(%get3A_624 : vector<16xi32>) : vector<16xi1>, vector<16xi32>
        %convert_element_type3A_628 = arith.sitofp %unique3A_627 : vector<16xi32> to vector<16xf32>
        tpu.vector_store_idx %arg7[%get3A_624], %convert_element_type3A_628 masked %unique3A {add = true} : memref<1024xf32, #tpu.memory_space<vmem>>[vector<16xi32>], vector<16xf32>, vector<16xi1>
      } else {
      }
      %scan3A_601 = arith.constant 6 : i32
      %scan3A_602 = arith.addi %scan3A_542, %scan3A_601 : i32
      %mul3A_603 = arith.constant 63 : i32
      %mul3A_604 = arith.muli %arg1, %mul3A_603 : i32
      %add3A_605 = arith.addi %mul3A_604, %scan3A_602 : i32
      %lt3A_606 = arith.constant 1000 : i32
      %lt3A_607 = arith.cmpi slt, %add3A_605, %lt3A_606 : i32
      %convert_element_type3A_608 = arith.extui %lt3A_607 : i1 to i32
      %cond3A_609 = arith.constant 0 : i32
      %cond3A_610 = arith.cmpi ne, %convert_element_type3A_608, %cond3A_609 : i32
      scf.if %cond3A_610 {
        %mul3A_621 = arith.constant 16 : i32
        %mul3A_622 = arith.muli %add3A_605, %mul3A_621 : i32
        %get3A_623 = arith.index_cast %mul3A_622 : i32 to index
        %get3A_624 = tpu.vector_load %arg6[%get3A_623] {strides = array<i32>} : memref<16000xi32, #tpu.memory_space<vmem>>, vector<16xi32>,
        %broadcast_in_dim3A_625 = arith.constant true
        %broadcast_in_dim3A_626 = vector.broadcast %broadcast_in_dim3A_625 : i1 to vector<16xi1>
        %unique3A, %unique3A_627 = tpu.scan_count mask(%broadcast_in_dim3A_626 : vector<16xi1>) value(%get3A_624 : vector<16xi32>) : vector<16xi1>, vector<16xi32>
        %convert_element_type3A_628 = arith.sitofp %unique3A_627 : vector<16xi32> to vector<16xf32>
        tpu.vector_store_idx %arg7[%get3A_624], %convert_element_type3A_628 masked %unique3A {add = true} : memref<1024xf32, #tpu.memory_space<vmem>>[vector<16xi32>], vector<16xf32>, vector<16xi1>
      } else {
      }
      %scan3A_611 = arith.constant 7 : i32
      %scan3A_612 = arith.addi %scan3A_542, %scan3A_611 : i32
      %mul3A_613 = arith.constant 63 : i32
      %mul3A_614 = arith.muli %arg1, %mul3A_613 : i32
      %add3A_615 = arith.addi %mul3A_614, %scan3A_612 : i32
      %lt3A_616 = arith.constant 1000 : i32
      %lt3A_617 = arith.cmpi slt, %add3A_615, %lt3A_616 : i32
      %convert_element_type3A_618 = arith.extui %lt3A_617 : i1 to i32
      %cond3A_619 = arith.constant 0 : i32
      %cond3A_620 = arith.cmpi ne, %convert_element_type3A_618, %cond3A_619 : i32
      scf.if %cond3A_620 {
        %mul3A_621 = arith.constant 16 : i32
        %mul3A_622 = arith.muli %add3A_615, %mul3A_621 : i32
        %get3A_623 = arith.index_cast %mul3A_622 : i32 to index
        %get3A_624 = tpu.vector_load %arg6[%get3A_623] {strides = array<i32>} : memref<16000xi32, #tpu.memory_space<vmem>>, vector<16xi32>,
        %broadcast_in_dim3A_625 = arith.constant true
        %broadcast_in_dim3A_626 = vector.broadcast %broadcast_in_dim3A_625 : i1 to vector<16xi1>
        %unique3A, %unique3A_627 = tpu.scan_count mask(%broadcast_in_dim3A_626 : vector<16xi1>) value(%get3A_624 : vector<16xi32>) : vector<16xi1>, vector<16xi32>
        %convert_element_type3A_628 = arith.sitofp %unique3A_627 : vector<16xi32> to vector<16xf32>
        tpu.vector_store_idx %arg7[%get3A_624], %convert_element_type3A_628 masked %unique3A {add = true} : memref<1024xf32, #tpu.memory_space<vmem>>[vector<16xi32>], vector<16xf32>, vector<16xi1>
      } else {
      }
    }
    %scan3A_16 = arith.constant 56 : i32
    %scan3A_17 = arith.addi %scan3A_12, %scan3A_16 : i32
    %mul3A_18 = arith.constant 63 : i32
    %mul3A_19 = arith.muli %arg1, %mul3A_18 : i32
    %add3A_20 = arith.addi %mul3A_19, %scan3A_17 : i32
    %lt3A = arith.constant 1000 : i32
    %lt3A_21 = arith.cmpi slt, %add3A_20, %lt3A : i32
    %convert_element_type3A = arith.extui %lt3A_21 : i1 to i32
    %cond3A = arith.constant 0 : i32
    %cond3A_22 = arith.cmpi ne, %convert_element_type3A, %cond3A : i32
    scf.if %cond3A_22 {
      %mul3A_542 = arith.constant 16 : i32
      %mul3A_543 = arith.muli %add3A_20, %mul3A_542 : i32
      %get3A_544 = arith.index_cast %mul3A_543 : i32 to index
      %get3A_545 = tpu.vector_load %arg6[%get3A_544] {strides = array<i32>} : memref<16000xi32, #tpu.memory_space<vmem>>, vector<16xi32>,
      %broadcast_in_dim3A_546 = arith.constant true
      %broadcast_in_dim3A_547 = vector.broadcast %broadcast_in_dim3A_546 : i1 to vector<16xi1>
      %unique3A, %unique3A_548 = tpu.scan_count mask(%broadcast_in_dim3A_547 : vector<16xi1>) value(%get3A_545 : vector<16xi32>) : vector<16xi1>, vector<16xi32>
      %convert_element_type3A_549 = arith.sitofp %unique3A_548 : vector<16xi32> to vector<16xf32>
      tpu.vector_store_idx %arg7[%get3A_545], %convert_element_type3A_549 masked %unique3A {add = true} : memref<1024xf32, #tpu.memory_space<vmem>>[vector<16xi32>], vector<16xf32>, vector<16xi1>
    } else {
    }
    %scan3A_23 = arith.constant 57 : i32
    %scan3A_24 = arith.addi %scan3A_12, %scan3A_23 : i32
    %mul3A_25 = arith.constant 63 : i32
    %mul3A_26 = arith.muli %arg1, %mul3A_25 : i32
    %add3A_27 = arith.addi %mul3A_26, %scan3A_24 : i32
    %lt3A_28 = arith.constant 1000 : i32
    %lt3A_29 = arith.cmpi slt, %add3A_27, %lt3A_28 : i32
    %convert_element_type3A_30 = arith.extui %lt3A_29 : i1 to i32
    %cond3A_31 = arith.constant 0 : i32
    %cond3A_32 = arith.cmpi ne, %convert_element_type3A_30, %cond3A_31 : i32
    scf.if %cond3A_32 {
      %mul3A_542 = arith.constant 16 : i32
      %mul3A_543 = arith.muli %add3A_27, %mul3A_542 : i32
      %get3A_544 = arith.index_cast %mul3A_543 : i32 to index
      %get3A_545 = tpu.vector_load %arg6[%get3A_544] {strides = array<i32>} : memref<16000xi32, #tpu.memory_space<vmem>>, vector<16xi32>,
      %broadcast_in_dim3A_546 = arith.constant true
      %broadcast_in_dim3A_547 = vector.broadcast %broadcast_in_dim3A_546 : i1 to vector<16xi1>
      %unique3A, %unique3A_548 = tpu.scan_count mask(%broadcast_in_dim3A_547 : vector<16xi1>) value(%get3A_545 : vector<16xi32>) : vector<16xi1>, vector<16xi32>
      %convert_element_type3A_549 = arith.sitofp %unique3A_548 : vector<16xi32> to vector<16xf32>
      tpu.vector_store_idx %arg7[%get3A_545], %convert_element_type3A_549 masked %unique3A {add = true} : memref<1024xf32, #tpu.memory_space<vmem>>[vector<16xi32>], vector<16xf32>, vector<16xi1>
    } else {
    }
    %scan3A_33 = arith.constant 58 : i32
    %scan3A_34 = arith.addi %scan3A_12, %scan3A_33 : i32
    %mul3A_35 = arith.constant 63 : i32
    %mul3A_36 = arith.muli %arg1, %mul3A_35 : i32
    %add3A_37 = arith.addi %mul3A_36, %scan3A_34 : i32
    %lt3A_38 = arith.constant 1000 : i32
    %lt3A_39 = arith.cmpi slt, %add3A_37, %lt3A_38 : i32
    %convert_element_type3A_40 = arith.extui %lt3A_39 : i1 to i32
    %cond3A_41 = arith.constant 0 : i32
    %cond3A_42 = arith.cmpi ne, %convert_element_type3A_40, %cond3A_41 : i32
    scf.if %cond3A_42 {
      %mul3A_542 = arith.constant 16 : i32
      %mul3A_543 = arith.muli %add3A_37, %mul3A_542 : i32
      %get3A_544 = arith.index_cast %mul3A_543 : i32 to index
      %get3A_545 = tpu.vector_load %arg6[%get3A_544] {strides = array<i32>} : memref<16000xi32, #tpu.memory_space<vmem>>, vector<16xi32>,
      %broadcast_in_dim3A_546 = arith.constant true
      %broadcast_in_dim3A_547 = vector.broadcast %broadcast_in_dim3A_546 : i1 to vector<16xi1>
      %unique3A, %unique3A_548 = tpu.scan_count mask(%broadcast_in_dim3A_547 : vector<16xi1>) value(%get3A_545 : vector<16xi32>) : vector<16xi1>, vector<16xi32>
      %convert_element_type3A_549 = arith.sitofp %unique3A_548 : vector<16xi32> to vector<16xf32>
      tpu.vector_store_idx %arg7[%get3A_545], %convert_element_type3A_549 masked %unique3A {add = true} : memref<1024xf32, #tpu.memory_space<vmem>>[vector<16xi32>], vector<16xf32>, vector<16xi1>
    } else {
    }
    %scan3A_43 = arith.constant 59 : i32
    %scan3A_44 = arith.addi %scan3A_12, %scan3A_43 : i32
    %mul3A_45 = arith.constant 63 : i32
    %mul3A_46 = arith.muli %arg1, %mul3A_45 : i32
    %add3A_47 = arith.addi %mul3A_46, %scan3A_44 : i32
    %lt3A_48 = arith.constant 1000 : i32
    %lt3A_49 = arith.cmpi slt, %add3A_47, %lt3A_48 : i32
    %convert_element_type3A_50 = arith.extui %lt3A_49 : i1 to i32
    %cond3A_51 = arith.constant 0 : i32
    %cond3A_52 = arith.cmpi ne, %convert_element_type3A_50, %cond3A_51 : i32
    scf.if %cond3A_52 {
      %mul3A_542 = arith.constant 16 : i32
      %mul3A_543 = arith.muli %add3A_47, %mul3A_542 : i32
      %get3A_544 = arith.index_cast %mul3A_543 : i32 to index
      %get3A_545 = tpu.vector_load %arg6[%get3A_544] {strides = array<i32>} : memref<16000xi32, #tpu.memory_space<vmem>>, vector<16xi32>,
      %broadcast_in_dim3A_546 = arith.constant true
      %broadcast_in_dim3A_547 = vector.broadcast %broadcast_in_dim3A_546 : i1 to vector<16xi1>
      %unique3A, %unique3A_548 = tpu.scan_count mask(%broadcast_in_dim3A_547 : vector<16xi1>) value(%get3A_545 : vector<16xi32>) : vector<16xi1>, vector<16xi32>
      %convert_element_type3A_549 = arith.sitofp %unique3A_548 : vector<16xi32> to vector<16xf32>
      tpu.vector_store_idx %arg7[%get3A_545], %convert_element_type3A_549 masked %unique3A {add = true} : memref<1024xf32, #tpu.memory_space<vmem>>[vector<16xi32>], vector<16xf32>, vector<16xi1>
    } else {
    }
    %scan3A_53 = arith.constant 60 : i32
    %scan3A_54 = arith.addi %scan3A_12, %scan3A_53 : i32
    %mul3A_55 = arith.constant 63 : i32
    %mul3A_56 = arith.muli %arg1, %mul3A_55 : i32
    %add3A_57 = arith.addi %mul3A_56, %scan3A_54 : i32
    %lt3A_58 = arith.constant 1000 : i32
    %lt3A_59 = arith.cmpi slt, %add3A_57, %lt3A_58 : i32
    %convert_element_type3A_60 = arith.extui %lt3A_59 : i1 to i32
    %cond3A_61 = arith.constant 0 : i32
    %cond3A_62 = arith.cmpi ne, %convert_element_type3A_60, %cond3A_61 : i32
    scf.if %cond3A_62 {
      %mul3A_542 = arith.constant 16 : i32
      %mul3A_543 = arith.muli %add3A_57, %mul3A_542 : i32
      %get3A_544 = arith.index_cast %mul3A_543 : i32 to index
      %get3A_545 = tpu.vector_load %arg6[%get3A_544] {strides = array<i32>} : memref<16000xi32, #tpu.memory_space<vmem>>, vector<16xi32>,
      %broadcast_in_dim3A_546 = arith.constant true
      %broadcast_in_dim3A_547 = vector.broadcast %broadcast_in_dim3A_546 : i1 to vector<16xi1>
      %unique3A, %unique3A_548 = tpu.scan_count mask(%broadcast_in_dim3A_547 : vector<16xi1>) value(%get3A_545 : vector<16xi32>) : vector<16xi1>, vector<16xi32>
      %convert_element_type3A_549 = arith.sitofp %unique3A_548 : vector<16xi32> to vector<16xf32>
      tpu.vector_store_idx %arg7[%get3A_545], %convert_element_type3A_549 masked %unique3A {add = true} : memref<1024xf32, #tpu.memory_space<vmem>>[vector<16xi32>], vector<16xf32>, vector<16xi1>
    } else {
    }
    %scan3A_63 = arith.constant 61 : i32
    %scan3A_64 = arith.addi %scan3A_12, %scan3A_63 : i32
    %mul3A_65 = arith.constant 63 : i32
    %mul3A_66 = arith.muli %arg1, %mul3A_65 : i32
    %add3A_67 = arith.addi %mul3A_66, %scan3A_64 : i32
    %lt3A_68 = arith.constant 1000 : i32
    %lt3A_69 = arith.cmpi slt, %add3A_67, %lt3A_68 : i32
    %convert_element_type3A_70 = arith.extui %lt3A_69 : i1 to i32
    %cond3A_71 = arith.constant 0 : i32
    %cond3A_72 = arith.cmpi ne, %convert_element_type3A_70, %cond3A_71 : i32
    scf.if %cond3A_72 {
      %mul3A_542 = arith.constant 16 : i32
      %mul3A_543 = arith.muli %add3A_67, %mul3A_542 : i32
      %get3A_544 = arith.index_cast %mul3A_543 : i32 to index
      %get3A_545 = tpu.vector_load %arg6[%get3A_544] {strides = array<i32>} : memref<16000xi32, #tpu.memory_space<vmem>>, vector<16xi32>,
      %broadcast_in_dim3A_546 = arith.constant true
      %broadcast_in_dim3A_547 = vector.broadcast %broadcast_in_dim3A_546 : i1 to vector<16xi1>
      %unique3A, %unique3A_548 = tpu.scan_count mask(%broadcast_in_dim3A_547 : vector<16xi1>) value(%get3A_545 : vector<16xi32>) : vector<16xi1>, vector<16xi32>
      %convert_element_type3A_549 = arith.sitofp %unique3A_548 : vector<16xi32> to vector<16xf32>
      tpu.vector_store_idx %arg7[%get3A_545], %convert_element_type3A_549 masked %unique3A {add = true} : memref<1024xf32, #tpu.memory_space<vmem>>[vector<16xi32>], vector<16xf32>, vector<16xi1>
    } else {
    }
    %scan3A_73 = arith.constant 62 : i32
    %scan3A_74 = arith.addi %scan3A_12, %scan3A_73 : i32
    %mul3A_75 = arith.constant 63 : i32
    %mul3A_76 = arith.muli %arg1, %mul3A_75 : i32
    %add3A_77 = arith.addi %mul3A_76, %scan3A_74 : i32
    %lt3A_78 = arith.constant 1000 : i32
    %lt3A_79 = arith.cmpi slt, %add3A_77, %lt3A_78 : i32
    %convert_element_type3A_80 = arith.extui %lt3A_79 : i1 to i32
    %cond3A_81 = arith.constant 0 : i32
    %cond3A_82 = arith.cmpi ne, %convert_element_type3A_80, %cond3A_81 : i32
    scf.if %cond3A_82 {
      %mul3A_542 = arith.constant 16 : i32
      %mul3A_543 = arith.muli %add3A_77, %mul3A_542 : i32
      %get3A_544 = arith.index_cast %mul3A_543 : i32 to index
      %get3A_545 = tpu.vector_load %arg6[%get3A_544] {strides = array<i32>} : memref<16000xi32, #tpu.memory_space<vmem>>, vector<16xi32>,
      %broadcast_in_dim3A_546 = arith.constant true
      %broadcast_in_dim3A_547 = vector.broadcast %broadcast_in_dim3A_546 : i1 to vector<16xi1>
      %unique3A, %unique3A_548 = tpu.scan_count mask(%broadcast_in_dim3A_547 : vector<16xi1>) value(%get3A_545 : vector<16xi32>) : vector<16xi1>, vector<16xi32>
      %convert_element_type3A_549 = arith.sitofp %unique3A_548 : vector<16xi32> to vector<16xf32>
      tpu.vector_store_idx %arg7[%get3A_545], %convert_element_type3A_549 masked %unique3A {add = true} : memref<1024xf32, #tpu.memory_space<vmem>>[vector<16xi32>], vector<16xf32>, vector<16xi1>
    } else {
    }
    %scan3A_83 = arith.constant 63 : i32
    %mul3A_84 = arith.constant 1024 : i32
    %mul3A_85 = arith.muli %arg1, %mul3A_84 : i32
    "tpu.region"() ({
      %run_scoped3A = tpu.sem_alloc : memref<!tpu.dma_semaphore, #tpu.memory_space<semaphore_mem>>
      %dma_start3A = tpu.memref_slice %arg12[%mul3A_85] : memref<16384xf32, #tpu.memory_space<vmem_shared>> -> memref<1024xf32, #tpu.memory_space<vmem_shared>>
      %dma_start3A_542 = tpu.memref_slice %arg12[%mul3A_85] : memref<16384xf32, #tpu.memory_space<vmem_shared>> -> memref<1024xf32, #tpu.memory_space<vmem_shared>>
      tpu.enqueue_dma source(%arg7 : memref<1024xf32, #tpu.memory_space<vmem>>) target(%dma_start3A_542 : memref<1024xf32, #tpu.memory_space<vmem_shared>>) target_semaphore(%run_scoped3A : memref<!tpu.dma_semaphore, #tpu.memory_space<semaphore_mem>>)
      %dma_wait3A = tpu.memref_slice %arg12[%mul3A_85] : memref<16384xf32, #tpu.memory_space<vmem_shared>> -> memref<1024xf32, #tpu.memory_space<vmem_shared>>
      %dma_wait3A_543 = tpu.memref_slice %arg12[%mul3A_85] : memref<16384xf32, #tpu.memory_space<vmem_shared>> -> memref<1024xf32, #tpu.memory_space<vmem_shared>>
      tpu.wait_dma2 semaphore(%run_scoped3A : memref<!tpu.dma_semaphore, #tpu.memory_space<semaphore_mem>>) src(%arg7 : memref<1024xf32, #tpu.memory_space<vmem>>) dst(%dma_wait3A_543 : memref<1024xf32, #tpu.memory_space<vmem_shared>>)
      tpu.yield
    }) : () -> ()
    %barrier3A = arith.constant 0 : index
    tpu.barrier barrier_id(%barrier3A)
    %mul3A_86 = arith.constant 64 : i32
    %mul3A_87 = arith.muli %arg1, %mul3A_86 : i32
    %add3A_88 = arith.constant 0 : i32
    %add3A_89 = arith.addi %add3A_88, %mul3A_87 : i32
    "tpu.region"() ({
      %run_scoped3A = tpu.sem_alloc : memref<!tpu.dma_semaphore, #tpu.memory_space<semaphore_mem>>
      %dma_start3A = arith.constant 0 : i32
      %dma_start3A_542 = tpu.memref_slice %arg8[%dma_start3A] : memref<1024xf32, #tpu.memory_space<vmem>> -> memref<64xf32, #tpu.memory_space<vmem>>
      %dma_start3A_543 = tpu.memref_slice %arg12[%add3A_89] : memref<16384xf32, #tpu.memory_space<vmem_shared>> -> memref<64xf32, #tpu.memory_space<vmem_shared>>
      %dma_start3A_544 = arith.constant 0 : i32
      %dma_start3A_545 = tpu.memref_slice %arg8[%dma_start3A_544] : memref<1024xf32, #tpu.memory_space<vmem>> -> memref<64xf32, #tpu.memory_space<vmem>>
      %dma_start3A_546 = tpu.memref_slice %arg12[%add3A_89] : memref<16384xf32, #tpu.memory_space<vmem_shared>> -> memref<64xf32, #tpu.memory_space<vmem_shared>>
      tpu.enqueue_dma source(%dma_start3A_546 : memref<64xf32, #tpu.memory_space<vmem_shared>>) target(%dma_start3A_545 : memref<64xf32, #tpu.memory_space<vmem>>) target_semaphore(%run_scoped3A : memref<!tpu.dma_semaphore, #tpu.memory_space<semaphore_mem>>)
      %dma_wait3A = arith.constant 0 : i32
      %dma_wait3A_547 = tpu.memref_slice %arg8[%dma_wait3A] : memref<1024xf32, #tpu.memory_space<vmem>> -> memref<64xf32, #tpu.memory_space<vmem>>
      %dma_wait3A_548 = tpu.memref_slice %arg12[%add3A_89] : memref<16384xf32, #tpu.memory_space<vmem_shared>> -> memref<64xf32, #tpu.memory_space<vmem_shared>>
      %dma_wait3A_549 = arith.constant 0 : i32
      %dma_wait3A_550 = tpu.memref_slice %arg8[%dma_wait3A_549] : memref<1024xf32, #tpu.memory_space<vmem>> -> memref<64xf32, #tpu.memory_space<vmem>>
      %dma_wait3A_551 = tpu.memref_slice %arg12[%add3A_89] : memref<16384xf32, #tpu.memory_space<vmem_shared>> -> memref<64xf32, #tpu.memory_space<vmem_shared>>
      tpu.wait_dma2 semaphore(%run_scoped3A : memref<!tpu.dma_semaphore, #tpu.memory_space<semaphore_mem>>) src(%dma_wait3A_551 : memref<64xf32, #tpu.memory_space<vmem_shared>>) dst(%dma_wait3A_550 : memref<64xf32, #tpu.memory_space<vmem>>)
      tpu.yield
    }) : () -> ()
    %mul3A_90 = arith.constant 64 : i32
    %mul3A_91 = arith.muli %arg1, %mul3A_90 : i32
    %add3A_92 = arith.constant 1024 : i32
    %add3A_93 = arith.addi %add3A_92, %mul3A_91 : i32
    "tpu.region"() ({
      %run_scoped3A = tpu.sem_alloc : memref<!tpu.dma_semaphore, #tpu.memory_space<semaphore_mem>>
      %dma_start3A = arith.constant 64 : i32
      %dma_start3A_542 = tpu.memref_slice %arg8[%dma_start3A] : memref<1024xf32, #tpu.memory_space<vmem>> -> memref<64xf32, #tpu.memory_space<vmem>>
      %dma_start3A_543 = tpu.memref_slice %arg12[%add3A_93] : memref<16384xf32, #tpu.memory_space<vmem_shared>> -> memref<64xf32, #tpu.memory_space<vmem_shared>>
      %dma_start3A_544 = arith.constant 64 : i32
      %dma_start3A_545 = tpu.memref_slice %arg8[%dma_start3A_544] : memref<1024xf32, #tpu.memory_space<vmem>> -> memref<64xf32, #tpu.memory_space<vmem>>
      %dma_start3A_546 = tpu.memref_slice %arg12[%add3A_93] : memref<16384xf32, #tpu.memory_space<vmem_shared>> -> memref<64xf32, #tpu.memory_space<vmem_shared>>
      tpu.enqueue_dma source(%dma_start3A_546 : memref<64xf32, #tpu.memory_space<vmem_shared>>) target(%dma_start3A_545 : memref<64xf32, #tpu.memory_space<vmem>>) target_semaphore(%run_scoped3A : memref<!tpu.dma_semaphore, #tpu.memory_space<semaphore_mem>>)
      %dma_wait3A = arith.constant 64 : i32
      %dma_wait3A_547 = tpu.memref_slice %arg8[%dma_wait3A] : memref<1024xf32, #tpu.memory_space<vmem>> -> memref<64xf32, #tpu.memory_space<vmem>>
      %dma_wait3A_548 = tpu.memref_slice %arg12[%add3A_93] : memref<16384xf32, #tpu.memory_space<vmem_shared>> -> memref<64xf32, #tpu.memory_space<vmem_shared>>
      %dma_wait3A_549 = arith.constant 64 : i32
      %dma_wait3A_550 = tpu.memref_slice %arg8[%dma_wait3A_549] : memref<1024xf32, #tpu.memory_space<vmem>> -> memref<64xf32, #tpu.memory_space<vmem>>
      %dma_wait3A_551 = tpu.memref_slice %arg12[%add3A_93] : memref<16384xf32, #tpu.memory_space<vmem_shared>> -> memref<64xf32, #tpu.memory_space<vmem_shared>>
      tpu.wait_dma2 semaphore(%run_scoped3A : memref<!tpu.dma_semaphore, #tpu.memory_space<semaphore_mem>>) src(%dma_wait3A_551 : memref<64xf32, #tpu.memory_space<vmem_shared>>) dst(%dma_wait3A_550 : memref<64xf32, #tpu.memory_space<vmem>>)
      tpu.yield
    }) : () -> ()
    %mul3A_94 = arith.constant 64 : i32
    %mul3A_95 = arith.muli %arg1, %mul3A_94 : i32
    %add3A_96 = arith.constant 2048 : i32
    %add3A_97 = arith.addi %add3A_96, %mul3A_95 : i32
    "tpu.region"() ({
      %run_scoped3A = tpu.sem_alloc : memref<!tpu.dma_semaphore, #tpu.memory_space<semaphore_mem>>
      %dma_start3A = arith.constant 128 : i32
      %dma_start3A_542 = tpu.memref_slice %arg8[%dma_start3A] : memref<1024xf32, #tpu.memory_space<vmem>> -> memref<64xf32, #tpu.memory_space<vmem>>
      %dma_start3A_543 = tpu.memref_slice %arg12[%add3A_97] : memref<16384xf32, #tpu.memory_space<vmem_shared>> -> memref<64xf32, #tpu.memory_space<vmem_shared>>
      %dma_start3A_544 = arith.constant 128 : i32
      %dma_start3A_545 = tpu.memref_slice %arg8[%dma_start3A_544] : memref<1024xf32, #tpu.memory_space<vmem>> -> memref<64xf32, #tpu.memory_space<vmem>>
      %dma_start3A_546 = tpu.memref_slice %arg12[%add3A_97] : memref<16384xf32, #tpu.memory_space<vmem_shared>> -> memref<64xf32, #tpu.memory_space<vmem_shared>>
      tpu.enqueue_dma source(%dma_start3A_546 : memref<64xf32, #tpu.memory_space<vmem_shared>>) target(%dma_start3A_545 : memref<64xf32, #tpu.memory_space<vmem>>) target_semaphore(%run_scoped3A : memref<!tpu.dma_semaphore, #tpu.memory_space<semaphore_mem>>)
      %dma_wait3A = arith.constant 128 : i32
      %dma_wait3A_547 = tpu.memref_slice %arg8[%dma_wait3A] : memref<1024xf32, #tpu.memory_space<vmem>> -> memref<64xf32, #tpu.memory_space<vmem>>
      %dma_wait3A_548 = tpu.memref_slice %arg12[%add3A_97] : memref<16384xf32, #tpu.memory_space<vmem_shared>> -> memref<64xf32, #tpu.memory_space<vmem_shared>>
      %dma_wait3A_549 = arith.constant 128 : i32
      %dma_wait3A_550 = tpu.memref_slice %arg8[%dma_wait3A_549] : memref<1024xf32, #tpu.memory_space<vmem>> -> memref<64xf32, #tpu.memory_space<vmem>>
      %dma_wait3A_551 = tpu.memref_slice %arg12[%add3A_97] : memref<16384xf32, #tpu.memory_space<vmem_shared>> -> memref<64xf32, #tpu.memory_space<vmem_shared>>
      tpu.wait_dma2 semaphore(%run_scoped3A : memref<!tpu.dma_semaphore, #tpu.memory_space<semaphore_mem>>) src(%dma_wait3A_551 : memref<64xf32, #tpu.memory_space<vmem_shared>>) dst(%dma_wait3A_550 : memref<64xf32, #tpu.memory_space<vmem>>)
      tpu.yield
    }) : () -> ()
    %mul3A_98 = arith.constant 64 : i32
    %mul3A_99 = arith.muli %arg1, %mul3A_98 : i32
    %add3A_100 = arith.constant 3072 : i32
    %add3A_101 = arith.addi %add3A_100, %mul3A_99 : i32
    "tpu.region"() ({
      %run_scoped3A = tpu.sem_alloc : memref<!tpu.dma_semaphore, #tpu.memory_space<semaphore_mem>>
      %dma_start3A = arith.constant 192 : i32
      %dma_start3A_542 = tpu.memref_slice %arg8[%dma_start3A] : memref<1024xf32, #tpu.memory_space<vmem>> -> memref<64xf32, #tpu.memory_space<vmem>>
      %dma_start3A_543 = tpu.memref_slice %arg12[%add3A_101] : memref<16384xf32, #tpu.memory_space<vmem_shared>> -> memref<64xf32, #tpu.memory_space<vmem_shared>>
      %dma_start3A_544 = arith.constant 192 : i32
      %dma_start3A_545 = tpu.memref_slice %arg8[%dma_start3A_544] : memref<1024xf32, #tpu.memory_space<vmem>> -> memref<64xf32, #tpu.memory_space<vmem>>
      %dma_start3A_546 = tpu.memref_slice %arg12[%add3A_101] : memref<16384xf32, #tpu.memory_space<vmem_shared>> -> memref<64xf32, #tpu.memory_space<vmem_shared>>
      tpu.enqueue_dma source(%dma_start3A_546 : memref<64xf32, #tpu.memory_space<vmem_shared>>) target(%dma_start3A_545 : memref<64xf32, #tpu.memory_space<vmem>>) target_semaphore(%run_scoped3A : memref<!tpu.dma_semaphore, #tpu.memory_space<semaphore_mem>>)
      %dma_wait3A = arith.constant 192 : i32
      %dma_wait3A_547 = tpu.memref_slice %arg8[%dma_wait3A] : memref<1024xf32, #tpu.memory_space<vmem>> -> memref<64xf32, #tpu.memory_space<vmem>>
      %dma_wait3A_548 = tpu.memref_slice %arg12[%add3A_101] : memref<16384xf32, #tpu.memory_space<vmem_shared>> -> memref<64xf32, #tpu.memory_space<vmem_shared>>
      %dma_wait3A_549 = arith.constant 192 : i32
      %dma_wait3A_550 = tpu.memref_slice %arg8[%dma_wait3A_549] : memref<1024xf32, #tpu.memory_space<vmem>> -> memref<64xf32, #tpu.memory_space<vmem>>
      %dma_wait3A_551 = tpu.memref_slice %arg12[%add3A_101] : memref<16384xf32, #tpu.memory_space<vmem_shared>> -> memref<64xf32, #tpu.memory_space<vmem_shared>>
      tpu.wait_dma2 semaphore(%run_scoped3A : memref<!tpu.dma_semaphore, #tpu.memory_space<semaphore_mem>>) src(%dma_wait3A_551 : memref<64xf32, #tpu.memory_space<vmem_shared>>) dst(%dma_wait3A_550 : memref<64xf32, #tpu.memory_space<vmem>>)
      tpu.yield
    }) : () -> ()
    %mul3A_102 = arith.constant 64 : i32
    %mul3A_103 = arith.muli %arg1, %mul3A_102 : i32
    %add3A_104 = arith.constant 4096 : i32
    %add3A_105 = arith.addi %add3A_104, %mul3A_103 : i32
    "tpu.region"() ({
      %run_scoped3A = tpu.sem_alloc : memref<!tpu.dma_semaphore, #tpu.memory_space<semaphore_mem>>
      %dma_start3A = arith.constant 256 : i32
      %dma_start3A_542 = tpu.memref_slice %arg8[%dma_start3A] : memref<1024xf32, #tpu.memory_space<vmem>> -> memref<64xf32, #tpu.memory_space<vmem>>
      %dma_start3A_543 = tpu.memref_slice %arg12[%add3A_105] : memref<16384xf32, #tpu.memory_space<vmem_shared>> -> memref<64xf32, #tpu.memory_space<vmem_shared>>
      %dma_start3A_544 = arith.constant 256 : i32
      %dma_start3A_545 = tpu.memref_slice %arg8[%dma_start3A_544] : memref<1024xf32, #tpu.memory_space<vmem>> -> memref<64xf32, #tpu.memory_space<vmem>>
      %dma_start3A_546 = tpu.memref_slice %arg12[%add3A_105] : memref<16384xf32, #tpu.memory_space<vmem_shared>> -> memref<64xf32, #tpu.memory_space<vmem_shared>>
      tpu.enqueue_dma source(%dma_start3A_546 : memref<64xf32, #tpu.memory_space<vmem_shared>>) target(%dma_start3A_545 : memref<64xf32, #tpu.memory_space<vmem>>) target_semaphore(%run_scoped3A : memref<!tpu.dma_semaphore, #tpu.memory_space<semaphore_mem>>)
      %dma_wait3A = arith.constant 256 : i32
      %dma_wait3A_547 = tpu.memref_slice %arg8[%dma_wait3A] : memref<1024xf32, #tpu.memory_space<vmem>> -> memref<64xf32, #tpu.memory_space<vmem>>
      %dma_wait3A_548 = tpu.memref_slice %arg12[%add3A_105] : memref<16384xf32, #tpu.memory_space<vmem_shared>> -> memref<64xf32, #tpu.memory_space<vmem_shared>>
      %dma_wait3A_549 = arith.constant 256 : i32
      %dma_wait3A_550 = tpu.memref_slice %arg8[%dma_wait3A_549] : memref<1024xf32, #tpu.memory_space<vmem>> -> memref<64xf32, #tpu.memory_space<vmem>>
      %dma_wait3A_551 = tpu.memref_slice %arg12[%add3A_105] : memref<16384xf32, #tpu.memory_space<vmem_shared>> -> memref<64xf32, #tpu.memory_space<vmem_shared>>
      tpu.wait_dma2 semaphore(%run_scoped3A : memref<!tpu.dma_semaphore, #tpu.memory_space<semaphore_mem>>) src(%dma_wait3A_551 : memref<64xf32, #tpu.memory_space<vmem_shared>>) dst(%dma_wait3A_550 : memref<64xf32, #tpu.memory_space<vmem>>)
      tpu.yield
    }) : () -> ()
    %mul3A_106 = arith.constant 64 : i32
    %mul3A_107 = arith.muli %arg1, %mul3A_106 : i32
    %add3A_108 = arith.constant 5120 : i32
    %add3A_109 = arith.addi %add3A_108, %mul3A_107 : i32
    "tpu.region"() ({
      %run_scoped3A = tpu.sem_alloc : memref<!tpu.dma_semaphore, #tpu.memory_space<semaphore_mem>>
      %dma_start3A = arith.constant 320 : i32
      %dma_start3A_542 = tpu.memref_slice %arg8[%dma_start3A] : memref<1024xf32, #tpu.memory_space<vmem>> -> memref<64xf32, #tpu.memory_space<vmem>>
      %dma_start3A_543 = tpu.memref_slice %arg12[%add3A_109] : memref<16384xf32, #tpu.memory_space<vmem_shared>> -> memref<64xf32, #tpu.memory_space<vmem_shared>>
      %dma_start3A_544 = arith.constant 320 : i32
      %dma_start3A_545 = tpu.memref_slice %arg8[%dma_start3A_544] : memref<1024xf32, #tpu.memory_space<vmem>> -> memref<64xf32, #tpu.memory_space<vmem>>
      %dma_start3A_546 = tpu.memref_slice %arg12[%add3A_109] : memref<16384xf32, #tpu.memory_space<vmem_shared>> -> memref<64xf32, #tpu.memory_space<vmem_shared>>
      tpu.enqueue_dma source(%dma_start3A_546 : memref<64xf32, #tpu.memory_space<vmem_shared>>) target(%dma_start3A_545 : memref<64xf32, #tpu.memory_space<vmem>>) target_semaphore(%run_scoped3A : memref<!tpu.dma_semaphore, #tpu.memory_space<semaphore_mem>>)
      %dma_wait3A = arith.constant 320 : i32
      %dma_wait3A_547 = tpu.memref_slice %arg8[%dma_wait3A] : memref<1024xf32, #tpu.memory_space<vmem>> -> memref<64xf32, #tpu.memory_space<vmem>>
      %dma_wait3A_548 = tpu.memref_slice %arg12[%add3A_109] : memref<16384xf32, #tpu.memory_space<vmem_shared>> -> memref<64xf32, #tpu.memory_space<vmem_shared>>
      %dma_wait3A_549 = arith.constant 320 : i32
      %dma_wait3A_550 = tpu.memref_slice %arg8[%dma_wait3A_549] : memref<1024xf32, #tpu.memory_space<vmem>> -> memref<64xf32, #tpu.memory_space<vmem>>
      %dma_wait3A_551 = tpu.memref_slice %arg12[%add3A_109] : memref<16384xf32, #tpu.memory_space<vmem_shared>> -> memref<64xf32, #tpu.memory_space<vmem_shared>>
      tpu.wait_dma2 semaphore(%run_scoped3A : memref<!tpu.dma_semaphore, #tpu.memory_space<semaphore_mem>>) src(%dma_wait3A_551 : memref<64xf32, #tpu.memory_space<vmem_shared>>) dst(%dma_wait3A_550 : memref<64xf32, #tpu.memory_space<vmem>>)
      tpu.yield
    }) : () -> ()
    %mul3A_110 = arith.constant 64 : i32
    %mul3A_111 = arith.muli %arg1, %mul3A_110 : i32
    %add3A_112 = arith.constant 6144 : i32
    %add3A_113 = arith.addi %add3A_112, %mul3A_111 : i32
    "tpu.region"() ({
      %run_scoped3A = tpu.sem_alloc : memref<!tpu.dma_semaphore, #tpu.memory_space<semaphore_mem>>
      %dma_start3A = arith.constant 384 : i32
      %dma_start3A_542 = tpu.memref_slice %arg8[%dma_start3A] : memref<1024xf32, #tpu.memory_space<vmem>> -> memref<64xf32, #tpu.memory_space<vmem>>
      %dma_start3A_543 = tpu.memref_slice %arg12[%add3A_113] : memref<16384xf32, #tpu.memory_space<vmem_shared>> -> memref<64xf32, #tpu.memory_space<vmem_shared>>
      %dma_start3A_544 = arith.constant 384 : i32
      %dma_start3A_545 = tpu.memref_slice %arg8[%dma_start3A_544] : memref<1024xf32, #tpu.memory_space<vmem>> -> memref<64xf32, #tpu.memory_space<vmem>>
      %dma_start3A_546 = tpu.memref_slice %arg12[%add3A_113] : memref<16384xf32, #tpu.memory_space<vmem_shared>> -> memref<64xf32, #tpu.memory_space<vmem_shared>>
      tpu.enqueue_dma source(%dma_start3A_546 : memref<64xf32, #tpu.memory_space<vmem_shared>>) target(%dma_start3A_545 : memref<64xf32, #tpu.memory_space<vmem>>) target_semaphore(%run_scoped3A : memref<!tpu.dma_semaphore, #tpu.memory_space<semaphore_mem>>)
      %dma_wait3A = arith.constant 384 : i32
      %dma_wait3A_547 = tpu.memref_slice %arg8[%dma_wait3A] : memref<1024xf32, #tpu.memory_space<vmem>> -> memref<64xf32, #tpu.memory_space<vmem>>
      %dma_wait3A_548 = tpu.memref_slice %arg12[%add3A_113] : memref<16384xf32, #tpu.memory_space<vmem_shared>> -> memref<64xf32, #tpu.memory_space<vmem_shared>>
      %dma_wait3A_549 = arith.constant 384 : i32
      %dma_wait3A_550 = tpu.memref_slice %arg8[%dma_wait3A_549] : memref<1024xf32, #tpu.memory_space<vmem>> -> memref<64xf32, #tpu.memory_space<vmem>>
      %dma_wait3A_551 = tpu.memref_slice %arg12[%add3A_113] : memref<16384xf32, #tpu.memory_space<vmem_shared>> -> memref<64xf32, #tpu.memory_space<vmem_shared>>
      tpu.wait_dma2 semaphore(%run_scoped3A : memref<!tpu.dma_semaphore, #tpu.memory_space<semaphore_mem>>) src(%dma_wait3A_551 : memref<64xf32, #tpu.memory_space<vmem_shared>>) dst(%dma_wait3A_550 : memref<64xf32, #tpu.memory_space<vmem>>)
      tpu.yield
    }) : () -> ()
    %mul3A_114 = arith.constant 64 : i32
    %mul3A_115 = arith.muli %arg1, %mul3A_114 : i32
    %add3A_116 = arith.constant 7168 : i32
    %add3A_117 = arith.addi %add3A_116, %mul3A_115 : i32
    "tpu.region"() ({
      %run_scoped3A = tpu.sem_alloc : memref<!tpu.dma_semaphore, #tpu.memory_space<semaphore_mem>>
      %dma_start3A = arith.constant 448 : i32
      %dma_start3A_542 = tpu.memref_slice %arg8[%dma_start3A] : memref<1024xf32, #tpu.memory_space<vmem>> -> memref<64xf32, #tpu.memory_space<vmem>>
      %dma_start3A_543 = tpu.memref_slice %arg12[%add3A_117] : memref<16384xf32, #tpu.memory_space<vmem_shared>> -> memref<64xf32, #tpu.memory_space<vmem_shared>>
      %dma_start3A_544 = arith.constant 448 : i32
      %dma_start3A_545 = tpu.memref_slice %arg8[%dma_start3A_544] : memref<1024xf32, #tpu.memory_space<vmem>> -> memref<64xf32, #tpu.memory_space<vmem>>
      %dma_start3A_546 = tpu.memref_slice %arg12[%add3A_117] : memref<16384xf32, #tpu.memory_space<vmem_shared>> -> memref<64xf32, #tpu.memory_space<vmem_shared>>
      tpu.enqueue_dma source(%dma_start3A_546 : memref<64xf32, #tpu.memory_space<vmem_shared>>) target(%dma_start3A_545 : memref<64xf32, #tpu.memory_space<vmem>>) target_semaphore(%run_scoped3A : memref<!tpu.dma_semaphore, #tpu.memory_space<semaphore_mem>>)
      %dma_wait3A = arith.constant 448 : i32
      %dma_wait3A_547 = tpu.memref_slice %arg8[%dma_wait3A] : memref<1024xf32, #tpu.memory_space<vmem>> -> memref<64xf32, #tpu.memory_space<vmem>>
      %dma_wait3A_548 = tpu.memref_slice %arg12[%add3A_117] : memref<16384xf32, #tpu.memory_space<vmem_shared>> -> memref<64xf32, #tpu.memory_space<vmem_shared>>
      %dma_wait3A_549 = arith.constant 448 : i32
      %dma_wait3A_550 = tpu.memref_slice %arg8[%dma_wait3A_549] : memref<1024xf32, #tpu.memory_space<vmem>> -> memref<64xf32, #tpu.memory_space<vmem>>
      %dma_wait3A_551 = tpu.memref_slice %arg12[%add3A_117] : memref<16384xf32, #tpu.memory_space<vmem_shared>> -> memref<64xf32, #tpu.memory_space<vmem_shared>>
      tpu.wait_dma2 semaphore(%run_scoped3A : memref<!tpu.dma_semaphore, #tpu.memory_space<semaphore_mem>>) src(%dma_wait3A_551 : memref<64xf32, #tpu.memory_space<vmem_shared>>) dst(%dma_wait3A_550 : memref<64xf32, #tpu.memory_space<vmem>>)
      tpu.yield
    }) : () -> ()
    %mul3A_118 = arith.constant 64 : i32
    %mul3A_119 = arith.muli %arg1, %mul3A_118 : i32
    %add3A_120 = arith.constant 8192 : i32
    %add3A_121 = arith.addi %add3A_120, %mul3A_119 : i32
    "tpu.region"() ({
      %run_scoped3A = tpu.sem_alloc : memref<!tpu.dma_semaphore, #tpu.memory_space<semaphore_mem>>
      %dma_start3A = arith.constant 512 : i32
      %dma_start3A_542 = tpu.memref_slice %arg8[%dma_start3A] : memref<1024xf32, #tpu.memory_space<vmem>> -> memref<64xf32, #tpu.memory_space<vmem>>
      %dma_start3A_543 = tpu.memref_slice %arg12[%add3A_121] : memref<16384xf32, #tpu.memory_space<vmem_shared>> -> memref<64xf32, #tpu.memory_space<vmem_shared>>
      %dma_start3A_544 = arith.constant 512 : i32
      %dma_start3A_545 = tpu.memref_slice %arg8[%dma_start3A_544] : memref<1024xf32, #tpu.memory_space<vmem>> -> memref<64xf32, #tpu.memory_space<vmem>>
      %dma_start3A_546 = tpu.memref_slice %arg12[%add3A_121] : memref<16384xf32, #tpu.memory_space<vmem_shared>> -> memref<64xf32, #tpu.memory_space<vmem_shared>>
      tpu.enqueue_dma source(%dma_start3A_546 : memref<64xf32, #tpu.memory_space<vmem_shared>>) target(%dma_start3A_545 : memref<64xf32, #tpu.memory_space<vmem>>) target_semaphore(%run_scoped3A : memref<!tpu.dma_semaphore, #tpu.memory_space<semaphore_mem>>)
      %dma_wait3A = arith.constant 512 : i32
      %dma_wait3A_547 = tpu.memref_slice %arg8[%dma_wait3A] : memref<1024xf32, #tpu.memory_space<vmem>> -> memref<64xf32, #tpu.memory_space<vmem>>
      %dma_wait3A_548 = tpu.memref_slice %arg12[%add3A_121] : memref<16384xf32, #tpu.memory_space<vmem_shared>> -> memref<64xf32, #tpu.memory_space<vmem_shared>>
      %dma_wait3A_549 = arith.constant 512 : i32
      %dma_wait3A_550 = tpu.memref_slice %arg8[%dma_wait3A_549] : memref<1024xf32, #tpu.memory_space<vmem>> -> memref<64xf32, #tpu.memory_space<vmem>>
      %dma_wait3A_551 = tpu.memref_slice %arg12[%add3A_121] : memref<16384xf32, #tpu.memory_space<vmem_shared>> -> memref<64xf32, #tpu.memory_space<vmem_shared>>
      tpu.wait_dma2 semaphore(%run_scoped3A : memref<!tpu.dma_semaphore, #tpu.memory_space<semaphore_mem>>) src(%dma_wait3A_551 : memref<64xf32, #tpu.memory_space<vmem_shared>>) dst(%dma_wait3A_550 : memref<64xf32, #tpu.memory_space<vmem>>)
      tpu.yield
    }) : () -> ()
    %mul3A_122 = arith.constant 64 : i32
    %mul3A_123 = arith.muli %arg1, %mul3A_122 : i32
    %add3A_124 = arith.constant 9216 : i32
    %add3A_125 = arith.addi %add3A_124, %mul3A_123 : i32
    "tpu.region"() ({
      %run_scoped3A = tpu.sem_alloc : memref<!tpu.dma_semaphore, #tpu.memory_space<semaphore_mem>>
      %dma_start3A = arith.constant 576 : i32
      %dma_start3A_542 = tpu.memref_slice %arg8[%dma_start3A] : memref<1024xf32, #tpu.memory_space<vmem>> -> memref<64xf32, #tpu.memory_space<vmem>>
      %dma_start3A_543 = tpu.memref_slice %arg12[%add3A_125] : memref<16384xf32, #tpu.memory_space<vmem_shared>> -> memref<64xf32, #tpu.memory_space<vmem_shared>>
      %dma_start3A_544 = arith.constant 576 : i32
      %dma_start3A_545 = tpu.memref_slice %arg8[%dma_start3A_544] : memref<1024xf32, #tpu.memory_space<vmem>> -> memref<64xf32, #tpu.memory_space<vmem>>
      %dma_start3A_546 = tpu.memref_slice %arg12[%add3A_125] : memref<16384xf32, #tpu.memory_space<vmem_shared>> -> memref<64xf32, #tpu.memory_space<vmem_shared>>
      tpu.enqueue_dma source(%dma_start3A_546 : memref<64xf32, #tpu.memory_space<vmem_shared>>) target(%dma_start3A_545 : memref<64xf32, #tpu.memory_space<vmem>>) target_semaphore(%run_scoped3A : memref<!tpu.dma_semaphore, #tpu.memory_space<semaphore_mem>>)
      %dma_wait3A = arith.constant 576 : i32
      %dma_wait3A_547 = tpu.memref_slice %arg8[%dma_wait3A] : memref<1024xf32, #tpu.memory_space<vmem>> -> memref<64xf32, #tpu.memory_space<vmem>>
      %dma_wait3A_548 = tpu.memref_slice %arg12[%add3A_125] : memref<16384xf32, #tpu.memory_space<vmem_shared>> -> memref<64xf32, #tpu.memory_space<vmem_shared>>
      %dma_wait3A_549 = arith.constant 576 : i32
      %dma_wait3A_550 = tpu.memref_slice %arg8[%dma_wait3A_549] : memref<1024xf32, #tpu.memory_space<vmem>> -> memref<64xf32, #tpu.memory_space<vmem>>
      %dma_wait3A_551 = tpu.memref_slice %arg12[%add3A_125] : memref<16384xf32, #tpu.memory_space<vmem_shared>> -> memref<64xf32, #tpu.memory_space<vmem_shared>>
      tpu.wait_dma2 semaphore(%run_scoped3A : memref<!tpu.dma_semaphore, #tpu.memory_space<semaphore_mem>>) src(%dma_wait3A_551 : memref<64xf32, #tpu.memory_space<vmem_shared>>) dst(%dma_wait3A_550 : memref<64xf32, #tpu.memory_space<vmem>>)
      tpu.yield
    }) : () -> ()
    %mul3A_126 = arith.constant 64 : i32
    %mul3A_127 = arith.muli %arg1, %mul3A_126 : i32
    %add3A_128 = arith.constant 10240 : i32
    %add3A_129 = arith.addi %add3A_128, %mul3A_127 : i32
    "tpu.region"() ({
      %run_scoped3A = tpu.sem_alloc : memref<!tpu.dma_semaphore, #tpu.memory_space<semaphore_mem>>
      %dma_start3A = arith.constant 640 : i32
      %dma_start3A_542 = tpu.memref_slice %arg8[%dma_start3A] : memref<1024xf32, #tpu.memory_space<vmem>> -> memref<64xf32, #tpu.memory_space<vmem>>
      %dma_start3A_543 = tpu.memref_slice %arg12[%add3A_129] : memref<16384xf32, #tpu.memory_space<vmem_shared>> -> memref<64xf32, #tpu.memory_space<vmem_shared>>
      %dma_start3A_544 = arith.constant 640 : i32
      %dma_start3A_545 = tpu.memref_slice %arg8[%dma_start3A_544] : memref<1024xf32, #tpu.memory_space<vmem>> -> memref<64xf32, #tpu.memory_space<vmem>>
      %dma_start3A_546 = tpu.memref_slice %arg12[%add3A_129] : memref<16384xf32, #tpu.memory_space<vmem_shared>> -> memref<64xf32, #tpu.memory_space<vmem_shared>>
      tpu.enqueue_dma source(%dma_start3A_546 : memref<64xf32, #tpu.memory_space<vmem_shared>>) target(%dma_start3A_545 : memref<64xf32, #tpu.memory_space<vmem>>) target_semaphore(%run_scoped3A : memref<!tpu.dma_semaphore, #tpu.memory_space<semaphore_mem>>)
      %dma_wait3A = arith.constant 640 : i32
      %dma_wait3A_547 = tpu.memref_slice %arg8[%dma_wait3A] : memref<1024xf32, #tpu.memory_space<vmem>> -> memref<64xf32, #tpu.memory_space<vmem>>
      %dma_wait3A_548 = tpu.memref_slice %arg12[%add3A_129] : memref<16384xf32, #tpu.memory_space<vmem_shared>> -> memref<64xf32, #tpu.memory_space<vmem_shared>>
      %dma_wait3A_549 = arith.constant 640 : i32
      %dma_wait3A_550 = tpu.memref_slice %arg8[%dma_wait3A_549] : memref<1024xf32, #tpu.memory_space<vmem>> -> memref<64xf32, #tpu.memory_space<vmem>>
      %dma_wait3A_551 = tpu.memref_slice %arg12[%add3A_129] : memref<16384xf32, #tpu.memory_space<vmem_shared>> -> memref<64xf32, #tpu.memory_space<vmem_shared>>
      tpu.wait_dma2 semaphore(%run_scoped3A : memref<!tpu.dma_semaphore, #tpu.memory_space<semaphore_mem>>) src(%dma_wait3A_551 : memref<64xf32, #tpu.memory_space<vmem_shared>>) dst(%dma_wait3A_550 : memref<64xf32, #tpu.memory_space<vmem>>)
      tpu.yield
    }) : () -> ()
    %mul3A_130 = arith.constant 64 : i32
    %mul3A_131 = arith.muli %arg1, %mul3A_130 : i32
    %add3A_132 = arith.constant 11264 : i32
    %add3A_133 = arith.addi %add3A_132, %mul3A_131 : i32
    "tpu.region"() ({
      %run_scoped3A = tpu.sem_alloc : memref<!tpu.dma_semaphore, #tpu.memory_space<semaphore_mem>>
      %dma_start3A = arith.constant 704 : i32
      %dma_start3A_542 = tpu.memref_slice %arg8[%dma_start3A] : memref<1024xf32, #tpu.memory_space<vmem>> -> memref<64xf32, #tpu.memory_space<vmem>>
      %dma_start3A_543 = tpu.memref_slice %arg12[%add3A_133] : memref<16384xf32, #tpu.memory_space<vmem_shared>> -> memref<64xf32, #tpu.memory_space<vmem_shared>>
      %dma_start3A_544 = arith.constant 704 : i32
      %dma_start3A_545 = tpu.memref_slice %arg8[%dma_start3A_544] : memref<1024xf32, #tpu.memory_space<vmem>> -> memref<64xf32, #tpu.memory_space<vmem>>
      %dma_start3A_546 = tpu.memref_slice %arg12[%add3A_133] : memref<16384xf32, #tpu.memory_space<vmem_shared>> -> memref<64xf32, #tpu.memory_space<vmem_shared>>
      tpu.enqueue_dma source(%dma_start3A_546 : memref<64xf32, #tpu.memory_space<vmem_shared>>) target(%dma_start3A_545 : memref<64xf32, #tpu.memory_space<vmem>>) target_semaphore(%run_scoped3A : memref<!tpu.dma_semaphore, #tpu.memory_space<semaphore_mem>>)
      %dma_wait3A = arith.constant 704 : i32
      %dma_wait3A_547 = tpu.memref_slice %arg8[%dma_wait3A] : memref<1024xf32, #tpu.memory_space<vmem>> -> memref<64xf32, #tpu.memory_space<vmem>>
      %dma_wait3A_548 = tpu.memref_slice %arg12[%add3A_133] : memref<16384xf32, #tpu.memory_space<vmem_shared>> -> memref<64xf32, #tpu.memory_space<vmem_shared>>
      %dma_wait3A_549 = arith.constant 704 : i32
      %dma_wait3A_550 = tpu.memref_slice %arg8[%dma_wait3A_549] : memref<1024xf32, #tpu.memory_space<vmem>> -> memref<64xf32, #tpu.memory_space<vmem>>
      %dma_wait3A_551 = tpu.memref_slice %arg12[%add3A_133] : memref<16384xf32, #tpu.memory_space<vmem_shared>> -> memref<64xf32, #tpu.memory_space<vmem_shared>>
      tpu.wait_dma2 semaphore(%run_scoped3A : memref<!tpu.dma_semaphore, #tpu.memory_space<semaphore_mem>>) src(%dma_wait3A_551 : memref<64xf32, #tpu.memory_space<vmem_shared>>) dst(%dma_wait3A_550 : memref<64xf32, #tpu.memory_space<vmem>>)
      tpu.yield
    }) : () -> ()
    %mul3A_134 = arith.constant 64 : i32
    %mul3A_135 = arith.muli %arg1, %mul3A_134 : i32
    %add3A_136 = arith.constant 12288 : i32
    %add3A_137 = arith.addi %add3A_136, %mul3A_135 : i32
    "tpu.region"() ({
      %run_scoped3A = tpu.sem_alloc : memref<!tpu.dma_semaphore, #tpu.memory_space<semaphore_mem>>
      %dma_start3A = arith.constant 768 : i32
      %dma_start3A_542 = tpu.memref_slice %arg8[%dma_start3A] : memref<1024xf32, #tpu.memory_space<vmem>> -> memref<64xf32, #tpu.memory_space<vmem>>
      %dma_start3A_543 = tpu.memref_slice %arg12[%add3A_137] : memref<16384xf32, #tpu.memory_space<vmem_shared>> -> memref<64xf32, #tpu.memory_space<vmem_shared>>
      %dma_start3A_544 = arith.constant 768 : i32
      %dma_start3A_545 = tpu.memref_slice %arg8[%dma_start3A_544] : memref<1024xf32, #tpu.memory_space<vmem>> -> memref<64xf32, #tpu.memory_space<vmem>>
      %dma_start3A_546 = tpu.memref_slice %arg12[%add3A_137] : memref<16384xf32, #tpu.memory_space<vmem_shared>> -> memref<64xf32, #tpu.memory_space<vmem_shared>>
      tpu.enqueue_dma source(%dma_start3A_546 : memref<64xf32, #tpu.memory_space<vmem_shared>>) target(%dma_start3A_545 : memref<64xf32, #tpu.memory_space<vmem>>) target_semaphore(%run_scoped3A : memref<!tpu.dma_semaphore, #tpu.memory_space<semaphore_mem>>)
      %dma_wait3A = arith.constant 768 : i32
      %dma_wait3A_547 = tpu.memref_slice %arg8[%dma_wait3A] : memref<1024xf32, #tpu.memory_space<vmem>> -> memref<64xf32, #tpu.memory_space<vmem>>
      %dma_wait3A_548 = tpu.memref_slice %arg12[%add3A_137] : memref<16384xf32, #tpu.memory_space<vmem_shared>> -> memref<64xf32, #tpu.memory_space<vmem_shared>>
      %dma_wait3A_549 = arith.constant 768 : i32
      %dma_wait3A_550 = tpu.memref_slice %arg8[%dma_wait3A_549] : memref<1024xf32, #tpu.memory_space<vmem>> -> memref<64xf32, #tpu.memory_space<vmem>>
      %dma_wait3A_551 = tpu.memref_slice %arg12[%add3A_137] : memref<16384xf32, #tpu.memory_space<vmem_shared>> -> memref<64xf32, #tpu.memory_space<vmem_shared>>
      tpu.wait_dma2 semaphore(%run_scoped3A : memref<!tpu.dma_semaphore, #tpu.memory_space<semaphore_mem>>) src(%dma_wait3A_551 : memref<64xf32, #tpu.memory_space<vmem_shared>>) dst(%dma_wait3A_550 : memref<64xf32, #tpu.memory_space<vmem>>)
      tpu.yield
    }) : () -> ()
    %mul3A_138 = arith.constant 64 : i32
    %mul3A_139 = arith.muli %arg1, %mul3A_138 : i32
    %add3A_140 = arith.constant 13312 : i32
    %add3A_141 = arith.addi %add3A_140, %mul3A_139 : i32
    "tpu.region"() ({
      %run_scoped3A = tpu.sem_alloc : memref<!tpu.dma_semaphore, #tpu.memory_space<semaphore_mem>>
      %dma_start3A = arith.constant 832 : i32
      %dma_start3A_542 = tpu.memref_slice %arg8[%dma_start3A] : memref<1024xf32, #tpu.memory_space<vmem>> -> memref<64xf32, #tpu.memory_space<vmem>>
      %dma_start3A_543 = tpu.memref_slice %arg12[%add3A_141] : memref<16384xf32, #tpu.memory_space<vmem_shared>> -> memref<64xf32, #tpu.memory_space<vmem_shared>>
      %dma_start3A_544 = arith.constant 832 : i32
      %dma_start3A_545 = tpu.memref_slice %arg8[%dma_start3A_544] : memref<1024xf32, #tpu.memory_space<vmem>> -> memref<64xf32, #tpu.memory_space<vmem>>
      %dma_start3A_546 = tpu.memref_slice %arg12[%add3A_141] : memref<16384xf32, #tpu.memory_space<vmem_shared>> -> memref<64xf32, #tpu.memory_space<vmem_shared>>
      tpu.enqueue_dma source(%dma_start3A_546 : memref<64xf32, #tpu.memory_space<vmem_shared>>) target(%dma_start3A_545 : memref<64xf32, #tpu.memory_space<vmem>>) target_semaphore(%run_scoped3A : memref<!tpu.dma_semaphore, #tpu.memory_space<semaphore_mem>>)
      %dma_wait3A = arith.constant 832 : i32
      %dma_wait3A_547 = tpu.memref_slice %arg8[%dma_wait3A] : memref<1024xf32, #tpu.memory_space<vmem>> -> memref<64xf32, #tpu.memory_space<vmem>>
      %dma_wait3A_548 = tpu.memref_slice %arg12[%add3A_141] : memref<16384xf32, #tpu.memory_space<vmem_shared>> -> memref<64xf32, #tpu.memory_space<vmem_shared>>
      %dma_wait3A_549 = arith.constant 832 : i32
      %dma_wait3A_550 = tpu.memref_slice %arg8[%dma_wait3A_549] : memref<1024xf32, #tpu.memory_space<vmem>> -> memref<64xf32, #tpu.memory_space<vmem>>
      %dma_wait3A_551 = tpu.memref_slice %arg12[%add3A_141] : memref<16384xf32, #tpu.memory_space<vmem_shared>> -> memref<64xf32, #tpu.memory_space<vmem_shared>>
      tpu.wait_dma2 semaphore(%run_scoped3A : memref<!tpu.dma_semaphore, #tpu.memory_space<semaphore_mem>>) src(%dma_wait3A_551 : memref<64xf32, #tpu.memory_space<vmem_shared>>) dst(%dma_wait3A_550 : memref<64xf32, #tpu.memory_space<vmem>>)
      tpu.yield
    }) : () -> ()
    %mul3A_142 = arith.constant 64 : i32
    %mul3A_143 = arith.muli %arg1, %mul3A_142 : i32
    %add3A_144 = arith.constant 14336 : i32
    %add3A_145 = arith.addi %add3A_144, %mul3A_143 : i32
    "tpu.region"() ({
      %run_scoped3A = tpu.sem_alloc : memref<!tpu.dma_semaphore, #tpu.memory_space<semaphore_mem>>
      %dma_start3A = arith.constant 896 : i32
      %dma_start3A_542 = tpu.memref_slice %arg8[%dma_start3A] : memref<1024xf32, #tpu.memory_space<vmem>> -> memref<64xf32, #tpu.memory_space<vmem>>
      %dma_start3A_543 = tpu.memref_slice %arg12[%add3A_145] : memref<16384xf32, #tpu.memory_space<vmem_shared>> -> memref<64xf32, #tpu.memory_space<vmem_shared>>
      %dma_start3A_544 = arith.constant 896 : i32
      %dma_start3A_545 = tpu.memref_slice %arg8[%dma_start3A_544] : memref<1024xf32, #tpu.memory_space<vmem>> -> memref<64xf32, #tpu.memory_space<vmem>>
      %dma_start3A_546 = tpu.memref_slice %arg12[%add3A_145] : memref<16384xf32, #tpu.memory_space<vmem_shared>> -> memref<64xf32, #tpu.memory_space<vmem_shared>>
      tpu.enqueue_dma source(%dma_start3A_546 : memref<64xf32, #tpu.memory_space<vmem_shared>>) target(%dma_start3A_545 : memref<64xf32, #tpu.memory_space<vmem>>) target_semaphore(%run_scoped3A : memref<!tpu.dma_semaphore, #tpu.memory_space<semaphore_mem>>)
      %dma_wait3A = arith.constant 896 : i32
      %dma_wait3A_547 = tpu.memref_slice %arg8[%dma_wait3A] : memref<1024xf32, #tpu.memory_space<vmem>> -> memref<64xf32, #tpu.memory_space<vmem>>
      %dma_wait3A_548 = tpu.memref_slice %arg12[%add3A_145] : memref<16384xf32, #tpu.memory_space<vmem_shared>> -> memref<64xf32, #tpu.memory_space<vmem_shared>>
      %dma_wait3A_549 = arith.constant 896 : i32
      %dma_wait3A_550 = tpu.memref_slice %arg8[%dma_wait3A_549] : memref<1024xf32, #tpu.memory_space<vmem>> -> memref<64xf32, #tpu.memory_space<vmem>>
      %dma_wait3A_551 = tpu.memref_slice %arg12[%add3A_145] : memref<16384xf32, #tpu.memory_space<vmem_shared>> -> memref<64xf32, #tpu.memory_space<vmem_shared>>
      tpu.wait_dma2 semaphore(%run_scoped3A : memref<!tpu.dma_semaphore, #tpu.memory_space<semaphore_mem>>) src(%dma_wait3A_551 : memref<64xf32, #tpu.memory_space<vmem_shared>>) dst(%dma_wait3A_550 : memref<64xf32, #tpu.memory_space<vmem>>)
      tpu.yield
    }) : () -> ()
    %mul3A_146 = arith.constant 64 : i32
    %mul3A_147 = arith.muli %arg1, %mul3A_146 : i32
    %add3A_148 = arith.constant 15360 : i32
    %add3A_149 = arith.addi %add3A_148, %mul3A_147 : i32
    "tpu.region"() ({
      %run_scoped3A = tpu.sem_alloc : memref<!tpu.dma_semaphore, #tpu.memory_space<semaphore_mem>>
      %dma_start3A = arith.constant 960 : i32
      %dma_start3A_542 = tpu.memref_slice %arg8[%dma_start3A] : memref<1024xf32, #tpu.memory_space<vmem>> -> memref<64xf32, #tpu.memory_space<vmem>>
      %dma_start3A_543 = tpu.memref_slice %arg12[%add3A_149] : memref<16384xf32, #tpu.memory_space<vmem_shared>> -> memref<64xf32, #tpu.memory_space<vmem_shared>>
      %dma_start3A_544 = arith.constant 960 : i32
      %dma_start3A_545 = tpu.memref_slice %arg8[%dma_start3A_544] : memref<1024xf32, #tpu.memory_space<vmem>> -> memref<64xf32, #tpu.memory_space<vmem>>
      %dma_start3A_546 = tpu.memref_slice %arg12[%add3A_149] : memref<16384xf32, #tpu.memory_space<vmem_shared>> -> memref<64xf32, #tpu.memory_space<vmem_shared>>
      tpu.enqueue_dma source(%dma_start3A_546 : memref<64xf32, #tpu.memory_space<vmem_shared>>) target(%dma_start3A_545 : memref<64xf32, #tpu.memory_space<vmem>>) target_semaphore(%run_scoped3A : memref<!tpu.dma_semaphore, #tpu.memory_space<semaphore_mem>>)
      %dma_wait3A = arith.constant 960 : i32
      %dma_wait3A_547 = tpu.memref_slice %arg8[%dma_wait3A] : memref<1024xf32, #tpu.memory_space<vmem>> -> memref<64xf32, #tpu.memory_space<vmem>>
      %dma_wait3A_548 = tpu.memref_slice %arg12[%add3A_149] : memref<16384xf32, #tpu.memory_space<vmem_shared>> -> memref<64xf32, #tpu.memory_space<vmem_shared>>
      %dma_wait3A_549 = arith.constant 960 : i32
      %dma_wait3A_550 = tpu.memref_slice %arg8[%dma_wait3A_549] : memref<1024xf32, #tpu.memory_space<vmem>> -> memref<64xf32, #tpu.memory_space<vmem>>
      %dma_wait3A_551 = tpu.memref_slice %arg12[%add3A_149] : memref<16384xf32, #tpu.memory_space<vmem_shared>> -> memref<64xf32, #tpu.memory_space<vmem_shared>>
      tpu.wait_dma2 semaphore(%run_scoped3A : memref<!tpu.dma_semaphore, #tpu.memory_space<semaphore_mem>>) src(%dma_wait3A_551 : memref<64xf32, #tpu.memory_space<vmem_shared>>) dst(%dma_wait3A_550 : memref<64xf32, #tpu.memory_space<vmem>>)
      tpu.yield
    }) : () -> ()
    %get3A = arith.constant 0 : index
    %get3A_150 = tpu.vector_load %arg8[%get3A] {strides = array<i32>} : memref<1024xf32, #tpu.memory_space<vmem>>, vector<16xf32>,
    %add3A_151 = arith.addf %broadcast_in_dim3A_3, %get3A_150 : vector<16xf32>
    %get3A_152 = arith.constant 64 : index
    %get3A_153 = tpu.vector_load %arg8[%get3A_152] {strides = array<i32>} : memref<1024xf32, #tpu.memory_space<vmem>>, vector<16xf32>,
    %add3A_154 = arith.addf %add3A_151, %get3A_153 : vector<16xf32>
    %get3A_155 = arith.constant 128 : index
    %get3A_156 = tpu.vector_load %arg8[%get3A_155] {strides = array<i32>} : memref<1024xf32, #tpu.memory_space<vmem>>, vector<16xf32>,
    %add3A_157 = arith.addf %add3A_154, %get3A_156 : vector<16xf32>
    %get3A_158 = arith.constant 192 : index
    %get3A_159 = tpu.vector_load %arg8[%get3A_158] {strides = array<i32>} : memref<1024xf32, #tpu.memory_space<vmem>>, vector<16xf32>,
    %add3A_160 = arith.addf %add3A_157, %get3A_159 : vector<16xf32>
    %get3A_161 = arith.constant 256 : index
    %get3A_162 = tpu.vector_load %arg8[%get3A_161] {strides = array<i32>} : memref<1024xf32, #tpu.memory_space<vmem>>, vector<16xf32>,
    %add3A_163 = arith.addf %add3A_160, %get3A_162 : vector<16xf32>
    %get3A_164 = arith.constant 320 : index
    %get3A_165 = tpu.vector_load %arg8[%get3A_164] {strides = array<i32>} : memref<1024xf32, #tpu.memory_space<vmem>>, vector<16xf32>,
    %add3A_166 = arith.addf %add3A_163, %get3A_165 : vector<16xf32>
    %get3A_167 = arith.constant 384 : index
    %get3A_168 = tpu.vector_load %arg8[%get3A_167] {strides = array<i32>} : memref<1024xf32, #tpu.memory_space<vmem>>, vector<16xf32>,
    %add3A_169 = arith.addf %add3A_166, %get3A_168 : vector<16xf32>
    %get3A_170 = arith.constant 448 : index
    %get3A_171 = tpu.vector_load %arg8[%get3A_170] {strides = array<i32>} : memref<1024xf32, #tpu.memory_space<vmem>>, vector<16xf32>,
    %add3A_172 = arith.addf %add3A_169, %get3A_171 : vector<16xf32>
    %get3A_173 = arith.constant 512 : index
    %get3A_174 = tpu.vector_load %arg8[%get3A_173] {strides = array<i32>} : memref<1024xf32, #tpu.memory_space<vmem>>, vector<16xf32>,
    %add3A_175 = arith.addf %add3A_172, %get3A_174 : vector<16xf32>
    %get3A_176 = arith.constant 576 : index
    %get3A_177 = tpu.vector_load %arg8[%get3A_176] {strides = array<i32>} : memref<1024xf32, #tpu.memory_space<vmem>>, vector<16xf32>,
    %add3A_178 = arith.addf %add3A_175, %get3A_177 : vector<16xf32>
    %get3A_179 = arith.constant 640 : index
    %get3A_180 = tpu.vector_load %arg8[%get3A_179] {strides = array<i32>} : memref<1024xf32, #tpu.memory_space<vmem>>, vector<16xf32>,
    %add3A_181 = arith.addf %add3A_178, %get3A_180 : vector<16xf32>
    %get3A_182 = arith.constant 704 : index
    %get3A_183 = tpu.vector_load %arg8[%get3A_182] {strides = array<i32>} : memref<1024xf32, #tpu.memory_space<vmem>>, vector<16xf32>,
    %add3A_184 = arith.addf %add3A_181, %get3A_183 : vector<16xf32>
    %get3A_185 = arith.constant 768 : index
    %get3A_186 = tpu.vector_load %arg8[%get3A_185] {strides = array<i32>} : memref<1024xf32, #tpu.memory_space<vmem>>, vector<16xf32>,
    %add3A_187 = arith.addf %add3A_184, %get3A_186 : vector<16xf32>
    %get3A_188 = arith.constant 832 : index
    %get3A_189 = tpu.vector_load %arg8[%get3A_188] {strides = array<i32>} : memref<1024xf32, #tpu.memory_space<vmem>>, vector<16xf32>,
    %add3A_190 = arith.addf %add3A_187, %get3A_189 : vector<16xf32>
    %get3A_191 = arith.constant 896 : index
    %get3A_192 = tpu.vector_load %arg8[%get3A_191] {strides = array<i32>} : memref<1024xf32, #tpu.memory_space<vmem>>, vector<16xf32>,
    %add3A_193 = arith.addf %add3A_190, %get3A_192 : vector<16xf32>
    %get3A_194 = arith.constant 960 : index
    %get3A_195 = tpu.vector_load %arg8[%get3A_194] {strides = array<i32>} : memref<1024xf32, #tpu.memory_space<vmem>>, vector<16xf32>,
    %add3A_196 = arith.addf %add3A_193, %get3A_195 : vector<16xf32>
    %bitcast3A = vector.bitcast %add3A_196 : vector<16xf32> to vector<16xi32>
    %shift_right_arithmetic3A = arith.constant 1 : i32
    %shift_right_arithmetic3A_197 = vector.broadcast %shift_right_arithmetic3A : i32 to vector<16xi32>
    %shift_right_arithmetic3A_198 = arith.shrsi %bitcast3A, %shift_right_arithmetic3A_197 : vector<16xi32>
    %sub3A = arith.constant 1597463007 : i32
    %sub3A_199 = vector.broadcast %sub3A : i32 to vector<16xi32>
    %sub3A_200 = arith.subi %sub3A_199, %shift_right_arithmetic3A_198 : vector<16xi32>
    %bitcast3A_201 = vector.bitcast %sub3A_200 : vector<16xi32> to vector<16xf32>
    %mul3A_202 = arith.constant 5.000000e-01 : f32
    %mul3A_203 = vector.broadcast %mul3A_202 : f32 to vector<16xf32>
    %mul3A_204 = arith.mulf %mul3A_203, %add3A_196 : vector<16xf32>
    %mul3A_205 = arith.mulf %mul3A_204, %bitcast3A_201 : vector<16xf32>
    %mul3A_206 = arith.mulf %mul3A_205, %bitcast3A_201 : vector<16xf32>
    %sub3A_207 = arith.constant 1.500000e+00 : f32
    %sub3A_208 = vector.broadcast %sub3A_207 : f32 to vector<16xf32>
    %sub3A_209 = arith.subf %sub3A_208, %mul3A_206 : vector<16xf32>
    %mul3A_210 = arith.mulf %bitcast3A_201, %sub3A_209 : vector<16xf32>
    %mul3A_211 = arith.constant 5.000000e-01 : f32
    %mul3A_212 = vector.broadcast %mul3A_211 : f32 to vector<16xf32>
    %mul3A_213 = arith.mulf %mul3A_212, %add3A_196 : vector<16xf32>
    %mul3A_214 = arith.mulf %mul3A_213, %mul3A_210 : vector<16xf32>
    %mul3A_215 = arith.mulf %mul3A_214, %mul3A_210 : vector<16xf32>
    %sub3A_216 = arith.constant 1.500000e+00 : f32
    %sub3A_217 = vector.broadcast %sub3A_216 : f32 to vector<16xf32>
    %sub3A_218 = arith.subf %sub3A_217, %mul3A_215 : vector<16xf32>
    %mul3A_219 = arith.mulf %mul3A_210, %sub3A_218 : vector<16xf32>
    %mul3A_220 = arith.constant 5.000000e-01 : f32
    %mul3A_221 = vector.broadcast %mul3A_220 : f32 to vector<16xf32>
    %mul3A_222 = arith.mulf %mul3A_221, %add3A_196 : vector<16xf32>
    %mul3A_223 = arith.mulf %mul3A_222, %mul3A_219 : vector<16xf32>
    %mul3A_224 = arith.mulf %mul3A_223, %mul3A_219 : vector<16xf32>
    %sub3A_225 = arith.constant 1.500000e+00 : f32
    %sub3A_226 = vector.broadcast %sub3A_225 : f32 to vector<16xf32>
    %sub3A_227 = arith.subf %sub3A_226, %mul3A_224 : vector<16xf32>
    %mul3A_228 = arith.mulf %mul3A_219, %sub3A_227 : vector<16xf32>
    %swap3A = arith.constant 0 : index
    %swap3A_229 = tpu.vector_load %arg10[%swap3A] {strides = array<i32>} : memref<64xf32, #tpu.memory_space<vmem>>, vector<16xf32>,
    tpu.vector_store %arg10[%swap3A], %mul3A_228 {strides = array<i32>} : memref<64xf32, #tpu.memory_space<vmem>>, vector<16xf32>,
    %get3A_230 = arith.constant 16 : index
    %get3A_231 = tpu.vector_load %arg8[%get3A_230] {strides = array<i32>} : memref<1024xf32, #tpu.memory_space<vmem>>, vector<16xf32>,
    %add3A_232 = arith.addf %broadcast_in_dim3A_3, %get3A_231 : vector<16xf32>
    %get3A_233 = arith.constant 80 : index
    %get3A_234 = tpu.vector_load %arg8[%get3A_233] {strides = array<i32>} : memref<1024xf32, #tpu.memory_space<vmem>>, vector<16xf32>,
    %add3A_235 = arith.addf %add3A_232, %get3A_234 : vector<16xf32>
    %get3A_236 = arith.constant 144 : index
    %get3A_237 = tpu.vector_load %arg8[%get3A_236] {strides = array<i32>} : memref<1024xf32, #tpu.memory_space<vmem>>, vector<16xf32>,
    %add3A_238 = arith.addf %add3A_235, %get3A_237 : vector<16xf32>
    %get3A_239 = arith.constant 208 : index
    %get3A_240 = tpu.vector_load %arg8[%get3A_239] {strides = array<i32>} : memref<1024xf32, #tpu.memory_space<vmem>>, vector<16xf32>,
    %add3A_241 = arith.addf %add3A_238, %get3A_240 : vector<16xf32>
    %get3A_242 = arith.constant 272 : index
    %get3A_243 = tpu.vector_load %arg8[%get3A_242] {strides = array<i32>} : memref<1024xf32, #tpu.memory_space<vmem>>, vector<16xf32>,
    %add3A_244 = arith.addf %add3A_241, %get3A_243 : vector<16xf32>
    %get3A_245 = arith.constant 336 : index
    %get3A_246 = tpu.vector_load %arg8[%get3A_245] {strides = array<i32>} : memref<1024xf32, #tpu.memory_space<vmem>>, vector<16xf32>,
    %add3A_247 = arith.addf %add3A_244, %get3A_246 : vector<16xf32>
    %get3A_248 = arith.constant 400 : index
    %get3A_249 = tpu.vector_load %arg8[%get3A_248] {strides = array<i32>} : memref<1024xf32, #tpu.memory_space<vmem>>, vector<16xf32>,
    %add3A_250 = arith.addf %add3A_247, %get3A_249 : vector<16xf32>
    %get3A_251 = arith.constant 464 : index
    %get3A_252 = tpu.vector_load %arg8[%get3A_251] {strides = array<i32>} : memref<1024xf32, #tpu.memory_space<vmem>>, vector<16xf32>,
    %add3A_253 = arith.addf %add3A_250, %get3A_252 : vector<16xf32>
    %get3A_254 = arith.constant 528 : index
    %get3A_255 = tpu.vector_load %arg8[%get3A_254] {strides = array<i32>} : memref<1024xf32, #tpu.memory_space<vmem>>, vector<16xf32>,
    %add3A_256 = arith.addf %add3A_253, %get3A_255 : vector<16xf32>
    %get3A_257 = arith.constant 592 : index
    %get3A_258 = tpu.vector_load %arg8[%get3A_257] {strides = array<i32>} : memref<1024xf32, #tpu.memory_space<vmem>>, vector<16xf32>,
    %add3A_259 = arith.addf %add3A_256, %get3A_258 : vector<16xf32>
    %get3A_260 = arith.constant 656 : index
    %get3A_261 = tpu.vector_load %arg8[%get3A_260] {strides = array<i32>} : memref<1024xf32, #tpu.memory_space<vmem>>, vector<16xf32>,
    %add3A_262 = arith.addf %add3A_259, %get3A_261 : vector<16xf32>
    %get3A_263 = arith.constant 720 : index
    %get3A_264 = tpu.vector_load %arg8[%get3A_263] {strides = array<i32>} : memref<1024xf32, #tpu.memory_space<vmem>>, vector<16xf32>,
    %add3A_265 = arith.addf %add3A_262, %get3A_264 : vector<16xf32>
    %get3A_266 = arith.constant 784 : index
    %get3A_267 = tpu.vector_load %arg8[%get3A_266] {strides = array<i32>} : memref<1024xf32, #tpu.memory_space<vmem>>, vector<16xf32>,
    %add3A_268 = arith.addf %add3A_265, %get3A_267 : vector<16xf32>
    %get3A_269 = arith.constant 848 : index
    %get3A_270 = tpu.vector_load %arg8[%get3A_269] {strides = array<i32>} : memref<1024xf32, #tpu.memory_space<vmem>>, vector<16xf32>,
    %add3A_271 = arith.addf %add3A_268, %get3A_270 : vector<16xf32>
    %get3A_272 = arith.constant 912 : index
    %get3A_273 = tpu.vector_load %arg8[%get3A_272] {strides = array<i32>} : memref<1024xf32, #tpu.memory_space<vmem>>, vector<16xf32>,
    %add3A_274 = arith.addf %add3A_271, %get3A_273 : vector<16xf32>
    %get3A_275 = arith.constant 976 : index
    %get3A_276 = tpu.vector_load %arg8[%get3A_275] {strides = array<i32>} : memref<1024xf32, #tpu.memory_space<vmem>>, vector<16xf32>,
    %add3A_277 = arith.addf %add3A_274, %get3A_276 : vector<16xf32>
    %bitcast3A_278 = vector.bitcast %add3A_277 : vector<16xf32> to vector<16xi32>
    %shift_right_arithmetic3A_279 = arith.constant 1 : i32
    %shift_right_arithmetic3A_280 = vector.broadcast %shift_right_arithmetic3A_279 : i32 to vector<16xi32>
    %shift_right_arithmetic3A_281 = arith.shrsi %bitcast3A_278, %shift_right_arithmetic3A_280 : vector<16xi32>
    %sub3A_282 = arith.constant 1597463007 : i32
    %sub3A_283 = vector.broadcast %sub3A_282 : i32 to vector<16xi32>
    %sub3A_284 = arith.subi %sub3A_283, %shift_right_arithmetic3A_281 : vector<16xi32>
    %bitcast3A_285 = vector.bitcast %sub3A_284 : vector<16xi32> to vector<16xf32>
    %mul3A_286 = arith.constant 5.000000e-01 : f32
    %mul3A_287 = vector.broadcast %mul3A_286 : f32 to vector<16xf32>
    %mul3A_288 = arith.mulf %mul3A_287, %add3A_277 : vector<16xf32>
    %mul3A_289 = arith.mulf %mul3A_288, %bitcast3A_285 : vector<16xf32>
    %mul3A_290 = arith.mulf %mul3A_289, %bitcast3A_285 : vector<16xf32>
    %sub3A_291 = arith.constant 1.500000e+00 : f32
    %sub3A_292 = vector.broadcast %sub3A_291 : f32 to vector<16xf32>
    %sub3A_293 = arith.subf %sub3A_292, %mul3A_290 : vector<16xf32>
    %mul3A_294 = arith.mulf %bitcast3A_285, %sub3A_293 : vector<16xf32>
    %mul3A_295 = arith.constant 5.000000e-01 : f32
    %mul3A_296 = vector.broadcast %mul3A_295 : f32 to vector<16xf32>
    %mul3A_297 = arith.mulf %mul3A_296, %add3A_277 : vector<16xf32>
    %mul3A_298 = arith.mulf %mul3A_297, %mul3A_294 : vector<16xf32>
    %mul3A_299 = arith.mulf %mul3A_298, %mul3A_294 : vector<16xf32>
    %sub3A_300 = arith.constant 1.500000e+00 : f32
    %sub3A_301 = vector.broadcast %sub3A_300 : f32 to vector<16xf32>
    %sub3A_302 = arith.subf %sub3A_301, %mul3A_299 : vector<16xf32>
    %mul3A_303 = arith.mulf %mul3A_294, %sub3A_302 : vector<16xf32>
    %mul3A_304 = arith.constant 5.000000e-01 : f32
    %mul3A_305 = vector.broadcast %mul3A_304 : f32 to vector<16xf32>
    %mul3A_306 = arith.mulf %mul3A_305, %add3A_277 : vector<16xf32>
    %mul3A_307 = arith.mulf %mul3A_306, %mul3A_303 : vector<16xf32>
    %mul3A_308 = arith.mulf %mul3A_307, %mul3A_303 : vector<16xf32>
    %sub3A_309 = arith.constant 1.500000e+00 : f32
    %sub3A_310 = vector.broadcast %sub3A_309 : f32 to vector<16xf32>
    %sub3A_311 = arith.subf %sub3A_310, %mul3A_308 : vector<16xf32>
    %mul3A_312 = arith.mulf %mul3A_303, %sub3A_311 : vector<16xf32>
    %swap3A_313 = arith.constant 16 : index
    %swap3A_314 = tpu.vector_load %arg10[%swap3A_313] {strides = array<i32>} : memref<64xf32, #tpu.memory_space<vmem>>, vector<16xf32>,
    tpu.vector_store %arg10[%swap3A_313], %mul3A_312 {strides = array<i32>} : memref<64xf32, #tpu.memory_space<vmem>>, vector<16xf32>,
    %get3A_315 = arith.constant 32 : index
    %get3A_316 = tpu.vector_load %arg8[%get3A_315] {strides = array<i32>} : memref<1024xf32, #tpu.memory_space<vmem>>, vector<16xf32>,
    %add3A_317 = arith.addf %broadcast_in_dim3A_3, %get3A_316 : vector<16xf32>
    %get3A_318 = arith.constant 96 : index
    %get3A_319 = tpu.vector_load %arg8[%get3A_318] {strides = array<i32>} : memref<1024xf32, #tpu.memory_space<vmem>>, vector<16xf32>,
    %add3A_320 = arith.addf %add3A_317, %get3A_319 : vector<16xf32>
    %get3A_321 = arith.constant 160 : index
    %get3A_322 = tpu.vector_load %arg8[%get3A_321] {strides = array<i32>} : memref<1024xf32, #tpu.memory_space<vmem>>, vector<16xf32>,
    %add3A_323 = arith.addf %add3A_320, %get3A_322 : vector<16xf32>
    %get3A_324 = arith.constant 224 : index
    %get3A_325 = tpu.vector_load %arg8[%get3A_324] {strides = array<i32>} : memref<1024xf32, #tpu.memory_space<vmem>>, vector<16xf32>,
    %add3A_326 = arith.addf %add3A_323, %get3A_325 : vector<16xf32>
    %get3A_327 = arith.constant 288 : index
    %get3A_328 = tpu.vector_load %arg8[%get3A_327] {strides = array<i32>} : memref<1024xf32, #tpu.memory_space<vmem>>, vector<16xf32>,
    %add3A_329 = arith.addf %add3A_326, %get3A_328 : vector<16xf32>
    %get3A_330 = arith.constant 352 : index
    %get3A_331 = tpu.vector_load %arg8[%get3A_330] {strides = array<i32>} : memref<1024xf32, #tpu.memory_space<vmem>>, vector<16xf32>,
    %add3A_332 = arith.addf %add3A_329, %get3A_331 : vector<16xf32>
    %get3A_333 = arith.constant 416 : index
    %get3A_334 = tpu.vector_load %arg8[%get3A_333] {strides = array<i32>} : memref<1024xf32, #tpu.memory_space<vmem>>, vector<16xf32>,
    %add3A_335 = arith.addf %add3A_332, %get3A_334 : vector<16xf32>
    %get3A_336 = arith.constant 480 : index
    %get3A_337 = tpu.vector_load %arg8[%get3A_336] {strides = array<i32>} : memref<1024xf32, #tpu.memory_space<vmem>>, vector<16xf32>,
    %add3A_338 = arith.addf %add3A_335, %get3A_337 : vector<16xf32>
    %get3A_339 = arith.constant 544 : index
    %get3A_340 = tpu.vector_load %arg8[%get3A_339] {strides = array<i32>} : memref<1024xf32, #tpu.memory_space<vmem>>, vector<16xf32>,
    %add3A_341 = arith.addf %add3A_338, %get3A_340 : vector<16xf32>
    %get3A_342 = arith.constant 608 : index
    %get3A_343 = tpu.vector_load %arg8[%get3A_342] {strides = array<i32>} : memref<1024xf32, #tpu.memory_space<vmem>>, vector<16xf32>,
    %add3A_344 = arith.addf %add3A_341, %get3A_343 : vector<16xf32>
    %get3A_345 = arith.constant 672 : index
    %get3A_346 = tpu.vector_load %arg8[%get3A_345] {strides = array<i32>} : memref<1024xf32, #tpu.memory_space<vmem>>, vector<16xf32>,
    %add3A_347 = arith.addf %add3A_344, %get3A_346 : vector<16xf32>
    %get3A_348 = arith.constant 736 : index
    %get3A_349 = tpu.vector_load %arg8[%get3A_348] {strides = array<i32>} : memref<1024xf32, #tpu.memory_space<vmem>>, vector<16xf32>,
    %add3A_350 = arith.addf %add3A_347, %get3A_349 : vector<16xf32>
    %get3A_351 = arith.constant 800 : index
    %get3A_352 = tpu.vector_load %arg8[%get3A_351] {strides = array<i32>} : memref<1024xf32, #tpu.memory_space<vmem>>, vector<16xf32>,
    %add3A_353 = arith.addf %add3A_350, %get3A_352 : vector<16xf32>
    %get3A_354 = arith.constant 864 : index
    %get3A_355 = tpu.vector_load %arg8[%get3A_354] {strides = array<i32>} : memref<1024xf32, #tpu.memory_space<vmem>>, vector<16xf32>,
    %add3A_356 = arith.addf %add3A_353, %get3A_355 : vector<16xf32>
    %get3A_357 = arith.constant 928 : index
    %get3A_358 = tpu.vector_load %arg8[%get3A_357] {strides = array<i32>} : memref<1024xf32, #tpu.memory_space<vmem>>, vector<16xf32>,
    %add3A_359 = arith.addf %add3A_356, %get3A_358 : vector<16xf32>
    %get3A_360 = arith.constant 992 : index
    %get3A_361 = tpu.vector_load %arg8[%get3A_360] {strides = array<i32>} : memref<1024xf32, #tpu.memory_space<vmem>>, vector<16xf32>,
    %add3A_362 = arith.addf %add3A_359, %get3A_361 : vector<16xf32>
    %bitcast3A_363 = vector.bitcast %add3A_362 : vector<16xf32> to vector<16xi32>
    %shift_right_arithmetic3A_364 = arith.constant 1 : i32
    %shift_right_arithmetic3A_365 = vector.broadcast %shift_right_arithmetic3A_364 : i32 to vector<16xi32>
    %shift_right_arithmetic3A_366 = arith.shrsi %bitcast3A_363, %shift_right_arithmetic3A_365 : vector<16xi32>
    %sub3A_367 = arith.constant 1597463007 : i32
    %sub3A_368 = vector.broadcast %sub3A_367 : i32 to vector<16xi32>
    %sub3A_369 = arith.subi %sub3A_368, %shift_right_arithmetic3A_366 : vector<16xi32>
    %bitcast3A_370 = vector.bitcast %sub3A_369 : vector<16xi32> to vector<16xf32>
    %mul3A_371 = arith.constant 5.000000e-01 : f32
    %mul3A_372 = vector.broadcast %mul3A_371 : f32 to vector<16xf32>
    %mul3A_373 = arith.mulf %mul3A_372, %add3A_362 : vector<16xf32>
    %mul3A_374 = arith.mulf %mul3A_373, %bitcast3A_370 : vector<16xf32>
    %mul3A_375 = arith.mulf %mul3A_374, %bitcast3A_370 : vector<16xf32>
    %sub3A_376 = arith.constant 1.500000e+00 : f32
    %sub3A_377 = vector.broadcast %sub3A_376 : f32 to vector<16xf32>
    %sub3A_378 = arith.subf %sub3A_377, %mul3A_375 : vector<16xf32>
    %mul3A_379 = arith.mulf %bitcast3A_370, %sub3A_378 : vector<16xf32>
    %mul3A_380 = arith.constant 5.000000e-01 : f32
    %mul3A_381 = vector.broadcast %mul3A_380 : f32 to vector<16xf32>
    %mul3A_382 = arith.mulf %mul3A_381, %add3A_362 : vector<16xf32>
    %mul3A_383 = arith.mulf %mul3A_382, %mul3A_379 : vector<16xf32>
    %mul3A_384 = arith.mulf %mul3A_383, %mul3A_379 : vector<16xf32>
    %sub3A_385 = arith.constant 1.500000e+00 : f32
    %sub3A_386 = vector.broadcast %sub3A_385 : f32 to vector<16xf32>
    %sub3A_387 = arith.subf %sub3A_386, %mul3A_384 : vector<16xf32>
    %mul3A_388 = arith.mulf %mul3A_379, %sub3A_387 : vector<16xf32>
    %mul3A_389 = arith.constant 5.000000e-01 : f32
    %mul3A_390 = vector.broadcast %mul3A_389 : f32 to vector<16xf32>
    %mul3A_391 = arith.mulf %mul3A_390, %add3A_362 : vector<16xf32>
    %mul3A_392 = arith.mulf %mul3A_391, %mul3A_388 : vector<16xf32>
    %mul3A_393 = arith.mulf %mul3A_392, %mul3A_388 : vector<16xf32>
    %sub3A_394 = arith.constant 1.500000e+00 : f32
    %sub3A_395 = vector.broadcast %sub3A_394 : f32 to vector<16xf32>
    %sub3A_396 = arith.subf %sub3A_395, %mul3A_393 : vector<16xf32>
    %mul3A_397 = arith.mulf %mul3A_388, %sub3A_396 : vector<16xf32>
    %swap3A_398 = arith.constant 32 : index
    %swap3A_399 = tpu.vector_load %arg10[%swap3A_398] {strides = array<i32>} : memref<64xf32, #tpu.memory_space<vmem>>, vector<16xf32>,
    tpu.vector_store %arg10[%swap3A_398], %mul3A_397 {strides = array<i32>} : memref<64xf32, #tpu.memory_space<vmem>>, vector<16xf32>,
    %get3A_400 = arith.constant 48 : index
    %get3A_401 = tpu.vector_load %arg8[%get3A_400] {strides = array<i32>} : memref<1024xf32, #tpu.memory_space<vmem>>, vector<16xf32>,
    %add3A_402 = arith.addf %broadcast_in_dim3A_3, %get3A_401 : vector<16xf32>
    %get3A_403 = arith.constant 112 : index
    %get3A_404 = tpu.vector_load %arg8[%get3A_403] {strides = array<i32>} : memref<1024xf32, #tpu.memory_space<vmem>>, vector<16xf32>,
    %add3A_405 = arith.addf %add3A_402, %get3A_404 : vector<16xf32>
    %get3A_406 = arith.constant 176 : index
    %get3A_407 = tpu.vector_load %arg8[%get3A_406] {strides = array<i32>} : memref<1024xf32, #tpu.memory_space<vmem>>, vector<16xf32>,
    %add3A_408 = arith.addf %add3A_405, %get3A_407 : vector<16xf32>
    %get3A_409 = arith.constant 240 : index
    %get3A_410 = tpu.vector_load %arg8[%get3A_409] {strides = array<i32>} : memref<1024xf32, #tpu.memory_space<vmem>>, vector<16xf32>,
    %add3A_411 = arith.addf %add3A_408, %get3A_410 : vector<16xf32>
    %get3A_412 = arith.constant 304 : index
    %get3A_413 = tpu.vector_load %arg8[%get3A_412] {strides = array<i32>} : memref<1024xf32, #tpu.memory_space<vmem>>, vector<16xf32>,
    %add3A_414 = arith.addf %add3A_411, %get3A_413 : vector<16xf32>
    %get3A_415 = arith.constant 368 : index
    %get3A_416 = tpu.vector_load %arg8[%get3A_415] {strides = array<i32>} : memref<1024xf32, #tpu.memory_space<vmem>>, vector<16xf32>,
    %add3A_417 = arith.addf %add3A_414, %get3A_416 : vector<16xf32>
    %get3A_418 = arith.constant 432 : index
    %get3A_419 = tpu.vector_load %arg8[%get3A_418] {strides = array<i32>} : memref<1024xf32, #tpu.memory_space<vmem>>, vector<16xf32>,
    %add3A_420 = arith.addf %add3A_417, %get3A_419 : vector<16xf32>
    %get3A_421 = arith.constant 496 : index
    %get3A_422 = tpu.vector_load %arg8[%get3A_421] {strides = array<i32>} : memref<1024xf32, #tpu.memory_space<vmem>>, vector<16xf32>,
    %add3A_423 = arith.addf %add3A_420, %get3A_422 : vector<16xf32>
    %get3A_424 = arith.constant 560 : index
    %get3A_425 = tpu.vector_load %arg8[%get3A_424] {strides = array<i32>} : memref<1024xf32, #tpu.memory_space<vmem>>, vector<16xf32>,
    %add3A_426 = arith.addf %add3A_423, %get3A_425 : vector<16xf32>
    %get3A_427 = arith.constant 624 : index
    %get3A_428 = tpu.vector_load %arg8[%get3A_427] {strides = array<i32>} : memref<1024xf32, #tpu.memory_space<vmem>>, vector<16xf32>,
    %add3A_429 = arith.addf %add3A_426, %get3A_428 : vector<16xf32>
    %get3A_430 = arith.constant 688 : index
    %get3A_431 = tpu.vector_load %arg8[%get3A_430] {strides = array<i32>} : memref<1024xf32, #tpu.memory_space<vmem>>, vector<16xf32>,
    %add3A_432 = arith.addf %add3A_429, %get3A_431 : vector<16xf32>
    %get3A_433 = arith.constant 752 : index
    %get3A_434 = tpu.vector_load %arg8[%get3A_433] {strides = array<i32>} : memref<1024xf32, #tpu.memory_space<vmem>>, vector<16xf32>,
    %add3A_435 = arith.addf %add3A_432, %get3A_434 : vector<16xf32>
    %get3A_436 = arith.constant 816 : index
    %get3A_437 = tpu.vector_load %arg8[%get3A_436] {strides = array<i32>} : memref<1024xf32, #tpu.memory_space<vmem>>, vector<16xf32>,
    %add3A_438 = arith.addf %add3A_435, %get3A_437 : vector<16xf32>
    %get3A_439 = arith.constant 880 : index
    %get3A_440 = tpu.vector_load %arg8[%get3A_439] {strides = array<i32>} : memref<1024xf32, #tpu.memory_space<vmem>>, vector<16xf32>,
    %add3A_441 = arith.addf %add3A_438, %get3A_440 : vector<16xf32>
    %get3A_442 = arith.constant 944 : index
    %get3A_443 = tpu.vector_load %arg8[%get3A_442] {strides = array<i32>} : memref<1024xf32, #tpu.memory_space<vmem>>, vector<16xf32>,
    %add3A_444 = arith.addf %add3A_441, %get3A_443 : vector<16xf32>
    %get3A_445 = arith.constant 1008 : index
    %get3A_446 = tpu.vector_load %arg8[%get3A_445] {strides = array<i32>} : memref<1024xf32, #tpu.memory_space<vmem>>, vector<16xf32>,
    %add3A_447 = arith.addf %add3A_444, %get3A_446 : vector<16xf32>
    %bitcast3A_448 = vector.bitcast %add3A_447 : vector<16xf32> to vector<16xi32>
    %shift_right_arithmetic3A_449 = arith.constant 1 : i32
    %shift_right_arithmetic3A_450 = vector.broadcast %shift_right_arithmetic3A_449 : i32 to vector<16xi32>
    %shift_right_arithmetic3A_451 = arith.shrsi %bitcast3A_448, %shift_right_arithmetic3A_450 : vector<16xi32>
    %sub3A_452 = arith.constant 1597463007 : i32
    %sub3A_453 = vector.broadcast %sub3A_452 : i32 to vector<16xi32>
    %sub3A_454 = arith.subi %sub3A_453, %shift_right_arithmetic3A_451 : vector<16xi32>
    %bitcast3A_455 = vector.bitcast %sub3A_454 : vector<16xi32> to vector<16xf32>
    %mul3A_456 = arith.constant 5.000000e-01 : f32
    %mul3A_457 = vector.broadcast %mul3A_456 : f32 to vector<16xf32>
    %mul3A_458 = arith.mulf %mul3A_457, %add3A_447 : vector<16xf32>
    %mul3A_459 = arith.mulf %mul3A_458, %bitcast3A_455 : vector<16xf32>
    %mul3A_460 = arith.mulf %mul3A_459, %bitcast3A_455 : vector<16xf32>
    %sub3A_461 = arith.constant 1.500000e+00 : f32
    %sub3A_462 = vector.broadcast %sub3A_461 : f32 to vector<16xf32>
    %sub3A_463 = arith.subf %sub3A_462, %mul3A_460 : vector<16xf32>
    %mul3A_464 = arith.mulf %bitcast3A_455, %sub3A_463 : vector<16xf32>
    %mul3A_465 = arith.constant 5.000000e-01 : f32
    %mul3A_466 = vector.broadcast %mul3A_465 : f32 to vector<16xf32>
    %mul3A_467 = arith.mulf %mul3A_466, %add3A_447 : vector<16xf32>
    %mul3A_468 = arith.mulf %mul3A_467, %mul3A_464 : vector<16xf32>
    %mul3A_469 = arith.mulf %mul3A_468, %mul3A_464 : vector<16xf32>
    %sub3A_470 = arith.constant 1.500000e+00 : f32
    %sub3A_471 = vector.broadcast %sub3A_470 : f32 to vector<16xf32>
    %sub3A_472 = arith.subf %sub3A_471, %mul3A_469 : vector<16xf32>
    %mul3A_473 = arith.mulf %mul3A_464, %sub3A_472 : vector<16xf32>
    %mul3A_474 = arith.constant 5.000000e-01 : f32
    %mul3A_475 = vector.broadcast %mul3A_474 : f32 to vector<16xf32>
    %mul3A_476 = arith.mulf %mul3A_475, %add3A_447 : vector<16xf32>
    %mul3A_477 = arith.mulf %mul3A_476, %mul3A_473 : vector<16xf32>
    %mul3A_478 = arith.mulf %mul3A_477, %mul3A_473 : vector<16xf32>
    %sub3A_479 = arith.constant 1.500000e+00 : f32
    %sub3A_480 = vector.broadcast %sub3A_479 : f32 to vector<16xf32>
    %sub3A_481 = arith.subf %sub3A_480, %mul3A_478 : vector<16xf32>
    %mul3A_482 = arith.mulf %mul3A_473, %sub3A_481 : vector<16xf32>
    %swap3A_483 = arith.constant 48 : index
    %swap3A_484 = tpu.vector_load %arg10[%swap3A_483] {strides = array<i32>} : memref<64xf32, #tpu.memory_space<vmem>>, vector<16xf32>,
    tpu.vector_store %arg10[%swap3A_483], %mul3A_482 {strides = array<i32>} : memref<64xf32, #tpu.memory_space<vmem>>, vector<16xf32>,
    %mul3A_485 = arith.constant 64 : i32
    %mul3A_486 = arith.muli %arg1, %mul3A_485 : i32
    "tpu.region"() ({
      %run_scoped3A = tpu.sem_alloc : memref<!tpu.dma_semaphore, #tpu.memory_space<semaphore_mem>>
      %dma_start3A = tpu.memref_slice %arg13[%mul3A_486] : memref<1024xf32, #tpu.memory_space<vmem_shared>> -> memref<64xf32, #tpu.memory_space<vmem_shared>>
      %dma_start3A_542 = tpu.memref_slice %arg13[%mul3A_486] : memref<1024xf32, #tpu.memory_space<vmem_shared>> -> memref<64xf32, #tpu.memory_space<vmem_shared>>
      tpu.enqueue_dma source(%arg10 : memref<64xf32, #tpu.memory_space<vmem>>) target(%dma_start3A_542 : memref<64xf32, #tpu.memory_space<vmem_shared>>) target_semaphore(%run_scoped3A : memref<!tpu.dma_semaphore, #tpu.memory_space<semaphore_mem>>)
      %dma_wait3A = tpu.memref_slice %arg13[%mul3A_486] : memref<1024xf32, #tpu.memory_space<vmem_shared>> -> memref<64xf32, #tpu.memory_space<vmem_shared>>
      %dma_wait3A_543 = tpu.memref_slice %arg13[%mul3A_486] : memref<1024xf32, #tpu.memory_space<vmem_shared>> -> memref<64xf32, #tpu.memory_space<vmem_shared>>
      tpu.wait_dma2 semaphore(%run_scoped3A : memref<!tpu.dma_semaphore, #tpu.memory_space<semaphore_mem>>) src(%arg10 : memref<64xf32, #tpu.memory_space<vmem>>) dst(%dma_wait3A_543 : memref<64xf32, #tpu.memory_space<vmem_shared>>)
      tpu.yield
    }) : () -> ()
    %barrier3A_487 = arith.constant 0 : index
    tpu.barrier barrier_id(%barrier3A_487)
    "tpu.region"() ({
      %run_scoped3A = tpu.sem_alloc : memref<!tpu.dma_semaphore, #tpu.memory_space<semaphore_mem>>
      tpu.enqueue_dma source(%arg13 : memref<1024xf32, #tpu.memory_space<vmem_shared>>) target(%arg9 : memref<1024xf32, #tpu.memory_space<vmem>>) target_semaphore(%run_scoped3A : memref<!tpu.dma_semaphore, #tpu.memory_space<semaphore_mem>>)
      tpu.wait_dma2 semaphore(%run_scoped3A : memref<!tpu.dma_semaphore, #tpu.memory_space<semaphore_mem>>) src(%arg13 : memref<1024xf32, #tpu.memory_space<vmem_shared>>) dst(%arg9 : memref<1024xf32, #tpu.memory_space<vmem>>)
      tpu.yield
    }) : () -> ()
    %scan3A_488 = arith.constant 0 : i32
    %scan3A_489 = arith.constant 0 : i32
    %scan3A_490 = arith.constant 2000 : i32
    %scan3A_491 = arith.addi %scan3A_489, %scan3A_490 : i32
    %scan3A_492 = arith.constant 16 : i32
    scf.for %scan3A_542 = %scan3A_489 to %scan3A_491 step %scan3A_492  : i32 {
      %mul3A_543 = arith.constant 16 : i32
      %mul3A_544 = arith.muli %scan3A_542, %mul3A_543 : i32
      %swap3A_545 = arith.index_cast %mul3A_544 : i32 to index
      %swap3A_546 = tpu.vector_load %arg11[%swap3A_545] {strides = array<i32>} : memref<32000xf32, #tpu.memory_space<vmem>>, vector<16xf32>,
      tpu.vector_store %arg11[%swap3A_545], %broadcast_in_dim3A_5 {strides = array<i32>} : memref<32000xf32, #tpu.memory_space<vmem>>, vector<16xf32>,
      %scan3A_547 = arith.constant 1 : i32
      %scan3A_548 = arith.addi %scan3A_542, %scan3A_547 : i32
      %mul3A_549 = arith.constant 16 : i32
      %mul3A_550 = arith.muli %scan3A_548, %mul3A_549 : i32
      %swap3A_551 = arith.index_cast %mul3A_550 : i32 to index
      %swap3A_552 = tpu.vector_load %arg11[%swap3A_551] {strides = array<i32>} : memref<32000xf32, #tpu.memory_space<vmem>>, vector<16xf32>,
      tpu.vector_store %arg11[%swap3A_551], %broadcast_in_dim3A_5 {strides = array<i32>} : memref<32000xf32, #tpu.memory_space<vmem>>, vector<16xf32>,
      %scan3A_553 = arith.constant 2 : i32
      %scan3A_554 = arith.addi %scan3A_542, %scan3A_553 : i32
      %mul3A_555 = arith.constant 16 : i32
      %mul3A_556 = arith.muli %scan3A_554, %mul3A_555 : i32
      %swap3A_557 = arith.index_cast %mul3A_556 : i32 to index
      %swap3A_558 = tpu.vector_load %arg11[%swap3A_557] {strides = array<i32>} : memref<32000xf32, #tpu.memory_space<vmem>>, vector<16xf32>,
      tpu.vector_store %arg11[%swap3A_557], %broadcast_in_dim3A_5 {strides = array<i32>} : memref<32000xf32, #tpu.memory_space<vmem>>, vector<16xf32>,
      %scan3A_559 = arith.constant 3 : i32
      %scan3A_560 = arith.addi %scan3A_542, %scan3A_559 : i32
      %mul3A_561 = arith.constant 16 : i32
      %mul3A_562 = arith.muli %scan3A_560, %mul3A_561 : i32
      %swap3A_563 = arith.index_cast %mul3A_562 : i32 to index
      %swap3A_564 = tpu.vector_load %arg11[%swap3A_563] {strides = array<i32>} : memref<32000xf32, #tpu.memory_space<vmem>>, vector<16xf32>,
      tpu.vector_store %arg11[%swap3A_563], %broadcast_in_dim3A_5 {strides = array<i32>} : memref<32000xf32, #tpu.memory_space<vmem>>, vector<16xf32>,
      %scan3A_565 = arith.constant 4 : i32
      %scan3A_566 = arith.addi %scan3A_542, %scan3A_565 : i32
      %mul3A_567 = arith.constant 16 : i32
      %mul3A_568 = arith.muli %scan3A_566, %mul3A_567 : i32
      %swap3A_569 = arith.index_cast %mul3A_568 : i32 to index
      %swap3A_570 = tpu.vector_load %arg11[%swap3A_569] {strides = array<i32>} : memref<32000xf32, #tpu.memory_space<vmem>>, vector<16xf32>,
      tpu.vector_store %arg11[%swap3A_569], %broadcast_in_dim3A_5 {strides = array<i32>} : memref<32000xf32, #tpu.memory_space<vmem>>, vector<16xf32>,
      %scan3A_571 = arith.constant 5 : i32
      %scan3A_572 = arith.addi %scan3A_542, %scan3A_571 : i32
      %mul3A_573 = arith.constant 16 : i32
      %mul3A_574 = arith.muli %scan3A_572, %mul3A_573 : i32
      %swap3A_575 = arith.index_cast %mul3A_574 : i32 to index
      %swap3A_576 = tpu.vector_load %arg11[%swap3A_575] {strides = array<i32>} : memref<32000xf32, #tpu.memory_space<vmem>>, vector<16xf32>,
      tpu.vector_store %arg11[%swap3A_575], %broadcast_in_dim3A_5 {strides = array<i32>} : memref<32000xf32, #tpu.memory_space<vmem>>, vector<16xf32>,
      %scan3A_577 = arith.constant 6 : i32
      %scan3A_578 = arith.addi %scan3A_542, %scan3A_577 : i32
      %mul3A_579 = arith.constant 16 : i32
      %mul3A_580 = arith.muli %scan3A_578, %mul3A_579 : i32
      %swap3A_581 = arith.index_cast %mul3A_580 : i32 to index
      %swap3A_582 = tpu.vector_load %arg11[%swap3A_581] {strides = array<i32>} : memref<32000xf32, #tpu.memory_space<vmem>>, vector<16xf32>,
      tpu.vector_store %arg11[%swap3A_581], %broadcast_in_dim3A_5 {strides = array<i32>} : memref<32000xf32, #tpu.memory_space<vmem>>, vector<16xf32>,
      %scan3A_583 = arith.constant 7 : i32
      %scan3A_584 = arith.addi %scan3A_542, %scan3A_583 : i32
      %mul3A_585 = arith.constant 16 : i32
      %mul3A_586 = arith.muli %scan3A_584, %mul3A_585 : i32
      %swap3A_587 = arith.index_cast %mul3A_586 : i32 to index
      %swap3A_588 = tpu.vector_load %arg11[%swap3A_587] {strides = array<i32>} : memref<32000xf32, #tpu.memory_space<vmem>>, vector<16xf32>,
      tpu.vector_store %arg11[%swap3A_587], %broadcast_in_dim3A_5 {strides = array<i32>} : memref<32000xf32, #tpu.memory_space<vmem>>, vector<16xf32>,
      %scan3A_589 = arith.constant 8 : i32
      %scan3A_590 = arith.addi %scan3A_542, %scan3A_589 : i32
      %mul3A_591 = arith.constant 16 : i32
      %mul3A_592 = arith.muli %scan3A_590, %mul3A_591 : i32
      %swap3A_593 = arith.index_cast %mul3A_592 : i32 to index
      %swap3A_594 = tpu.vector_load %arg11[%swap3A_593] {strides = array<i32>} : memref<32000xf32, #tpu.memory_space<vmem>>, vector<16xf32>,
      tpu.vector_store %arg11[%swap3A_593], %broadcast_in_dim3A_5 {strides = array<i32>} : memref<32000xf32, #tpu.memory_space<vmem>>, vector<16xf32>,
      %scan3A_595 = arith.constant 9 : i32
      %scan3A_596 = arith.addi %scan3A_542, %scan3A_595 : i32
      %mul3A_597 = arith.constant 16 : i32
      %mul3A_598 = arith.muli %scan3A_596, %mul3A_597 : i32
      %swap3A_599 = arith.index_cast %mul3A_598 : i32 to index
      %swap3A_600 = tpu.vector_load %arg11[%swap3A_599] {strides = array<i32>} : memref<32000xf32, #tpu.memory_space<vmem>>, vector<16xf32>,
      tpu.vector_store %arg11[%swap3A_599], %broadcast_in_dim3A_5 {strides = array<i32>} : memref<32000xf32, #tpu.memory_space<vmem>>, vector<16xf32>,
      %scan3A_601 = arith.constant 10 : i32
      %scan3A_602 = arith.addi %scan3A_542, %scan3A_601 : i32
      %mul3A_603 = arith.constant 16 : i32
      %mul3A_604 = arith.muli %scan3A_602, %mul3A_603 : i32
      %swap3A_605 = arith.index_cast %mul3A_604 : i32 to index
      %swap3A_606 = tpu.vector_load %arg11[%swap3A_605] {strides = array<i32>} : memref<32000xf32, #tpu.memory_space<vmem>>, vector<16xf32>,
      tpu.vector_store %arg11[%swap3A_605], %broadcast_in_dim3A_5 {strides = array<i32>} : memref<32000xf32, #tpu.memory_space<vmem>>, vector<16xf32>,
      %scan3A_607 = arith.constant 11 : i32
      %scan3A_608 = arith.addi %scan3A_542, %scan3A_607 : i32
      %mul3A_609 = arith.constant 16 : i32
      %mul3A_610 = arith.muli %scan3A_608, %mul3A_609 : i32
      %swap3A_611 = arith.index_cast %mul3A_610 : i32 to index
      %swap3A_612 = tpu.vector_load %arg11[%swap3A_611] {strides = array<i32>} : memref<32000xf32, #tpu.memory_space<vmem>>, vector<16xf32>,
      tpu.vector_store %arg11[%swap3A_611], %broadcast_in_dim3A_5 {strides = array<i32>} : memref<32000xf32, #tpu.memory_space<vmem>>, vector<16xf32>,
      %scan3A_613 = arith.constant 12 : i32
      %scan3A_614 = arith.addi %scan3A_542, %scan3A_613 : i32
      %mul3A_615 = arith.constant 16 : i32
      %mul3A_616 = arith.muli %scan3A_614, %mul3A_615 : i32
      %swap3A_617 = arith.index_cast %mul3A_616 : i32 to index
      %swap3A_618 = tpu.vector_load %arg11[%swap3A_617] {strides = array<i32>} : memref<32000xf32, #tpu.memory_space<vmem>>, vector<16xf32>,
      tpu.vector_store %arg11[%swap3A_617], %broadcast_in_dim3A_5 {strides = array<i32>} : memref<32000xf32, #tpu.memory_space<vmem>>, vector<16xf32>,
      %scan3A_619 = arith.constant 13 : i32
      %scan3A_620 = arith.addi %scan3A_542, %scan3A_619 : i32
      %mul3A_621 = arith.constant 16 : i32
      %mul3A_622 = arith.muli %scan3A_620, %mul3A_621 : i32
      %swap3A_623 = arith.index_cast %mul3A_622 : i32 to index
      %swap3A_624 = tpu.vector_load %arg11[%swap3A_623] {strides = array<i32>} : memref<32000xf32, #tpu.memory_space<vmem>>, vector<16xf32>,
      tpu.vector_store %arg11[%swap3A_623], %broadcast_in_dim3A_5 {strides = array<i32>} : memref<32000xf32, #tpu.memory_space<vmem>>, vector<16xf32>,
      %scan3A_625 = arith.constant 14 : i32
      %scan3A_626 = arith.addi %scan3A_542, %scan3A_625 : i32
      %mul3A_627 = arith.constant 16 : i32
      %mul3A_628 = arith.muli %scan3A_626, %mul3A_627 : i32
      %swap3A_629 = arith.index_cast %mul3A_628 : i32 to index
      %swap3A_630 = tpu.vector_load %arg11[%swap3A_629] {strides = array<i32>} : memref<32000xf32, #tpu.memory_space<vmem>>, vector<16xf32>,
      tpu.vector_store %arg11[%swap3A_629], %broadcast_in_dim3A_5 {strides = array<i32>} : memref<32000xf32, #tpu.memory_space<vmem>>, vector<16xf32>,
      %scan3A_631 = arith.constant 15 : i32
      %scan3A_632 = arith.addi %scan3A_542, %scan3A_631 : i32
      %mul3A_633 = arith.constant 16 : i32
      %mul3A_634 = arith.muli %scan3A_632, %mul3A_633 : i32
      %swap3A_635 = arith.index_cast %mul3A_634 : i32 to index
      %swap3A_636 = tpu.vector_load %arg11[%swap3A_635] {strides = array<i32>} : memref<32000xf32, #tpu.memory_space<vmem>>, vector<16xf32>,
      tpu.vector_store %arg11[%swap3A_635], %broadcast_in_dim3A_5 {strides = array<i32>} : memref<32000xf32, #tpu.memory_space<vmem>>, vector<16xf32>,
    }
    %scan3A_493 = arith.constant 2000 : i32
    %scan3A_494 = arith.constant 0 : i32
    %scan3A_495 = arith.constant 0 : i32
    %scan3A_496 = arith.constant 1000 : i32
    %scan3A_497 = arith.addi %scan3A_495, %scan3A_496 : i32
    %scan3A_498 = arith.constant 8 : i32
    scf.for %scan3A_542 = %scan3A_495 to %scan3A_497 step %scan3A_498  : i32 {
      %mul3A_543 = arith.constant 16 : i32
      %mul3A_544 = arith.muli %scan3A_542, %mul3A_543 : i32
      %get3A_545 = arith.index_cast %mul3A_544 : i32 to index
      %get3A_546 = tpu.vector_load %arg5[%get3A_545] {strides = array<i32>} : memref<16000xi32, #tpu.memory_space<vmem>>, vector<16xi32>,
      %mul3A_547 = arith.constant 16 : i32
      %mul3A_548 = arith.muli %scan3A_542, %mul3A_547 : i32
      %get3A_549 = arith.index_cast %mul3A_548 : i32 to index
      %get3A_550 = tpu.vector_load %arg6[%get3A_549] {strides = array<i32>} : memref<16000xi32, #tpu.memory_space<vmem>>, vector<16xi32>,
      %ge3A = vector.broadcast %mul3A_2 : i32 to vector<16xi32>
      %ge3A_551 = arith.cmpi sge, %get3A_550, %ge3A : vector<16xi32>
      %add3A_552 = arith.constant 32 : i32
      %add3A_553 = arith.addi %mul3A_2, %add3A_552 : i32
      %lt3A_554 = vector.broadcast %add3A_553 : i32 to vector<16xi32>
      %lt3A_555 = arith.cmpi slt, %get3A_550, %lt3A_554 : vector<16xi32>
      %and3A = arith.andi %ge3A_551, %lt3A_555 : vector<16xi1>
      %gather3A_556 = tpu.vector_load_idx %arg9[%get3A_546] : memref<1024xf32, #tpu.memory_space<vmem>>[vector<16xi32>], vector<16xf32>,
      %gather3A_557 = tpu.vector_load_idx %arg9[%get3A_550] : memref<1024xf32, #tpu.memory_space<vmem>>[vector<16xi32>], vector<16xf32>,
      %mul3A_558 = arith.mulf %gather3A_556, %gather3A_557 : vector<16xf32>
      %sub3A_559 = vector.broadcast %mul3A_2 : i32 to vector<16xi32>
      %sub3A_560 = arith.subi %get3A_550, %sub3A_559 : vector<16xi32>
      %mul3A_561 = arith.constant 1000 : i32
      %mul3A_562 = vector.broadcast %mul3A_561 : i32 to vector<16xi32>
      %mul3A_563 = arith.muli %sub3A_560, %mul3A_562 : vector<16xi32>
      %add3A_564 = arith.addi %mul3A_563, %get3A_546 : vector<16xi32>
      %jit3A_565 = arith.constant 0 : i32
      %broadcast_in_dim3A_566 = vector.broadcast %jit3A_565 : i32 to vector<16xi32>
      %select_n3A_567 = arith.select %and3A, %add3A_564, %broadcast_in_dim3A_566 : vector<16xi1>, vector<16xi32>
      %unique3A, %unique3A_568 = tpu.scan_count mask(%and3A : vector<16xi1>) value(%select_n3A_567 : vector<16xi32>) : vector<16xi1>, vector<16xi32>
      %convert_element_type3A_569 = arith.sitofp %unique3A_568 : vector<16xi32> to vector<16xf32>
      %mul3A_570 = arith.mulf %mul3A_558, %convert_element_type3A_569 : vector<16xf32>
      tpu.vector_store_idx %arg11[%select_n3A_567], %mul3A_570 masked %unique3A {add = true} : memref<32000xf32, #tpu.memory_space<vmem>>[vector<16xi32>], vector<16xf32>, vector<16xi1>
      %scan3A_571 = arith.constant 1 : i32
      %scan3A_572 = arith.addi %scan3A_542, %scan3A_571 : i32
      %mul3A_573 = arith.constant 16 : i32
      %mul3A_574 = arith.muli %scan3A_572, %mul3A_573 : i32
      %get3A_575 = arith.index_cast %mul3A_574 : i32 to index
      %get3A_576 = tpu.vector_load %arg5[%get3A_575] {strides = array<i32>} : memref<16000xi32, #tpu.memory_space<vmem>>, vector<16xi32>,
      %mul3A_577 = arith.constant 16 : i32
      %mul3A_578 = arith.muli %scan3A_572, %mul3A_577 : i32
      %get3A_579 = arith.index_cast %mul3A_578 : i32 to index
      %get3A_580 = tpu.vector_load %arg6[%get3A_579] {strides = array<i32>} : memref<16000xi32, #tpu.memory_space<vmem>>, vector<16xi32>,
      %ge3A_581 = vector.broadcast %mul3A_2 : i32 to vector<16xi32>
      %ge3A_582 = arith.cmpi sge, %get3A_580, %ge3A_581 : vector<16xi32>
      %add3A_583 = arith.constant 32 : i32
      %add3A_584 = arith.addi %mul3A_2, %add3A_583 : i32
      %lt3A_585 = vector.broadcast %add3A_584 : i32 to vector<16xi32>
      %lt3A_586 = arith.cmpi slt, %get3A_580, %lt3A_585 : vector<16xi32>
      %and3A_587 = arith.andi %ge3A_582, %lt3A_586 : vector<16xi1>
      %gather3A_588 = tpu.vector_load_idx %arg9[%get3A_576] : memref<1024xf32, #tpu.memory_space<vmem>>[vector<16xi32>], vector<16xf32>,
      %gather3A_589 = tpu.vector_load_idx %arg9[%get3A_580] : memref<1024xf32, #tpu.memory_space<vmem>>[vector<16xi32>], vector<16xf32>,
      %mul3A_590 = arith.mulf %gather3A_588, %gather3A_589 : vector<16xf32>
      %sub3A_591 = vector.broadcast %mul3A_2 : i32 to vector<16xi32>
      %sub3A_592 = arith.subi %get3A_580, %sub3A_591 : vector<16xi32>
      %mul3A_593 = arith.constant 1000 : i32
      %mul3A_594 = vector.broadcast %mul3A_593 : i32 to vector<16xi32>
      %mul3A_595 = arith.muli %sub3A_592, %mul3A_594 : vector<16xi32>
      %add3A_596 = arith.addi %mul3A_595, %get3A_576 : vector<16xi32>
      %jit3A_597 = arith.constant 0 : i32
      %broadcast_in_dim3A_598 = vector.broadcast %jit3A_597 : i32 to vector<16xi32>
      %select_n3A_599 = arith.select %and3A_587, %add3A_596, %broadcast_in_dim3A_598 : vector<16xi1>, vector<16xi32>
      %unique3A_600, %unique3A_601 = tpu.scan_count mask(%and3A_587 : vector<16xi1>) value(%select_n3A_599 : vector<16xi32>) : vector<16xi1>, vector<16xi32>
      %convert_element_type3A_602 = arith.sitofp %unique3A_601 : vector<16xi32> to vector<16xf32>
      %mul3A_603 = arith.mulf %mul3A_590, %convert_element_type3A_602 : vector<16xf32>
      tpu.vector_store_idx %arg11[%select_n3A_599], %mul3A_603 masked %unique3A_600 {add = true} : memref<32000xf32, #tpu.memory_space<vmem>>[vector<16xi32>], vector<16xf32>, vector<16xi1>
      %scan3A_604 = arith.constant 2 : i32
      %scan3A_605 = arith.addi %scan3A_542, %scan3A_604 : i32
      %mul3A_606 = arith.constant 16 : i32
      %mul3A_607 = arith.muli %scan3A_605, %mul3A_606 : i32
      %get3A_608 = arith.index_cast %mul3A_607 : i32 to index
      %get3A_609 = tpu.vector_load %arg5[%get3A_608] {strides = array<i32>} : memref<16000xi32, #tpu.memory_space<vmem>>, vector<16xi32>,
      %mul3A_610 = arith.constant 16 : i32
      %mul3A_611 = arith.muli %scan3A_605, %mul3A_610 : i32
      %get3A_612 = arith.index_cast %mul3A_611 : i32 to index
      %get3A_613 = tpu.vector_load %arg6[%get3A_612] {strides = array<i32>} : memref<16000xi32, #tpu.memory_space<vmem>>, vector<16xi32>,
      %ge3A_614 = vector.broadcast %mul3A_2 : i32 to vector<16xi32>
      %ge3A_615 = arith.cmpi sge, %get3A_613, %ge3A_614 : vector<16xi32>
      %add3A_616 = arith.constant 32 : i32
      %add3A_617 = arith.addi %mul3A_2, %add3A_616 : i32
      %lt3A_618 = vector.broadcast %add3A_617 : i32 to vector<16xi32>
      %lt3A_619 = arith.cmpi slt, %get3A_613, %lt3A_618 : vector<16xi32>
      %and3A_620 = arith.andi %ge3A_615, %lt3A_619 : vector<16xi1>
      %gather3A_621 = tpu.vector_load_idx %arg9[%get3A_609] : memref<1024xf32, #tpu.memory_space<vmem>>[vector<16xi32>], vector<16xf32>,
      %gather3A_622 = tpu.vector_load_idx %arg9[%get3A_613] : memref<1024xf32, #tpu.memory_space<vmem>>[vector<16xi32>], vector<16xf32>,
      %mul3A_623 = arith.mulf %gather3A_621, %gather3A_622 : vector<16xf32>
      %sub3A_624 = vector.broadcast %mul3A_2 : i32 to vector<16xi32>
      %sub3A_625 = arith.subi %get3A_613, %sub3A_624 : vector<16xi32>
      %mul3A_626 = arith.constant 1000 : i32
      %mul3A_627 = vector.broadcast %mul3A_626 : i32 to vector<16xi32>
      %mul3A_628 = arith.muli %sub3A_625, %mul3A_627 : vector<16xi32>
      %add3A_629 = arith.addi %mul3A_628, %get3A_609 : vector<16xi32>
      %jit3A_630 = arith.constant 0 : i32
      %broadcast_in_dim3A_631 = vector.broadcast %jit3A_630 : i32 to vector<16xi32>
      %select_n3A_632 = arith.select %and3A_620, %add3A_629, %broadcast_in_dim3A_631 : vector<16xi1>, vector<16xi32>
      %unique3A_633, %unique3A_634 = tpu.scan_count mask(%and3A_620 : vector<16xi1>) value(%select_n3A_632 : vector<16xi32>) : vector<16xi1>, vector<16xi32>
      %convert_element_type3A_635 = arith.sitofp %unique3A_634 : vector<16xi32> to vector<16xf32>
      %mul3A_636 = arith.mulf %mul3A_623, %convert_element_type3A_635 : vector<16xf32>
      tpu.vector_store_idx %arg11[%select_n3A_632], %mul3A_636 masked %unique3A_633 {add = true} : memref<32000xf32, #tpu.memory_space<vmem>>[vector<16xi32>], vector<16xf32>, vector<16xi1>
      %scan3A_637 = arith.constant 3 : i32
      %scan3A_638 = arith.addi %scan3A_542, %scan3A_637 : i32
      %mul3A_639 = arith.constant 16 : i32
      %mul3A_640 = arith.muli %scan3A_638, %mul3A_639 : i32
      %get3A_641 = arith.index_cast %mul3A_640 : i32 to index
      %get3A_642 = tpu.vector_load %arg5[%get3A_641] {strides = array<i32>} : memref<16000xi32, #tpu.memory_space<vmem>>, vector<16xi32>,
      %mul3A_643 = arith.constant 16 : i32
      %mul3A_644 = arith.muli %scan3A_638, %mul3A_643 : i32
      %get3A_645 = arith.index_cast %mul3A_644 : i32 to index
      %get3A_646 = tpu.vector_load %arg6[%get3A_645] {strides = array<i32>} : memref<16000xi32, #tpu.memory_space<vmem>>, vector<16xi32>,
      %ge3A_647 = vector.broadcast %mul3A_2 : i32 to vector<16xi32>
      %ge3A_648 = arith.cmpi sge, %get3A_646, %ge3A_647 : vector<16xi32>
      %add3A_649 = arith.constant 32 : i32
      %add3A_650 = arith.addi %mul3A_2, %add3A_649 : i32
      %lt3A_651 = vector.broadcast %add3A_650 : i32 to vector<16xi32>
      %lt3A_652 = arith.cmpi slt, %get3A_646, %lt3A_651 : vector<16xi32>
      %and3A_653 = arith.andi %ge3A_648, %lt3A_652 : vector<16xi1>
      %gather3A_654 = tpu.vector_load_idx %arg9[%get3A_642] : memref<1024xf32, #tpu.memory_space<vmem>>[vector<16xi32>], vector<16xf32>,
      %gather3A_655 = tpu.vector_load_idx %arg9[%get3A_646] : memref<1024xf32, #tpu.memory_space<vmem>>[vector<16xi32>], vector<16xf32>,
      %mul3A_656 = arith.mulf %gather3A_654, %gather3A_655 : vector<16xf32>
      %sub3A_657 = vector.broadcast %mul3A_2 : i32 to vector<16xi32>
      %sub3A_658 = arith.subi %get3A_646, %sub3A_657 : vector<16xi32>
      %mul3A_659 = arith.constant 1000 : i32
      %mul3A_660 = vector.broadcast %mul3A_659 : i32 to vector<16xi32>
      %mul3A_661 = arith.muli %sub3A_658, %mul3A_660 : vector<16xi32>
      %add3A_662 = arith.addi %mul3A_661, %get3A_642 : vector<16xi32>
      %jit3A_663 = arith.constant 0 : i32
      %broadcast_in_dim3A_664 = vector.broadcast %jit3A_663 : i32 to vector<16xi32>
      %select_n3A_665 = arith.select %and3A_653, %add3A_662, %broadcast_in_dim3A_664 : vector<16xi1>, vector<16xi32>
      %unique3A_666, %unique3A_667 = tpu.scan_count mask(%and3A_653 : vector<16xi1>) value(%select_n3A_665 : vector<16xi32>) : vector<16xi1>, vector<16xi32>
      %convert_element_type3A_668 = arith.sitofp %unique3A_667 : vector<16xi32> to vector<16xf32>
      %mul3A_669 = arith.mulf %mul3A_656, %convert_element_type3A_668 : vector<16xf32>
      tpu.vector_store_idx %arg11[%select_n3A_665], %mul3A_669 masked %unique3A_666 {add = true} : memref<32000xf32, #tpu.memory_space<vmem>>[vector<16xi32>], vector<16xf32>, vector<16xi1>
      %scan3A_670 = arith.constant 4 : i32
      %scan3A_671 = arith.addi %scan3A_542, %scan3A_670 : i32
      %mul3A_672 = arith.constant 16 : i32
      %mul3A_673 = arith.muli %scan3A_671, %mul3A_672 : i32
      %get3A_674 = arith.index_cast %mul3A_673 : i32 to index
      %get3A_675 = tpu.vector_load %arg5[%get3A_674] {strides = array<i32>} : memref<16000xi32, #tpu.memory_space<vmem>>, vector<16xi32>,
      %mul3A_676 = arith.constant 16 : i32
      %mul3A_677 = arith.muli %scan3A_671, %mul3A_676 : i32
      %get3A_678 = arith.index_cast %mul3A_677 : i32 to index
      %get3A_679 = tpu.vector_load %arg6[%get3A_678] {strides = array<i32>} : memref<16000xi32, #tpu.memory_space<vmem>>, vector<16xi32>,
      %ge3A_680 = vector.broadcast %mul3A_2 : i32 to vector<16xi32>
      %ge3A_681 = arith.cmpi sge, %get3A_679, %ge3A_680 : vector<16xi32>
      %add3A_682 = arith.constant 32 : i32
      %add3A_683 = arith.addi %mul3A_2, %add3A_682 : i32
      %lt3A_684 = vector.broadcast %add3A_683 : i32 to vector<16xi32>
      %lt3A_685 = arith.cmpi slt, %get3A_679, %lt3A_684 : vector<16xi32>
      %and3A_686 = arith.andi %ge3A_681, %lt3A_685 : vector<16xi1>
      %gather3A_687 = tpu.vector_load_idx %arg9[%get3A_675] : memref<1024xf32, #tpu.memory_space<vmem>>[vector<16xi32>], vector<16xf32>,
      %gather3A_688 = tpu.vector_load_idx %arg9[%get3A_679] : memref<1024xf32, #tpu.memory_space<vmem>>[vector<16xi32>], vector<16xf32>,
      %mul3A_689 = arith.mulf %gather3A_687, %gather3A_688 : vector<16xf32>
      %sub3A_690 = vector.broadcast %mul3A_2 : i32 to vector<16xi32>
      %sub3A_691 = arith.subi %get3A_679, %sub3A_690 : vector<16xi32>
      %mul3A_692 = arith.constant 1000 : i32
      %mul3A_693 = vector.broadcast %mul3A_692 : i32 to vector<16xi32>
      %mul3A_694 = arith.muli %sub3A_691, %mul3A_693 : vector<16xi32>
      %add3A_695 = arith.addi %mul3A_694, %get3A_675 : vector<16xi32>
      %jit3A_696 = arith.constant 0 : i32
      %broadcast_in_dim3A_697 = vector.broadcast %jit3A_696 : i32 to vector<16xi32>
      %select_n3A_698 = arith.select %and3A_686, %add3A_695, %broadcast_in_dim3A_697 : vector<16xi1>, vector<16xi32>
      %unique3A_699, %unique3A_700 = tpu.scan_count mask(%and3A_686 : vector<16xi1>) value(%select_n3A_698 : vector<16xi32>) : vector<16xi1>, vector<16xi32>
      %convert_element_type3A_701 = arith.sitofp %unique3A_700 : vector<16xi32> to vector<16xf32>
      %mul3A_702 = arith.mulf %mul3A_689, %convert_element_type3A_701 : vector<16xf32>
      tpu.vector_store_idx %arg11[%select_n3A_698], %mul3A_702 masked %unique3A_699 {add = true} : memref<32000xf32, #tpu.memory_space<vmem>>[vector<16xi32>], vector<16xf32>, vector<16xi1>
      %scan3A_703 = arith.constant 5 : i32
      %scan3A_704 = arith.addi %scan3A_542, %scan3A_703 : i32
      %mul3A_705 = arith.constant 16 : i32
      %mul3A_706 = arith.muli %scan3A_704, %mul3A_705 : i32
      %get3A_707 = arith.index_cast %mul3A_706 : i32 to index
      %get3A_708 = tpu.vector_load %arg5[%get3A_707] {strides = array<i32>} : memref<16000xi32, #tpu.memory_space<vmem>>, vector<16xi32>,
      %mul3A_709 = arith.constant 16 : i32
      %mul3A_710 = arith.muli %scan3A_704, %mul3A_709 : i32
      %get3A_711 = arith.index_cast %mul3A_710 : i32 to index
      %get3A_712 = tpu.vector_load %arg6[%get3A_711] {strides = array<i32>} : memref<16000xi32, #tpu.memory_space<vmem>>, vector<16xi32>,
      %ge3A_713 = vector.broadcast %mul3A_2 : i32 to vector<16xi32>
      %ge3A_714 = arith.cmpi sge, %get3A_712, %ge3A_713 : vector<16xi32>
      %add3A_715 = arith.constant 32 : i32
      %add3A_716 = arith.addi %mul3A_2, %add3A_715 : i32
      %lt3A_717 = vector.broadcast %add3A_716 : i32 to vector<16xi32>
      %lt3A_718 = arith.cmpi slt, %get3A_712, %lt3A_717 : vector<16xi32>
      %and3A_719 = arith.andi %ge3A_714, %lt3A_718 : vector<16xi1>
      %gather3A_720 = tpu.vector_load_idx %arg9[%get3A_708] : memref<1024xf32, #tpu.memory_space<vmem>>[vector<16xi32>], vector<16xf32>,
      %gather3A_721 = tpu.vector_load_idx %arg9[%get3A_712] : memref<1024xf32, #tpu.memory_space<vmem>>[vector<16xi32>], vector<16xf32>,
      %mul3A_722 = arith.mulf %gather3A_720, %gather3A_721 : vector<16xf32>
      %sub3A_723 = vector.broadcast %mul3A_2 : i32 to vector<16xi32>
      %sub3A_724 = arith.subi %get3A_712, %sub3A_723 : vector<16xi32>
      %mul3A_725 = arith.constant 1000 : i32
      %mul3A_726 = vector.broadcast %mul3A_725 : i32 to vector<16xi32>
      %mul3A_727 = arith.muli %sub3A_724, %mul3A_726 : vector<16xi32>
      %add3A_728 = arith.addi %mul3A_727, %get3A_708 : vector<16xi32>
      %jit3A_729 = arith.constant 0 : i32
      %broadcast_in_dim3A_730 = vector.broadcast %jit3A_729 : i32 to vector<16xi32>
      %select_n3A_731 = arith.select %and3A_719, %add3A_728, %broadcast_in_dim3A_730 : vector<16xi1>, vector<16xi32>
      %unique3A_732, %unique3A_733 = tpu.scan_count mask(%and3A_719 : vector<16xi1>) value(%select_n3A_731 : vector<16xi32>) : vector<16xi1>, vector<16xi32>
      %convert_element_type3A_734 = arith.sitofp %unique3A_733 : vector<16xi32> to vector<16xf32>
      %mul3A_735 = arith.mulf %mul3A_722, %convert_element_type3A_734 : vector<16xf32>
      tpu.vector_store_idx %arg11[%select_n3A_731], %mul3A_735 masked %unique3A_732 {add = true} : memref<32000xf32, #tpu.memory_space<vmem>>[vector<16xi32>], vector<16xf32>, vector<16xi1>
      %scan3A_736 = arith.constant 6 : i32
      %scan3A_737 = arith.addi %scan3A_542, %scan3A_736 : i32
      %mul3A_738 = arith.constant 16 : i32
      %mul3A_739 = arith.muli %scan3A_737, %mul3A_738 : i32
      %get3A_740 = arith.index_cast %mul3A_739 : i32 to index
      %get3A_741 = tpu.vector_load %arg5[%get3A_740] {strides = array<i32>} : memref<16000xi32, #tpu.memory_space<vmem>>, vector<16xi32>,
      %mul3A_742 = arith.constant 16 : i32
      %mul3A_743 = arith.muli %scan3A_737, %mul3A_742 : i32
      %get3A_744 = arith.index_cast %mul3A_743 : i32 to index
      %get3A_745 = tpu.vector_load %arg6[%get3A_744] {strides = array<i32>} : memref<16000xi32, #tpu.memory_space<vmem>>, vector<16xi32>,
      %ge3A_746 = vector.broadcast %mul3A_2 : i32 to vector<16xi32>
      %ge3A_747 = arith.cmpi sge, %get3A_745, %ge3A_746 : vector<16xi32>
      %add3A_748 = arith.constant 32 : i32
      %add3A_749 = arith.addi %mul3A_2, %add3A_748 : i32
      %lt3A_750 = vector.broadcast %add3A_749 : i32 to vector<16xi32>
      %lt3A_751 = arith.cmpi slt, %get3A_745, %lt3A_750 : vector<16xi32>
      %and3A_752 = arith.andi %ge3A_747, %lt3A_751 : vector<16xi1>
      %gather3A_753 = tpu.vector_load_idx %arg9[%get3A_741] : memref<1024xf32, #tpu.memory_space<vmem>>[vector<16xi32>], vector<16xf32>,
      %gather3A_754 = tpu.vector_load_idx %arg9[%get3A_745] : memref<1024xf32, #tpu.memory_space<vmem>>[vector<16xi32>], vector<16xf32>,
      %mul3A_755 = arith.mulf %gather3A_753, %gather3A_754 : vector<16xf32>
      %sub3A_756 = vector.broadcast %mul3A_2 : i32 to vector<16xi32>
      %sub3A_757 = arith.subi %get3A_745, %sub3A_756 : vector<16xi32>
      %mul3A_758 = arith.constant 1000 : i32
      %mul3A_759 = vector.broadcast %mul3A_758 : i32 to vector<16xi32>
      %mul3A_760 = arith.muli %sub3A_757, %mul3A_759 : vector<16xi32>
      %add3A_761 = arith.addi %mul3A_760, %get3A_741 : vector<16xi32>
      %jit3A_762 = arith.constant 0 : i32
      %broadcast_in_dim3A_763 = vector.broadcast %jit3A_762 : i32 to vector<16xi32>
      %select_n3A_764 = arith.select %and3A_752, %add3A_761, %broadcast_in_dim3A_763 : vector<16xi1>, vector<16xi32>
      %unique3A_765, %unique3A_766 = tpu.scan_count mask(%and3A_752 : vector<16xi1>) value(%select_n3A_764 : vector<16xi32>) : vector<16xi1>, vector<16xi32>
      %convert_element_type3A_767 = arith.sitofp %unique3A_766 : vector<16xi32> to vector<16xf32>
      %mul3A_768 = arith.mulf %mul3A_755, %convert_element_type3A_767 : vector<16xf32>
      tpu.vector_store_idx %arg11[%select_n3A_764], %mul3A_768 masked %unique3A_765 {add = true} : memref<32000xf32, #tpu.memory_space<vmem>>[vector<16xi32>], vector<16xf32>, vector<16xi1>
      %scan3A_769 = arith.constant 7 : i32
      %scan3A_770 = arith.addi %scan3A_542, %scan3A_769 : i32
      %mul3A_771 = arith.constant 16 : i32
      %mul3A_772 = arith.muli %scan3A_770, %mul3A_771 : i32
      %get3A_773 = arith.index_cast %mul3A_772 : i32 to index
      %get3A_774 = tpu.vector_load %arg5[%get3A_773] {strides = array<i32>} : memref<16000xi32, #tpu.memory_space<vmem>>, vector<16xi32>,
      %mul3A_775 = arith.constant 16 : i32
      %mul3A_776 = arith.muli %scan3A_770, %mul3A_775 : i32
      %get3A_777 = arith.index_cast %mul3A_776 : i32 to index
      %get3A_778 = tpu.vector_load %arg6[%get3A_777] {strides = array<i32>} : memref<16000xi32, #tpu.memory_space<vmem>>, vector<16xi32>,
      %ge3A_779 = vector.broadcast %mul3A_2 : i32 to vector<16xi32>
      %ge3A_780 = arith.cmpi sge, %get3A_778, %ge3A_779 : vector<16xi32>
      %add3A_781 = arith.constant 32 : i32
      %add3A_782 = arith.addi %mul3A_2, %add3A_781 : i32
      %lt3A_783 = vector.broadcast %add3A_782 : i32 to vector<16xi32>
      %lt3A_784 = arith.cmpi slt, %get3A_778, %lt3A_783 : vector<16xi32>
      %and3A_785 = arith.andi %ge3A_780, %lt3A_784 : vector<16xi1>
      %gather3A_786 = tpu.vector_load_idx %arg9[%get3A_774] : memref<1024xf32, #tpu.memory_space<vmem>>[vector<16xi32>], vector<16xf32>,
      %gather3A_787 = tpu.vector_load_idx %arg9[%get3A_778] : memref<1024xf32, #tpu.memory_space<vmem>>[vector<16xi32>], vector<16xf32>,
      %mul3A_788 = arith.mulf %gather3A_786, %gather3A_787 : vector<16xf32>
      %sub3A_789 = vector.broadcast %mul3A_2 : i32 to vector<16xi32>
      %sub3A_790 = arith.subi %get3A_778, %sub3A_789 : vector<16xi32>
      %mul3A_791 = arith.constant 1000 : i32
      %mul3A_792 = vector.broadcast %mul3A_791 : i32 to vector<16xi32>
      %mul3A_793 = arith.muli %sub3A_790, %mul3A_792 : vector<16xi32>
      %add3A_794 = arith.addi %mul3A_793, %get3A_774 : vector<16xi32>
      %jit3A_795 = arith.constant 0 : i32
      %broadcast_in_dim3A_796 = vector.broadcast %jit3A_795 : i32 to vector<16xi32>
      %select_n3A_797 = arith.select %and3A_785, %add3A_794, %broadcast_in_dim3A_796 : vector<16xi1>, vector<16xi32>
      %unique3A_798, %unique3A_799 = tpu.scan_count mask(%and3A_785 : vector<16xi1>) value(%select_n3A_797 : vector<16xi32>) : vector<16xi1>, vector<16xi32>
      %convert_element_type3A_800 = arith.sitofp %unique3A_799 : vector<16xi32> to vector<16xf32>
      %mul3A_801 = arith.mulf %mul3A_788, %convert_element_type3A_800 : vector<16xf32>
      tpu.vector_store_idx %arg11[%select_n3A_797], %mul3A_801 masked %unique3A_798 {add = true} : memref<32000xf32, #tpu.memory_space<vmem>>[vector<16xi32>], vector<16xf32>, vector<16xi1>
    }
    %scan3A_499 = arith.constant 1000 : i32
    %iota3A = tpu.iota {dimensions = array<i32: 0>} : vector<16xi32>
    %add3A_500 = arith.constant 0 : i32
    %add3A_501 = arith.addi %mul3A_2, %add3A_500 : i32
    %add3A_502 = vector.broadcast %add3A_501 : i32 to vector<16xi32>
    %add3A_503 = arith.addi %add3A_502, %iota3A : vector<16xi32>
    %lt3A_504 = arith.constant 1000 : i32
    %lt3A_505 = vector.broadcast %lt3A_504 : i32 to vector<16xi32>
    %lt3A_506 = arith.cmpi slt, %add3A_503, %lt3A_505 : vector<16xi32>
    %gather3A = tpu.vector_load_idx %arg9[%add3A_503] : memref<1024xf32, #tpu.memory_space<vmem>>[vector<16xi32>], vector<16xf32>,
    %sub3A_507 = vector.broadcast %mul3A_2 : i32 to vector<16xi32>
    %sub3A_508 = arith.subi %add3A_503, %sub3A_507 : vector<16xi32>
    %mul3A_509 = arith.constant 1000 : i32
    %mul3A_510 = vector.broadcast %mul3A_509 : i32 to vector<16xi32>
    %mul3A_511 = arith.muli %sub3A_508, %mul3A_510 : vector<16xi32>
    %add3A_512 = arith.addi %mul3A_511, %add3A_503 : vector<16xi32>
    %jit3A = arith.constant 0 : i32
    %broadcast_in_dim3A_513 = vector.broadcast %jit3A : i32 to vector<16xi32>
    %select_n3A = arith.select %lt3A_506, %add3A_512, %broadcast_in_dim3A_513 : vector<16xi1>, vector<16xi32>
    %mul3A_514 = arith.mulf %gather3A, %gather3A : vector<16xf32>
    tpu.vector_store_idx %arg11[%select_n3A], %mul3A_514 masked %lt3A_506 {add = true} : memref<32000xf32, #tpu.memory_space<vmem>>[vector<16xi32>], vector<16xf32>, vector<16xi1>
    %add3A_515 = arith.constant 16 : i32
    %add3A_516 = arith.addi %mul3A_2, %add3A_515 : i32
    %add3A_517 = vector.broadcast %add3A_516 : i32 to vector<16xi32>
    %add3A_518 = arith.addi %add3A_517, %iota3A : vector<16xi32>
    %lt3A_519 = arith.constant 1000 : i32
    %lt3A_520 = vector.broadcast %lt3A_519 : i32 to vector<16xi32>
    %lt3A_521 = arith.cmpi slt, %add3A_518, %lt3A_520 : vector<16xi32>
    %gather3A_522 = tpu.vector_load_idx %arg9[%add3A_518] : memref<1024xf32, #tpu.memory_space<vmem>>[vector<16xi32>], vector<16xf32>,
    %sub3A_523 = vector.broadcast %mul3A_2 : i32 to vector<16xi32>
    %sub3A_524 = arith.subi %add3A_518, %sub3A_523 : vector<16xi32>
    %mul3A_525 = arith.constant 1000 : i32
    %mul3A_526 = vector.broadcast %mul3A_525 : i32 to vector<16xi32>
    %mul3A_527 = arith.muli %sub3A_524, %mul3A_526 : vector<16xi32>
    %add3A_528 = arith.addi %mul3A_527, %add3A_518 : vector<16xi32>
    %jit3A_529 = arith.constant 0 : i32
    %broadcast_in_dim3A_530 = vector.broadcast %jit3A_529 : i32 to vector<16xi32>
    %select_n3A_531 = arith.select %lt3A_521, %add3A_528, %broadcast_in_dim3A_530 : vector<16xi1>, vector<16xi32>
    %mul3A_532 = arith.mulf %gather3A_522, %gather3A_522 : vector<16xf32>
    tpu.vector_store_idx %arg11[%select_n3A_531], %mul3A_532 masked %lt3A_521 {add = true} : memref<32000xf32, #tpu.memory_space<vmem>>[vector<16xi32>], vector<16xf32>, vector<16xi1>
    %lt3A_533 = arith.constant 31 : i32
    %lt3A_534 = arith.cmpi slt, %add3A, %lt3A_533 : i32
    %convert_element_type3A_535 = arith.extui %lt3A_534 : i1 to i32
    %cond3A_536 = arith.constant 0 : i32
    %cond3A_537 = arith.cmpi ne, %convert_element_type3A_535, %cond3A_536 : i32
    scf.if %cond3A_537 {
      %mul3A_542 = arith.constant 1000 : i32
      %mul3A_543 = arith.muli %mul3A_2, %mul3A_542 : i32
      "tpu.region"() ({
        %run_scoped3A = tpu.sem_alloc : memref<!tpu.dma_semaphore, #tpu.memory_space<semaphore_mem>>
        %dma_start3A = tpu.memref_slice %arg4[%mul3A_543] : memref<1000000xf32, #tpu.memory_space<hbm>> -> memref<32000xf32, #tpu.memory_space<hbm>>
        %dma_start3A_544 = tpu.memref_slice %arg4[%mul3A_543] : memref<1000000xf32, #tpu.memory_space<hbm>> -> memref<32000xf32, #tpu.memory_space<hbm>>
        tpu.enqueue_dma source(%arg11 : memref<32000xf32, #tpu.memory_space<vmem>>) target(%dma_start3A_544 : memref<32000xf32, #tpu.memory_space<hbm>>) target_semaphore(%run_scoped3A : memref<!tpu.dma_semaphore, #tpu.memory_space<semaphore_mem>>)
        %dma_wait3A = tpu.memref_slice %arg4[%mul3A_543] : memref<1000000xf32, #tpu.memory_space<hbm>> -> memref<32000xf32, #tpu.memory_space<hbm>>
        %dma_wait3A_545 = tpu.memref_slice %arg4[%mul3A_543] : memref<1000000xf32, #tpu.memory_space<hbm>> -> memref<32000xf32, #tpu.memory_space<hbm>>
        tpu.wait_dma2 semaphore(%run_scoped3A : memref<!tpu.dma_semaphore, #tpu.memory_space<semaphore_mem>>) src(%arg11 : memref<32000xf32, #tpu.memory_space<vmem>>) dst(%dma_wait3A_545 : memref<32000xf32, #tpu.memory_space<hbm>>)
        tpu.yield
      }) : () -> ()
    } else {
    }
    %eq3A = arith.constant 31 : i32
    %eq3A_538 = arith.cmpi eq, %add3A, %eq3A : i32
    %convert_element_type3A_539 = arith.extui %eq3A_538 : i1 to i32
    %cond3A_540 = arith.constant 0 : i32
    %cond3A_541 = arith.cmpi ne, %convert_element_type3A_539, %cond3A_540 : i32
    scf.if %cond3A_541 {
      %mul3A_542 = arith.constant 1000 : i32
      %mul3A_543 = arith.muli %mul3A_2, %mul3A_542 : i32
      "tpu.region"() ({
        %run_scoped3A = tpu.sem_alloc : memref<!tpu.dma_semaphore, #tpu.memory_space<semaphore_mem>>
        %dma_start3A = arith.constant 0 : i32
        %dma_start3A_544 = tpu.memref_slice %arg11[%dma_start3A] : memref<32000xf32, #tpu.memory_space<vmem>> -> memref<8000xf32, #tpu.memory_space<vmem>>
        %dma_start3A_545 = tpu.memref_slice %arg4[%mul3A_543] : memref<1000000xf32, #tpu.memory_space<hbm>> -> memref<8000xf32, #tpu.memory_space<hbm>>
        %dma_start3A_546 = tpu.memref_slice %arg4[%mul3A_543] : memref<1000000xf32, #tpu.memory_space<hbm>> -> memref<8000xf32, #tpu.memory_space<hbm>>
        %dma_start3A_547 = arith.constant 0 : i32
        %dma_start3A_548 = tpu.memref_slice %arg11[%dma_start3A_547] : memref<32000xf32, #tpu.memory_space<vmem>> -> memref<8000xf32, #tpu.memory_space<vmem>>
        tpu.enqueue_dma source(%dma_start3A_548 : memref<8000xf32, #tpu.memory_space<vmem>>) target(%dma_start3A_546 : memref<8000xf32, #tpu.memory_space<hbm>>) target_semaphore(%run_scoped3A : memref<!tpu.dma_semaphore, #tpu.memory_space<semaphore_mem>>)
        %dma_wait3A = arith.constant 0 : i32
        %dma_wait3A_549 = tpu.memref_slice %arg11[%dma_wait3A] : memref<32000xf32, #tpu.memory_space<vmem>> -> memref<8000xf32, #tpu.memory_space<vmem>>
        %dma_wait3A_550 = tpu.memref_slice %arg4[%mul3A_543] : memref<1000000xf32, #tpu.memory_space<hbm>> -> memref<8000xf32, #tpu.memory_space<hbm>>
        %dma_wait3A_551 = tpu.memref_slice %arg4[%mul3A_543] : memref<1000000xf32, #tpu.memory_space<hbm>> -> memref<8000xf32, #tpu.memory_space<hbm>>
        %dma_wait3A_552 = arith.constant 0 : i32
        %dma_wait3A_553 = tpu.memref_slice %arg11[%dma_wait3A_552] : memref<32000xf32, #tpu.memory_space<vmem>> -> memref<8000xf32, #tpu.memory_space<vmem>>
        tpu.wait_dma2 semaphore(%run_scoped3A : memref<!tpu.dma_semaphore, #tpu.memory_space<semaphore_mem>>) src(%dma_wait3A_553 : memref<8000xf32, #tpu.memory_space<vmem>>) dst(%dma_wait3A_551 : memref<8000xf32, #tpu.memory_space<hbm>>)
        tpu.yield
      }) : () -> ()
    } else {
    }
    return
  }
}

module attributes {stable_mosaic.version = 14 : i64} {
  func.func @_gcn_body(%arg0: i32, %arg1: memref<1000x512xf32, #tpu.memory_space<vmem>>, %arg2: memref<1000x1000xf32, #tpu.memory_space<vmem>>, %arg3: memref<3x256x256xf32, #tpu.memory_space<vmem>>, %arg4: memref<256x256xf32, #tpu.memory_space<vmem>>, %arg5: memref<16x256xf32, #tpu.memory_space<vmem>>, %arg6: memref<1x1x512xf32, #tpu.memory_space<vmem>>) attributes {dimension_semantics = [#tpu.dimension_semantics<arbitrary>], iteration_bounds = array<i64: 8>, scalar_prefetch = 0 : i64, scratch_operands = 0 : i64, tpu.core_type = #tpu.core_type<tc>, window_params = [{transform_indices = @transform_0, window_bounds = array<i64: 1000, 512>}, {pipeline_mode = #tpu.pipeline_mode<synchronous>, transform_indices = @transform_1, window_bounds = array<i64: 1000, 1000>}, {pipeline_mode = #tpu.pipeline_mode<synchronous>, transform_indices = @transform_2, window_bounds = array<i64: 3, 256, 256>}, {pipeline_mode = #tpu.pipeline_mode<synchronous>, transform_indices = @transform_3, window_bounds = array<i64: 256, 256>}, {pipeline_mode = #tpu.pipeline_mode<synchronous>, transform_indices = @transform_4, window_bounds = array<i64: 16, 256>}, {transform_indices = @transform_5, window_bounds = array<i64: 1, 1, 512>}]} {
    %get3A = arith.constant 0 : index
    %get3A_0 = arith.constant 0 : index
    %get3A_1 = vector.load %arg2[%get3A, %get3A_0] : memref<1000x1000xf32, #tpu.memory_space<vmem>>, vector<1000x1000xf32>
    %get3A_2 = arith.constant 0 : index
    %get3A_3 = arith.constant 0 : index
    %get3A_4 = vector.load %arg4[%get3A_2, %get3A_3] : memref<256x256xf32, #tpu.memory_space<vmem>>, vector<256x256xf32>
    %get3A_5 = arith.constant 0 : index
    %get3A_6 = arith.constant 0 : index
    %get3A_7 = vector.load %arg1[%get3A_5, %get3A_6] : memref<1000x512xf32, #tpu.memory_space<vmem>>, vector<1000x256xf32>
    %get3A_8 = arith.constant 0 : index
    %get3A_9 = arith.constant 256 : index
    %get3A_10 = vector.load %arg1[%get3A_8, %get3A_9] : memref<1000x512xf32, #tpu.memory_space<vmem>>, vector<1000x256xf32>
    %get3A_11 = arith.constant 0 : index
    %get3A_12 = arith.constant 0 : index
    %get3A_13 = arith.constant 0 : index
    %get3A_14 = vector.load %arg3[%get3A_11, %get3A_12, %get3A_13] : memref<3x256x256xf32, #tpu.memory_space<vmem>>, vector<1x256x256xf32>
    %get3A_15 = vector.shape_cast %get3A_14 : vector<1x256x256xf32> to vector<256x256xf32>
    %get3A_16 = arith.constant 0 : index
    %get3A_17 = arith.constant 0 : index
    %get3A_18 = vector.load %arg5[%get3A_16, %get3A_17] : memref<16x256xf32, #tpu.memory_space<vmem>>, vector<1x256xf32>
    %get3A_19 = arith.constant 1 : index
    %get3A_20 = arith.constant 0 : index
    %get3A_21 = vector.load %arg5[%get3A_19, %get3A_20] : memref<16x256xf32, #tpu.memory_space<vmem>>, vector<1x256xf32>
    %get3A_22 = arith.constant 2 : index
    %get3A_23 = arith.constant 0 : index
    %get3A_24 = vector.load %arg5[%get3A_22, %get3A_23] : memref<16x256xf32, #tpu.memory_space<vmem>>, vector<1x256xf32>
    %dot_general3A = arith.constant dense<0.000000e+00> : vector<1000x256xf32>
    %dot_general3A_25 = tpu.matmul %get3A_7, %get3A_15, %dot_general3A {dimension_numbers = #tpu.dot_dimension_numbers<[1], [0], [0], [1], [0, 0, 1, 1], [], []>, transpose_lhs_hint = false} : vector<1000x256xf32>, vector<256x256xf32>, vector<1000x256xf32> -> vector<1000x256xf32>
    %dot_general3A_26 = arith.constant dense<0.000000e+00> : vector<1000x256xf32>
    %dot_general3A_27 = tpu.matmul %get3A_10, %get3A_15, %dot_general3A_26 {dimension_numbers = #tpu.dot_dimension_numbers<[1], [0], [0], [1], [0, 0, 1, 1], [], []>, transpose_lhs_hint = false} : vector<1000x256xf32>, vector<256x256xf32>, vector<1000x256xf32> -> vector<1000x256xf32>
    %concatenate3A = tpu.concatenate %dot_general3A_25, %dot_general3A_27 in 1 : vector<1000x256xf32>, vector<1000x256xf32> -> vector<1000x512xf32>
    %dot_general3A_28 = arith.constant dense<0.000000e+00> : vector<1000x512xf32>
    %dot_general3A_29 = tpu.matmul %get3A_1, %concatenate3A, %dot_general3A_28 {dimension_numbers = #tpu.dot_dimension_numbers<[1], [0], [0], [1], [0, 0, 1, 1], [], []>, transpose_lhs_hint = false} : vector<1000x1000xf32>, vector<1000x512xf32>, vector<1000x512xf32> -> vector<1000x512xf32>
    %slice3A = vector.extract_strided_slice %dot_general3A_29 {offsets = [0, 0], sizes = [1000, 256], strides = [1, 1]} : vector<1000x512xf32> to vector<1000x256xf32>
    %add3A = vector.broadcast %get3A_18 : vector<1x256xf32> to vector<1000x256xf32>
    %add3A_30 = arith.addf %slice3A, %add3A : vector<1000x256xf32>
    %dot_general3A_31 = arith.constant dense<0.000000e+00> : vector<1000x256xf32>
    %dot_general3A_32 = tpu.matmul %add3A_30, %get3A_4, %dot_general3A_31 {dimension_numbers = #tpu.dot_dimension_numbers<[1], [0], [0], [1], [0, 0, 1, 1], [], []>, transpose_lhs_hint = false} : vector<1000x256xf32>, vector<256x256xf32>, vector<1000x256xf32> -> vector<1000x256xf32>
    %mul3A = arith.mulf %add3A_30, %add3A_30 : vector<1000x256xf32>
    %dot_general3A_33 = arith.constant dense<0.000000e+00> : vector<1000x256xf32>
    %dot_general3A_34 = tpu.matmul %mul3A, %get3A_4, %dot_general3A_33 {dimension_numbers = #tpu.dot_dimension_numbers<[1], [0], [0], [1], [0, 0, 1, 1], [], []>, transpose_lhs_hint = false} : vector<1000x256xf32>, vector<256x256xf32>, vector<1000x256xf32> -> vector<1000x256xf32>
    %sub3A = arith.subf %add3A_30, %dot_general3A_32 : vector<1000x256xf32>
    %mul3A_35 = arith.mulf %dot_general3A_32, %dot_general3A_32 : vector<1000x256xf32>
    %sub3A_36 = arith.subf %dot_general3A_34, %mul3A_35 : vector<1000x256xf32>
    %add3A_37 = arith.constant 9.99999974E-6 : f32
    %add3A_38 = vector.broadcast %add3A_37 : f32 to vector<1000x256xf32>
    %add3A_39 = arith.addf %sub3A_36, %add3A_38 : vector<1000x256xf32>
    %rsqrt3A = math.rsqrt %add3A_39 : vector<1000x256xf32>
    %mul3A_40 = arith.mulf %sub3A, %rsqrt3A : vector<1000x256xf32>
    %mul3A_41 = vector.broadcast %get3A_21 : vector<1x256xf32> to vector<1000x256xf32>
    %mul3A_42 = arith.mulf %mul3A_40, %mul3A_41 : vector<1000x256xf32>
    %add3A_43 = vector.broadcast %get3A_24 : vector<1x256xf32> to vector<1000x256xf32>
    %add3A_44 = arith.addf %mul3A_42, %add3A_43 : vector<1000x256xf32>
    %max3A = arith.constant 0.000000e+00 : f32
    %max3A_45 = vector.broadcast %max3A : f32 to vector<1000x256xf32>
    %max3A_46 = arith.maximumf %add3A_44, %max3A_45 : vector<1000x256xf32>
    %slice3A_47 = vector.extract_strided_slice %dot_general3A_29 {offsets = [0, 256], sizes = [1000, 256], strides = [1, 1]} : vector<1000x512xf32> to vector<1000x256xf32>
    %add3A_48 = vector.broadcast %get3A_18 : vector<1x256xf32> to vector<1000x256xf32>
    %add3A_49 = arith.addf %slice3A_47, %add3A_48 : vector<1000x256xf32>
    %dot_general3A_50 = arith.constant dense<0.000000e+00> : vector<1000x256xf32>
    %dot_general3A_51 = tpu.matmul %add3A_49, %get3A_4, %dot_general3A_50 {dimension_numbers = #tpu.dot_dimension_numbers<[1], [0], [0], [1], [0, 0, 1, 1], [], []>, transpose_lhs_hint = false} : vector<1000x256xf32>, vector<256x256xf32>, vector<1000x256xf32> -> vector<1000x256xf32>
    %mul3A_52 = arith.mulf %add3A_49, %add3A_49 : vector<1000x256xf32>
    %dot_general3A_53 = arith.constant dense<0.000000e+00> : vector<1000x256xf32>
    %dot_general3A_54 = tpu.matmul %mul3A_52, %get3A_4, %dot_general3A_53 {dimension_numbers = #tpu.dot_dimension_numbers<[1], [0], [0], [1], [0, 0, 1, 1], [], []>, transpose_lhs_hint = false} : vector<1000x256xf32>, vector<256x256xf32>, vector<1000x256xf32> -> vector<1000x256xf32>
    %sub3A_55 = arith.subf %add3A_49, %dot_general3A_51 : vector<1000x256xf32>
    %mul3A_56 = arith.mulf %dot_general3A_51, %dot_general3A_51 : vector<1000x256xf32>
    %sub3A_57 = arith.subf %dot_general3A_54, %mul3A_56 : vector<1000x256xf32>
    %add3A_58 = arith.constant 9.99999974E-6 : f32
    %add3A_59 = vector.broadcast %add3A_58 : f32 to vector<1000x256xf32>
    %add3A_60 = arith.addf %sub3A_57, %add3A_59 : vector<1000x256xf32>
    %rsqrt3A_61 = math.rsqrt %add3A_60 : vector<1000x256xf32>
    %mul3A_62 = arith.mulf %sub3A_55, %rsqrt3A_61 : vector<1000x256xf32>
    %mul3A_63 = vector.broadcast %get3A_21 : vector<1x256xf32> to vector<1000x256xf32>
    %mul3A_64 = arith.mulf %mul3A_62, %mul3A_63 : vector<1000x256xf32>
    %add3A_65 = vector.broadcast %get3A_24 : vector<1x256xf32> to vector<1000x256xf32>
    %add3A_66 = arith.addf %mul3A_64, %add3A_65 : vector<1000x256xf32>
    %max3A_67 = arith.constant 0.000000e+00 : f32
    %max3A_68 = vector.broadcast %max3A_67 : f32 to vector<1000x256xf32>
    %max3A_69 = arith.maximumf %add3A_66, %max3A_68 : vector<1000x256xf32>
    %get3A_70 = arith.constant 1 : index
    %get3A_71 = arith.constant 0 : index
    %get3A_72 = arith.constant 0 : index
    %get3A_73 = vector.load %arg3[%get3A_70, %get3A_71, %get3A_72] : memref<3x256x256xf32, #tpu.memory_space<vmem>>, vector<1x256x256xf32>
    %get3A_74 = vector.shape_cast %get3A_73 : vector<1x256x256xf32> to vector<256x256xf32>
    %get3A_75 = arith.constant 3 : index
    %get3A_76 = arith.constant 0 : index
    %get3A_77 = vector.load %arg5[%get3A_75, %get3A_76] : memref<16x256xf32, #tpu.memory_space<vmem>>, vector<1x256xf32>
    %get3A_78 = arith.constant 4 : index
    %get3A_79 = arith.constant 0 : index
    %get3A_80 = vector.load %arg5[%get3A_78, %get3A_79] : memref<16x256xf32, #tpu.memory_space<vmem>>, vector<1x256xf32>
    %get3A_81 = arith.constant 5 : index
    %get3A_82 = arith.constant 0 : index
    %get3A_83 = vector.load %arg5[%get3A_81, %get3A_82] : memref<16x256xf32, #tpu.memory_space<vmem>>, vector<1x256xf32>
    %dot_general3A_84 = arith.constant dense<0.000000e+00> : vector<1000x256xf32>
    %dot_general3A_85 = tpu.matmul %max3A_46, %get3A_74, %dot_general3A_84 {dimension_numbers = #tpu.dot_dimension_numbers<[1], [0], [0], [1], [0, 0, 1, 1], [], []>, transpose_lhs_hint = false} : vector<1000x256xf32>, vector<256x256xf32>, vector<1000x256xf32> -> vector<1000x256xf32>
    %dot_general3A_86 = arith.constant dense<0.000000e+00> : vector<1000x256xf32>
    %dot_general3A_87 = tpu.matmul %max3A_69, %get3A_74, %dot_general3A_86 {dimension_numbers = #tpu.dot_dimension_numbers<[1], [0], [0], [1], [0, 0, 1, 1], [], []>, transpose_lhs_hint = false} : vector<1000x256xf32>, vector<256x256xf32>, vector<1000x256xf32> -> vector<1000x256xf32>
    %concatenate3A_88 = tpu.concatenate %dot_general3A_85, %dot_general3A_87 in 1 : vector<1000x256xf32>, vector<1000x256xf32> -> vector<1000x512xf32>
    %dot_general3A_89 = arith.constant dense<0.000000e+00> : vector<1000x512xf32>
    %dot_general3A_90 = tpu.matmul %get3A_1, %concatenate3A_88, %dot_general3A_89 {dimension_numbers = #tpu.dot_dimension_numbers<[1], [0], [0], [1], [0, 0, 1, 1], [], []>, transpose_lhs_hint = false} : vector<1000x1000xf32>, vector<1000x512xf32>, vector<1000x512xf32> -> vector<1000x512xf32>
    %slice3A_91 = vector.extract_strided_slice %dot_general3A_90 {offsets = [0, 0], sizes = [1000, 256], strides = [1, 1]} : vector<1000x512xf32> to vector<1000x256xf32>
    %add3A_92 = vector.broadcast %get3A_77 : vector<1x256xf32> to vector<1000x256xf32>
    %add3A_93 = arith.addf %slice3A_91, %add3A_92 : vector<1000x256xf32>
    %dot_general3A_94 = arith.constant dense<0.000000e+00> : vector<1000x256xf32>
    %dot_general3A_95 = tpu.matmul %add3A_93, %get3A_4, %dot_general3A_94 {dimension_numbers = #tpu.dot_dimension_numbers<[1], [0], [0], [1], [0, 0, 1, 1], [], []>, transpose_lhs_hint = false} : vector<1000x256xf32>, vector<256x256xf32>, vector<1000x256xf32> -> vector<1000x256xf32>
    %mul3A_96 = arith.mulf %add3A_93, %add3A_93 : vector<1000x256xf32>
    %dot_general3A_97 = arith.constant dense<0.000000e+00> : vector<1000x256xf32>
    %dot_general3A_98 = tpu.matmul %mul3A_96, %get3A_4, %dot_general3A_97 {dimension_numbers = #tpu.dot_dimension_numbers<[1], [0], [0], [1], [0, 0, 1, 1], [], []>, transpose_lhs_hint = false} : vector<1000x256xf32>, vector<256x256xf32>, vector<1000x256xf32> -> vector<1000x256xf32>
    %sub3A_99 = arith.subf %add3A_93, %dot_general3A_95 : vector<1000x256xf32>
    %mul3A_100 = arith.mulf %dot_general3A_95, %dot_general3A_95 : vector<1000x256xf32>
    %sub3A_101 = arith.subf %dot_general3A_98, %mul3A_100 : vector<1000x256xf32>
    %add3A_102 = arith.constant 9.99999974E-6 : f32
    %add3A_103 = vector.broadcast %add3A_102 : f32 to vector<1000x256xf32>
    %add3A_104 = arith.addf %sub3A_101, %add3A_103 : vector<1000x256xf32>
    %rsqrt3A_105 = math.rsqrt %add3A_104 : vector<1000x256xf32>
    %mul3A_106 = arith.mulf %sub3A_99, %rsqrt3A_105 : vector<1000x256xf32>
    %mul3A_107 = vector.broadcast %get3A_80 : vector<1x256xf32> to vector<1000x256xf32>
    %mul3A_108 = arith.mulf %mul3A_106, %mul3A_107 : vector<1000x256xf32>
    %add3A_109 = vector.broadcast %get3A_83 : vector<1x256xf32> to vector<1000x256xf32>
    %add3A_110 = arith.addf %mul3A_108, %add3A_109 : vector<1000x256xf32>
    %max3A_111 = arith.constant 0.000000e+00 : f32
    %max3A_112 = vector.broadcast %max3A_111 : f32 to vector<1000x256xf32>
    %max3A_113 = arith.maximumf %add3A_110, %max3A_112 : vector<1000x256xf32>
    %add3A_114 = arith.addf %max3A_113, %max3A_46 : vector<1000x256xf32>
    %slice3A_115 = vector.extract_strided_slice %dot_general3A_90 {offsets = [0, 256], sizes = [1000, 256], strides = [1, 1]} : vector<1000x512xf32> to vector<1000x256xf32>
    %add3A_116 = vector.broadcast %get3A_77 : vector<1x256xf32> to vector<1000x256xf32>
    %add3A_117 = arith.addf %slice3A_115, %add3A_116 : vector<1000x256xf32>
    %dot_general3A_118 = arith.constant dense<0.000000e+00> : vector<1000x256xf32>
    %dot_general3A_119 = tpu.matmul %add3A_117, %get3A_4, %dot_general3A_118 {dimension_numbers = #tpu.dot_dimension_numbers<[1], [0], [0], [1], [0, 0, 1, 1], [], []>, transpose_lhs_hint = false} : vector<1000x256xf32>, vector<256x256xf32>, vector<1000x256xf32> -> vector<1000x256xf32>
    %mul3A_120 = arith.mulf %add3A_117, %add3A_117 : vector<1000x256xf32>
    %dot_general3A_121 = arith.constant dense<0.000000e+00> : vector<1000x256xf32>
    %dot_general3A_122 = tpu.matmul %mul3A_120, %get3A_4, %dot_general3A_121 {dimension_numbers = #tpu.dot_dimension_numbers<[1], [0], [0], [1], [0, 0, 1, 1], [], []>, transpose_lhs_hint = false} : vector<1000x256xf32>, vector<256x256xf32>, vector<1000x256xf32> -> vector<1000x256xf32>
    %sub3A_123 = arith.subf %add3A_117, %dot_general3A_119 : vector<1000x256xf32>
    %mul3A_124 = arith.mulf %dot_general3A_119, %dot_general3A_119 : vector<1000x256xf32>
    %sub3A_125 = arith.subf %dot_general3A_122, %mul3A_124 : vector<1000x256xf32>
    %add3A_126 = arith.constant 9.99999974E-6 : f32
    %add3A_127 = vector.broadcast %add3A_126 : f32 to vector<1000x256xf32>
    %add3A_128 = arith.addf %sub3A_125, %add3A_127 : vector<1000x256xf32>
    %rsqrt3A_129 = math.rsqrt %add3A_128 : vector<1000x256xf32>
    %mul3A_130 = arith.mulf %sub3A_123, %rsqrt3A_129 : vector<1000x256xf32>
    %mul3A_131 = vector.broadcast %get3A_80 : vector<1x256xf32> to vector<1000x256xf32>
    %mul3A_132 = arith.mulf %mul3A_130, %mul3A_131 : vector<1000x256xf32>
    %add3A_133 = vector.broadcast %get3A_83 : vector<1x256xf32> to vector<1000x256xf32>
    %add3A_134 = arith.addf %mul3A_132, %add3A_133 : vector<1000x256xf32>
    %max3A_135 = arith.constant 0.000000e+00 : f32
    %max3A_136 = vector.broadcast %max3A_135 : f32 to vector<1000x256xf32>
    %max3A_137 = arith.maximumf %add3A_134, %max3A_136 : vector<1000x256xf32>
    %add3A_138 = arith.addf %max3A_137, %max3A_69 : vector<1000x256xf32>
    %get3A_139 = arith.constant 2 : index
    %get3A_140 = arith.constant 0 : index
    %get3A_141 = arith.constant 0 : index
    %get3A_142 = vector.load %arg3[%get3A_139, %get3A_140, %get3A_141] : memref<3x256x256xf32, #tpu.memory_space<vmem>>, vector<1x256x256xf32>
    %get3A_143 = vector.shape_cast %get3A_142 : vector<1x256x256xf32> to vector<256x256xf32>
    %get3A_144 = arith.constant 6 : index
    %get3A_145 = arith.constant 0 : index
    %get3A_146 = vector.load %arg5[%get3A_144, %get3A_145] : memref<16x256xf32, #tpu.memory_space<vmem>>, vector<1x256xf32>
    %get3A_147 = arith.constant 7 : index
    %get3A_148 = arith.constant 0 : index
    %get3A_149 = vector.load %arg5[%get3A_147, %get3A_148] : memref<16x256xf32, #tpu.memory_space<vmem>>, vector<1x256xf32>
    %get3A_150 = arith.constant 8 : index
    %get3A_151 = arith.constant 0 : index
    %get3A_152 = vector.load %arg5[%get3A_150, %get3A_151] : memref<16x256xf32, #tpu.memory_space<vmem>>, vector<1x256xf32>
    %dot_general3A_153 = arith.constant dense<0.000000e+00> : vector<1000x256xf32>
    %dot_general3A_154 = tpu.matmul %add3A_114, %get3A_143, %dot_general3A_153 {dimension_numbers = #tpu.dot_dimension_numbers<[1], [0], [0], [1], [0, 0, 1, 1], [], []>, transpose_lhs_hint = false} : vector<1000x256xf32>, vector<256x256xf32>, vector<1000x256xf32> -> vector<1000x256xf32>
    %dot_general3A_155 = arith.constant dense<0.000000e+00> : vector<1000x256xf32>
    %dot_general3A_156 = tpu.matmul %add3A_138, %get3A_143, %dot_general3A_155 {dimension_numbers = #tpu.dot_dimension_numbers<[1], [0], [0], [1], [0, 0, 1, 1], [], []>, transpose_lhs_hint = false} : vector<1000x256xf32>, vector<256x256xf32>, vector<1000x256xf32> -> vector<1000x256xf32>
    %concatenate3A_157 = tpu.concatenate %dot_general3A_154, %dot_general3A_156 in 1 : vector<1000x256xf32>, vector<1000x256xf32> -> vector<1000x512xf32>
    %dot_general3A_158 = arith.constant dense<0.000000e+00> : vector<1000x512xf32>
    %dot_general3A_159 = tpu.matmul %get3A_1, %concatenate3A_157, %dot_general3A_158 {dimension_numbers = #tpu.dot_dimension_numbers<[1], [0], [0], [1], [0, 0, 1, 1], [], []>, transpose_lhs_hint = false} : vector<1000x1000xf32>, vector<1000x512xf32>, vector<1000x512xf32> -> vector<1000x512xf32>
    %slice3A_160 = vector.extract_strided_slice %dot_general3A_159 {offsets = [0, 0], sizes = [1000, 256], strides = [1, 1]} : vector<1000x512xf32> to vector<1000x256xf32>
    %add3A_161 = vector.broadcast %get3A_146 : vector<1x256xf32> to vector<1000x256xf32>
    %add3A_162 = arith.addf %slice3A_160, %add3A_161 : vector<1000x256xf32>
    %dot_general3A_163 = arith.constant dense<0.000000e+00> : vector<1000x256xf32>
    %dot_general3A_164 = tpu.matmul %add3A_162, %get3A_4, %dot_general3A_163 {dimension_numbers = #tpu.dot_dimension_numbers<[1], [0], [0], [1], [0, 0, 1, 1], [], []>, transpose_lhs_hint = false} : vector<1000x256xf32>, vector<256x256xf32>, vector<1000x256xf32> -> vector<1000x256xf32>
    %mul3A_165 = arith.mulf %add3A_162, %add3A_162 : vector<1000x256xf32>
    %dot_general3A_166 = arith.constant dense<0.000000e+00> : vector<1000x256xf32>
    %dot_general3A_167 = tpu.matmul %mul3A_165, %get3A_4, %dot_general3A_166 {dimension_numbers = #tpu.dot_dimension_numbers<[1], [0], [0], [1], [0, 0, 1, 1], [], []>, transpose_lhs_hint = false} : vector<1000x256xf32>, vector<256x256xf32>, vector<1000x256xf32> -> vector<1000x256xf32>
    %sub3A_168 = arith.subf %add3A_162, %dot_general3A_164 : vector<1000x256xf32>
    %mul3A_169 = arith.mulf %dot_general3A_164, %dot_general3A_164 : vector<1000x256xf32>
    %sub3A_170 = arith.subf %dot_general3A_167, %mul3A_169 : vector<1000x256xf32>
    %add3A_171 = arith.constant 9.99999974E-6 : f32
    %add3A_172 = vector.broadcast %add3A_171 : f32 to vector<1000x256xf32>
    %add3A_173 = arith.addf %sub3A_170, %add3A_172 : vector<1000x256xf32>
    %rsqrt3A_174 = math.rsqrt %add3A_173 : vector<1000x256xf32>
    %mul3A_175 = arith.mulf %sub3A_168, %rsqrt3A_174 : vector<1000x256xf32>
    %mul3A_176 = vector.broadcast %get3A_149 : vector<1x256xf32> to vector<1000x256xf32>
    %mul3A_177 = arith.mulf %mul3A_175, %mul3A_176 : vector<1000x256xf32>
    %add3A_178 = vector.broadcast %get3A_152 : vector<1x256xf32> to vector<1000x256xf32>
    %add3A_179 = arith.addf %mul3A_177, %add3A_178 : vector<1000x256xf32>
    %max3A_180 = arith.constant 0.000000e+00 : f32
    %max3A_181 = vector.broadcast %max3A_180 : f32 to vector<1000x256xf32>
    %max3A_182 = arith.maximumf %add3A_179, %max3A_181 : vector<1000x256xf32>
    %add3A_183 = arith.addf %max3A_182, %add3A_114 : vector<1000x256xf32>
    %slice3A_184 = vector.extract_strided_slice %dot_general3A_159 {offsets = [0, 256], sizes = [1000, 256], strides = [1, 1]} : vector<1000x512xf32> to vector<1000x256xf32>
    %add3A_185 = vector.broadcast %get3A_146 : vector<1x256xf32> to vector<1000x256xf32>
    %add3A_186 = arith.addf %slice3A_184, %add3A_185 : vector<1000x256xf32>
    %dot_general3A_187 = arith.constant dense<0.000000e+00> : vector<1000x256xf32>
    %dot_general3A_188 = tpu.matmul %add3A_186, %get3A_4, %dot_general3A_187 {dimension_numbers = #tpu.dot_dimension_numbers<[1], [0], [0], [1], [0, 0, 1, 1], [], []>, transpose_lhs_hint = false} : vector<1000x256xf32>, vector<256x256xf32>, vector<1000x256xf32> -> vector<1000x256xf32>
    %mul3A_189 = arith.mulf %add3A_186, %add3A_186 : vector<1000x256xf32>
    %dot_general3A_190 = arith.constant dense<0.000000e+00> : vector<1000x256xf32>
    %dot_general3A_191 = tpu.matmul %mul3A_189, %get3A_4, %dot_general3A_190 {dimension_numbers = #tpu.dot_dimension_numbers<[1], [0], [0], [1], [0, 0, 1, 1], [], []>, transpose_lhs_hint = false} : vector<1000x256xf32>, vector<256x256xf32>, vector<1000x256xf32> -> vector<1000x256xf32>
    %sub3A_192 = arith.subf %add3A_186, %dot_general3A_188 : vector<1000x256xf32>
    %mul3A_193 = arith.mulf %dot_general3A_188, %dot_general3A_188 : vector<1000x256xf32>
    %sub3A_194 = arith.subf %dot_general3A_191, %mul3A_193 : vector<1000x256xf32>
    %add3A_195 = arith.constant 9.99999974E-6 : f32
    %add3A_196 = vector.broadcast %add3A_195 : f32 to vector<1000x256xf32>
    %add3A_197 = arith.addf %sub3A_194, %add3A_196 : vector<1000x256xf32>
    %rsqrt3A_198 = math.rsqrt %add3A_197 : vector<1000x256xf32>
    %mul3A_199 = arith.mulf %sub3A_192, %rsqrt3A_198 : vector<1000x256xf32>
    %mul3A_200 = vector.broadcast %get3A_149 : vector<1x256xf32> to vector<1000x256xf32>
    %mul3A_201 = arith.mulf %mul3A_199, %mul3A_200 : vector<1000x256xf32>
    %add3A_202 = vector.broadcast %get3A_152 : vector<1x256xf32> to vector<1000x256xf32>
    %add3A_203 = arith.addf %mul3A_201, %add3A_202 : vector<1000x256xf32>
    %max3A_204 = arith.constant 0.000000e+00 : f32
    %max3A_205 = vector.broadcast %max3A_204 : f32 to vector<1000x256xf32>
    %max3A_206 = arith.maximumf %add3A_203, %max3A_205 : vector<1000x256xf32>
    %add3A_207 = arith.addf %max3A_206, %add3A_138 : vector<1000x256xf32>
    %reduce_sum3A = arith.constant dense<0.000000e+00> : vector<256xf32>
    %reduce_sum3A_208 = vector.multi_reduction <add>, %add3A_183, %reduce_sum3A [0] : vector<1000x256xf32> to vector<256xf32>
    %broadcast_in_dim3A = vector.shape_cast %reduce_sum3A_208 : vector<256xf32> to vector<1x256xf32>
    %div3A = arith.constant 1.000000e+03 : f32
    %div3A_209 = vector.broadcast %div3A : f32 to vector<1x256xf32>
    %div3A_210 = arith.divf %broadcast_in_dim3A, %div3A_209 : vector<1x256xf32>
    %reduce_sum3A_211 = arith.constant dense<0.000000e+00> : vector<256xf32>
    %reduce_sum3A_212 = vector.multi_reduction <add>, %add3A_207, %reduce_sum3A_211 [0] : vector<1000x256xf32> to vector<256xf32>
    %broadcast_in_dim3A_213 = vector.shape_cast %reduce_sum3A_212 : vector<256xf32> to vector<1x256xf32>
    %div3A_214 = arith.constant 1.000000e+03 : f32
    %div3A_215 = vector.broadcast %div3A_214 : f32 to vector<1x256xf32>
    %div3A_216 = arith.divf %broadcast_in_dim3A_213, %div3A_215 : vector<1x256xf32>
    %concatenate3A_217 = tpu.concatenate %div3A_210, %div3A_216 in 1 : vector<1x256xf32>, vector<1x256xf32> -> vector<1x512xf32>
    %reshape3A = vector.shape_cast %concatenate3A_217 : vector<1x512xf32> to vector<1x1x512xf32>
    %swap3A = arith.constant 0 : index
    %swap3A_218 = arith.constant 0 : index
    %swap3A_219 = arith.constant 0 : index
    %swap3A_220 = vector.load %arg6[%swap3A, %swap3A_218, %swap3A_219] : memref<1x1x512xf32, #tpu.memory_space<vmem>>, vector<1x1x512xf32>
    tpu.vector_store %arg6[%swap3A, %swap3A_218, %swap3A_219], %reshape3A {strides = array<i32>} : memref<1x1x512xf32, #tpu.memory_space<vmem>>, vector<1x1x512xf32>,
    return
  }
  func.func @transform_0(%arg0: i32) -> (i32, i32) {
    %c0_i32 = arith.constant 0 : i32
    %c0_i32_0 = arith.constant 0 : i32
    return %c0_i32, %arg0 : i32, i32
  }
  func.func @transform_1(%arg0: i32) -> (i32, i32) {
    %c0_i32 = arith.constant 0 : i32
    %c0_i32_0 = arith.constant 0 : i32
    %c0_i32_1 = arith.constant 0 : i32
    return %c0_i32, %c0_i32_0 : i32, i32
  }
  func.func @transform_2(%arg0: i32) -> (i32, i32, i32) {
    %c0_i32 = arith.constant 0 : i32
    %c0_i32_0 = arith.constant 0 : i32
    %c0_i32_1 = arith.constant 0 : i32
    %c0_i32_2 = arith.constant 0 : i32
    return %c0_i32, %c0_i32_0, %c0_i32_1 : i32, i32, i32
  }
  func.func @transform_3(%arg0: i32) -> (i32, i32) {
    %c0_i32 = arith.constant 0 : i32
    %c0_i32_0 = arith.constant 0 : i32
    %c0_i32_1 = arith.constant 0 : i32
    return %c0_i32, %c0_i32_0 : i32, i32
  }
  func.func @transform_4(%arg0: i32) -> (i32, i32) {
    %c0_i32 = arith.constant 0 : i32
    %c0_i32_0 = arith.constant 0 : i32
    %c0_i32_1 = arith.constant 0 : i32
    return %c0_i32, %c0_i32_0 : i32, i32
  }
  func.func @transform_5(%arg0: i32) -> (i32, i32, i32) {
    %c0_i32 = arith.constant 0 : i32
    %c0_i32_0 = arith.constant 0 : i32
    %c0_i32_1 = arith.constant 0 : i32
    return %arg0, %c0_i32, %c0_i32_0 : i32, i32, i32
  }
}

module attributes {stable_mosaic.version = 14 : i64} {
  func.func @_tail_body(%arg0: memref<64x64xf32, #tpu.memory_space<vmem>>, %arg1: memref<8x64xf32, #tpu.memory_space<vmem>>, %arg2: memref<64x64xf32, #tpu.memory_space<vmem>>, %arg3: memref<1x64xf32, #tpu.memory_space<vmem>>, %arg4: memref<64x2xf32, #tpu.memory_space<vmem>>, %arg5: memref<1x2xf32, #tpu.memory_space<vmem>>, %arg6: memref<8x2xf32, #tpu.memory_space<vmem>>) attributes {dimension_semantics = [], scalar_prefetch = 0 : i64, scratch_operands = 0 : i64, tpu.core_type = #tpu.core_type<tc>} {
    %get3A = arith.constant 0 : index
    %get3A_0 = arith.constant 0 : index
    %get3A_1 = vector.load %arg1[%get3A, %get3A_0] : memref<8x64xf32, #tpu.memory_space<vmem>>, vector<8x64xf32>
    %get3A_2 = arith.constant 0 : index
    %get3A_3 = arith.constant 0 : index
    %get3A_4 = vector.load %arg0[%get3A_2, %get3A_3] : memref<64x64xf32, #tpu.memory_space<vmem>>, vector<64x64xf32>
    %dot_general3A = arith.constant dense<0.000000e+00> : vector<8x64xf32>
    %dot_general3A_5 = tpu.matmul %get3A_1, %get3A_4, %dot_general3A {dimension_numbers = #tpu.dot_dimension_numbers<[1], [0], [0], [1], [0, 0, 1, 1], [], []>, transpose_lhs_hint = false} : vector<8x64xf32>, vector<64x64xf32>, vector<8x64xf32> -> vector<8x64xf32>
    %get3A_6 = arith.constant 0 : index
    %get3A_7 = arith.constant 0 : index
    %get3A_8 = vector.load %arg2[%get3A_6, %get3A_7] : memref<64x64xf32, #tpu.memory_space<vmem>>, vector<64x64xf32>
    %dot_general3A_9 = arith.constant dense<0.000000e+00> : vector<8x64xf32>
    %dot_general3A_10 = tpu.matmul %dot_general3A_5, %get3A_8, %dot_general3A_9 {dimension_numbers = #tpu.dot_dimension_numbers<[1], [0], [0], [1], [0, 0, 1, 1], [], []>, transpose_lhs_hint = false} : vector<8x64xf32>, vector<64x64xf32>, vector<8x64xf32> -> vector<8x64xf32>
    %get3A_11 = arith.constant 0 : index
    %get3A_12 = arith.constant 0 : index
    %get3A_13 = vector.load %arg3[%get3A_11, %get3A_12] : memref<1x64xf32, #tpu.memory_space<vmem>>, vector<1x64xf32>
    %add3A = vector.broadcast %get3A_13 : vector<1x64xf32> to vector<8x64xf32>
    %add3A_14 = arith.addf %dot_general3A_10, %add3A : vector<8x64xf32>
    %max3A = arith.constant 0.000000e+00 : f32
    %max3A_15 = vector.broadcast %max3A : f32 to vector<8x64xf32>
    %max3A_16 = arith.maximumf %add3A_14, %max3A_15 : vector<8x64xf32>
    %get3A_17 = arith.constant 0 : index
    %get3A_18 = arith.constant 0 : index
    %get3A_19 = vector.load %arg4[%get3A_17, %get3A_18] : memref<64x2xf32, #tpu.memory_space<vmem>>, vector<64x2xf32>
    %dot_general3A_20 = arith.constant dense<0.000000e+00> : vector<8x2xf32>
    %dot_general3A_21 = tpu.matmul %max3A_16, %get3A_19, %dot_general3A_20 {dimension_numbers = #tpu.dot_dimension_numbers<[1], [0], [0], [1], [0, 0, 1, 1], [], []>, transpose_lhs_hint = false} : vector<8x64xf32>, vector<64x2xf32>, vector<8x2xf32> -> vector<8x2xf32>
    %get3A_22 = arith.constant 0 : index
    %get3A_23 = arith.constant 0 : index
    %get3A_24 = vector.load %arg5[%get3A_22, %get3A_23] : memref<1x2xf32, #tpu.memory_space<vmem>>, vector<1x2xf32>
    %add3A_25 = vector.broadcast %get3A_24 : vector<1x2xf32> to vector<8x2xf32>
    %add3A_26 = arith.addf %dot_general3A_21, %add3A_25 : vector<8x2xf32>
    %swap3A = arith.constant 0 : index
    %swap3A_27 = arith.constant 0 : index
    %swap3A_28 = vector.load %arg6[%swap3A, %swap3A_27] : memref<8x2xf32, #tpu.memory_space<vmem>>, vector<8x2xf32>
    tpu.vector_store %arg6[%swap3A, %swap3A_27], %add3A_26 {strides = array<i32>} : memref<8x2xf32, #tpu.memory_space<vmem>>, vector<8x2xf32>,
    return
  }
}

</mosaic_0001>

<sc_bundles>
// kernel: kernel.5.cloned.1.call-start
scs
__scs_entry_jumppad:
0x0: {  	(pc) =	sbr.rel $0x88, $3  }
0x1: {  	(tag) =	ssettag $0x0;
	lr =	simm.s32 $0x1  }
0x2: {  	[smem:$0x3F8F] =	sst lr;
	_ =	strace $0xD0000000  }
0x3: {  	_ = 	snop  }
0x4: {  	_ = 	snop  }
0x5: {  	_ = 	snop  }
0x6: {  	_ = 	snop  }
0x7: {  	_ = 	snop  }
__scs_overlays_trampoline_lowered:
0x8: {  	[smem:$0x3F9E] =	sst s0  }
0x9: {  	[smem:$0x3F9F] =	sst s1  }
0xa: {  	[smem:$0x3FA0] =	sst s2  }
0xb: {  	[smem:$0x3FA1] =	sst s3  }
0xc: {  	[smem:$0x3FA2] =	sst s4  }
0xd: {  	[smem:$0x3FA3] =	sst s5  }
0xe: {  	[smem:$0x3FA4] =	sst s6  }
0xf: {  	[smem:$0x3FA5] =	sst s7  }
0x10: {  	[smem:$0x3FA6] =	sst s8  }
0x11: {  	[smem:$0x3FA7] =	sst s9;
	s0 =	simm.s32 @!p0 $0x0  }
0x12: {  	s1 =	sld [smem:$0x3F8D];
	s0 =	simm.s32 @p0 $0x1  }
0x13: {  	[smem:$0x3FA8] =	sst s0;
	s0 =	simm.s32 @!p1 $0x0  }
0x14: {  	s2 =	sld [smem:$0x3F8C];
	s0 =	simm.s32 @p1 $0x1  }
0x15: {  	[smem:$0x3FA9] =	sst s0;
	s0 =	simm.s32 @!p2 $0x0  }
0x16: {  	s3 =	sld [smem:$0x3FDB];
	s0 =	simm.s32 @p2 $0x1  }
0x17: {  	s4 =	simm.s32 $0x1BF5;
	[smem:$0x3FAB] =	sst s0  }
0x18: {  	s0 =	sld [smem:$0x3F8E];
	_ =	swait.ge [sflag:s4], $0x0  }
0x19: {  	s7 =	sld [smem:$0x3F8F]  }
0x1a: {  	s8 =	sadd.s32 $0xFFFFE003, lr  }
0x1b: {  	s9 =	sadd.s32 $0xFFFFFEF7, lr;
	s5 =	simm.s32 $0xFFFFFFFF;
	p2 =	slt.u32 s8, $0xFFFFF086  }
0x1c: {  	p1 =	slt.u32 s9, $0xF7A;
	s5 =	simm.s32 @!p2 $0x0  }
0x1d: {  	s5 =	simm.s32 @p1 $0x1;
	p0 =	seq.s32 s7, s2  }
0x1e: {  	s7 =	smul.u32 @!p0 $0xF7A, s2;
	p2 =	seq.s32 @!p0 s5, $0x0  }
0x1f: {  	s9 =	smul.u32 $0xF7A, s1;
	s8 =	simm.s32 @!p0 $0x1BF5;
	p2 =	por !p2, p0  }
0x20: {  	[sflag:s8] =	ssyncset.s32 @!p0 $0xFFFFF086;
	s6 =	sadd.s32 @!p0 s3, s7;
	s7 =	simm.s32 @!p0 $0x108  }
0x21: {  	s3 =	sadd.s32 s3, s9;
	s6 =	sadd.s32 @!p0 $0x88, s6;
	s7 =	simm.s32 @p2 $0x1082  }
0x22: {  	[simem:s7], [sflag:s8] =	dma.local @!p0 [hbm:s6], $0xF7A  }
0x23: {  	s9 =	sor.u32 $0xD0000000, s2;
	s6 =	simm.s32 $0x108;
	_ =	swait.ge @!p0 [sflag:s8], $0x0  }
0x24: {  	s3 =	sadd.s32 $0x88, s3;
	s6 =	simm.s32 @!p1 $0x1082;
	[sflag:s4] =	ssyncset.s32 $0xFFFFF086  }
0x25: {  	[simem:s6], [sflag:s4] =	dma.local [hbm:s3], $0xF7A  }
0x26: {  	[smem:$0x3F8F] =	sst s1;
	(tag) =	ssettag s2;
	_ =	strace s9  }
0x27: {  	s1 =	sld [smem:$0x3F9F]  }
0x28: {  	s2 =	sld [smem:$0x3FA0]  }
0x29: {  	s4 =	sld [smem:$0x3FA2]  }
0x2a: {  	p0 =	seq.s32 s5, $0x0;
	s5 =	sld [smem:$0x3FA3]  }
0x2b: {  	s6 =	sld [smem:$0x3FA4]  }
0x2c: {  	s7 =	sld [smem:$0x3FA5]  }
0x2d: {  	s3 =	simm.s32 $0x108;
	s8 =	sld [smem:$0x3FA6]  }
0x2e: {  	s3 =	simm.s32 @!p0 $0x1082;
	s9 =	sld [smem:$0x3FA7]  }
0x2f: {  	lr =	sadd.s32 s0, s3;
	s0 =	sld [smem:$0x3F9E]  }
0x30: {  	s3 =	sld [smem:$0x3FA1]  }
0x31: {  	[smem:$0x3FAA] =	sst s10  }
0x32: {  	s10 =	sld [smem:$0x3FA8];
	_ =	sdelay $0x3  }
0x33: {  	p0 =	seq.s32 s10, $0x1;
	s10 =	sld [smem:$0x3FAA];
	_ =	sdelay $0x3  }
0x34: {  	[smem:$0x3FAA] =	sst s10  }
0x35: {  	s10 =	sld [smem:$0x3FA9];
	_ =	sdelay $0x3  }
0x36: {  	p1 =	seq.s32 s10, $0x1;
	s10 =	sld [smem:$0x3FAA];
	_ =	sdelay $0x3  }
0x37: {  	[smem:$0x3FAA] =	sst s10  }
0x38: {  	s10 =	sld [smem:$0x3FAB]  }
0x39: {  	_ = 	snop;
	(pc) =	sbr.ind lr, $3  }
0x3a: {  	_ = 	snop  }
0x3b: {  	_ = 	snop  }
0x3c: {  	p2 =	seq.s32 s10, $0x1;
	s10 =	sld [smem:$0x3FAA]  }
0x3d: {  	_ =	shalt  }
0x3e: {  	_ =	shalt  }
0x3f: {  	_ =	shalt  }
0x40: {  	_ =	shalt  }
0x41: {  	_ =	shalt  }
0x42: {  	_ =	shalt  }
0x43: {  	_ =	shalt  }
0x44: {  	_ =	shalt  }
0x45: {  	_ =	shalt  }
0x46: {  	_ =	shalt  }
0x47: {  	_ =	shalt  }
0x48: {  	_ =	shalt  }
0x49: {  	_ =	shalt  }
0x4a: {  	_ =	shalt  }
0x4b: {  	_ =	shalt  }
0x4c: {  	_ =	shalt  }
0x4d: {  	_ =	shalt  }
0x4e: {  	_ =	shalt  }
0x4f: {  	_ =	shalt  }
0x50: {  	_ =	shalt  }
0x51: {  	_ =	shalt  }
0x52: {  	_ =	shalt  }
0x53: {  	_ =	shalt  }
0x54: {  	_ =	shalt  }
0x55: {  	_ =	shalt  }
0x56: {  	_ =	shalt  }
0x57: {  	_ =	shalt  }
0x58: {  	_ =	shalt  }
0x59: {  	_ =	shalt  }
0x5a: {  	_ =	shalt  }
0x5b: {  	_ =	shalt  }
0x5c: {  	_ =	shalt  }
0x5d: {  	_ =	shalt  }
0x5e: {  	_ =	shalt  }
0x5f: {  	_ =	shalt  }
0x60: {  	_ =	shalt  }
0x61: {  	_ =	shalt  }
0x62: {  	_ =	shalt  }
0x63: {  	_ =	shalt  }
0x64: {  	_ =	shalt  }
0x65: {  	_ =	shalt  }
0x66: {  	_ =	shalt  }
0x67: {  	_ =	shalt  }
0x68: {  	_ =	shalt  }
0x69: {  	_ =	shalt  }
0x6a: {  	_ =	shalt  }
0x6b: {  	_ =	shalt  }
0x6c: {  	_ =	shalt  }
0x6d: {  	_ =	shalt  }
0x6e: {  	_ =	shalt  }
0x6f: {  	_ =	shalt  }
0x70: {  	_ =	shalt  }
0x71: {  	_ =	shalt  }
0x72: {  	_ =	shalt  }
0x73: {  	_ =	shalt  }
0x74: {  	_ =	shalt  }
0x75: {  	_ =	shalt  }
0x76: {  	_ =	shalt  }
0x77: {  	_ =	shalt  }
0x78: {  	_ =	shalt  }
0x79: {  	_ =	shalt  }
0x7a: {  	_ =	shalt  }
0x7b: {  	_ =	shalt  }
0x7c: {  	_ =	shalt  }
0x7d: {  	_ =	shalt  }
0x7e: {  	_ =	shalt  }
0x7f: {  	_ =	shalt  }
0x80: {  	_ =	shalt  }
0x81: {  	_ =	shalt  }
0x82: {  	_ =	shalt  }
0x83: {  	_ =	shalt  }
0x84: {  	_ =	shalt  }
0x85: {  	_ =	shalt  }
0x86: {  	_ =	shalt  }
0x87: {  	_ =	shalt  }
.Lfunc_end0:
.L_simem_size_0:
called_computation_lowered:
.L_overlay_start_0:
0x88: {  	s2 =	sld [smem:$0x3FD9]  }
0x89: {  	s3 =	sld [smem:$0x3FFE];
	_ =	sdelay $0x1  }
0x8a: {  	s1 =	srdreg.scid  }
0x8b: {  	s0 =	sand.u32 $0x1, s1  }
0x8c: {  	s16 =	sshll.u32 s0, $0xA;
	s2 =	sadd.s32 s3, s2  }
0x8d: {  	s2 =	sadd.s32 s2, s16  }
0x8e: {  	[smem:$0x3FB6] =	sst s2  }
0x8f: {  	_ = 	snop  }
0x90: {  	(tm) =	ssettm $0x1  }
0x91: {  	s17 =	sld [smem:$0x3FFB];
	_ =	sdelay $0x3  }
0x92: {  	_ =	strace s17  }
0x93: {  	s2 =	sld [smem:$0x3FFC];
	_ =	sdelay $0x3  }
0x94: {  	_ =	strace s2  }
0x95: {  	s2 =	sld [smem:$0x3FFD];
	_ =	sdelay $0x3  }
0x96: {  	_ =	strace s2  }
0x97: {  	_ =	strace $0x8FFFFFFF  }
0x98: {  	s18 =	sld [smem:$0x3FDB];
	_ =	sdelay $0x1  }
0x99: {  	s19 =	simm.s32 $_scs_section_size  }
0x9a: {  	s4 =	simm.s32 $_size__tile_overlayer_lowered;
	s5 =	simm.s32 $_tile_overlayer_lowered  }
0x9b: {  	s22 =	simm.s32 $0x1BFF;
	s21 =	sshll.u32 s5, $0x1;
	s2 =	sadd.s32 s19, s18  }
0x9c: {  	s6 =	simm.s32 $0x0;
	s20 =	sshll.u32 s4, $0x1;
	s4 =	sadd.s32 s21, s2  }
0x9d: {  	[timem:s6], [sflag:s22] =	dma.local [hbm:s4], s20  }
0x9e: {  	_ =	swait.ge [sflag:s22], s20  }
0x9f: {  	s3 =	ssub.s32 $0x0, s20;
	[sflag:s22] =	ssyncset.done $0x0  }
0xa0: {  	[sflag:s22] =	ssyncadd.s32 s3;
	_ =	sdelay $0x1  }
0xa1: {  	s23 =	simm.s32 $0x1B8B  }
0xa2: {  	_ =	swait.ge [sflag:s23], $0x1  }
0xa3: {  	[sflag:s23] =	ssyncset.done $0x0  }
0xa4: {  	s25 =	simm.s32 $0x1B8E;
	s24 =	sld [smem:$0x3FFE];
	[sflag:s23] =	ssyncadd.s32 $0xFFFFFFFF  }
0xa5: {  	s26 =	simm.s32 $execute0_lowered;
	[smem:$0x3FD2] =	sst s25  }
0xa6: {  	s4 =	sshll.u32 s26, $0x1;
	_ =	strace $0x80000046;
	[dreg:$0x1] =	wrdreg $0xFFFFFFFF  }
0xa7: {  	s28 =	simm.s32 $_size_execute0_lowered;
	s2 =	sadd.s32 s2, s4;
	[dreg:$0x0] =	wrdreg $0x0  }
0xa8: {  	s4 =	sshll.u32 s28, $0x1;
	[dreg:$0x2] =	wrdreg s2  }
0xa9: {  	[dreg:$0x3] =	wrdreg s4  }
0xaa: {  	[dreg:$0x4] =	wrdreg $0xC0  }
0xab: {  	_ =	task [dreg:s6], $0x5FFFF  }
0xac: {  	[dreg:$0x1] =	wrdreg $0xFFFFFFFF  }
0xad: {  	[dreg:$0x0] =	wrdreg $0x60  }
0xae: {  	[dreg:$0x2] =	wrdreg s24  }
0xaf: {  	[dreg:$0x3] =	wrdreg $0x106800  }
0xb0: {  	[dreg:$0x4] =	wrdreg $0x10A800  }
0xb1: {  	[dreg:$0x5] =	wrdreg $0x9  }
0xb2: {  	_ =	task.clear_ibuf [dreg:s6], $0x6FFFF;
	_ =	strace $0x90000046  }
0xb3: {  	s29 =	simm.s32 $0x9;
	_ =	strace $0x80000048  }
0xb4: {  	_ =	swait.ge [sflag:s29], $0x1  }
0xb5: {  	[sflag:s29] =	ssyncadd.s32 $0xFFFFFFFF  }
0xb6: {  	_ =	strace $0x90000048  }
0xb7: {  	_ =	sfence  }
0xb8: {  	s30 =	sld [smem:$0x0];
	_ =	sdelay $0x2  }
0xb9: {  	s31 =	sshll.u32 s1, $0xD;
	s1 =	sshrl.u32 s1, $0x2  }
0xba: {  	s3 =	sand.u32 $0x4000, s31;
	s1 =	sadd.s32 s1, s30  }
0xbb: {  	s0 =	sor.u32 s3, s0;
	s1 =	sshll.u32 s1, $0x11  }
0xbc: {  	s0 =	sor.u32 s1, s0  }
0xbd: {  	s0 =	sadd.s32 $0x8F2B, s0  }
0xbe: {  	[sflag:s0] =	ssyncadd.remote.s32 $0x1  }
0xbf: {  	_ =	sfence.sel $0xFFFF  }
0xc0: {  	[dreg:$0x0] =	wrdreg $0xFFFFFFFF;
	(pc) =	sbr.abs _section_cstart, $3  }
0xc1: {  	[dreg:$0x1] =	wrdreg $0xFFFFFFFF  }
0xc2: {  	_ =	task.clear_ibuf [dreg:s6], $0x2FFFF;
	_ =	strace $0x9FFFFFFF  }
0xc3: {  	(tm) =	ssettm $0x7FFFFFFF  }
tec
execute0_lowered:
.L_overlay_start_1:
0x0: {  	(tag) =	ssettag $0x1  }
0x1: {  	s0 =	rddreg [dreg:$0x0]  }
0x2: {  	s1 =	rddreg [dreg:$0x1];
	s2 =	srdreg.scid  }
0x3: {  	s25 =	stileid.u32;
	s20 =	rddreg [dreg:$0x2];
	s4 =	simm.s32 $0x0  }
0x4: {  	s31 =	simm.s32 $0x1;
	s2 =	sand.u32 $0x1, s2;
	s3 =	sshll.u32 s25, $0x1  }
0x5: {  	[smem:$0x7FF] =	sst s4;
	s5 =	sadd.s32 $0x2600, s0;
	s26 =	sadd.s32 $0x1E00, s0  }
0x6: {  	s7 =	smul.u32 $0x3F, s25;
	s8 =	sshll.u32 s25, $0xA;
	s9 =	sshll.u32 s25, $0x6  }
0x7: {  	s22 =	sadd.s32 $0x21260, s0;
	p1 =	seq.s32 s25, $0xF;
	s3 =	sor.u32 s2, s3  }
0x8: {  	_ =	strace $0x80000047;
	[dreg:$0x4] =	wrdreg s5;
	s2 =	ssub.s32 $0x2, s2  }
0x9: {  	[dreg:$0x5] =	wrdreg s26;
	s8 =	sadd.s32 s8, s1;
	s20 =	sadd.s32 s9, s20  }
0xa: {  	s24 =	smul.u32 $0xFA0, s3;
	s6 =	sshrl.u32 s2, $0x1;
	s5 =	sshll.u32 s3, $0x5  }
0xb: {  	[dreg:$0x6] =	wrdreg s8;
	s8 =	sadd.s32 s9, s1;
	p0 =	seq.s32 s3, $0x1F  }
0xc: {  	s3 =	simm.s32 $0x0;
	s2 =	ssub.s32 s2, s6;
	s6 =	smul.u32 $0xFC0, s25  }
0xd: {  	s1 =	sadd.s32 $0x400, s8;
	s10 =	sadd.s32 $0x800, s8;
	s11 =	sadd.s32 $0xC00, s8  }
0xe: {  	s12 =	sadd.s32 $0x1000, s8;
	s13 =	sadd.s32 $0x1400, s8;
	s14 =	sadd.s32 $0x1800, s8  }
0xf: {  	v3 =	vlaneseq.u32;
	s15 =	sadd.s32 $0x1C00, s8;
	s16 =	sadd.s32 $0x2000, s8;
	s9 =	sor.u32 $0x10, s5  }
0x10: {  	s17 =	sadd.s32 $0x2400, s8;
	s18 =	sadd.s32 $0x2800, s8;
	s19 =	sadd.s32 $0x2C00, s8;
	v1 =	vmov s5;
	v0 =	vor.u32 s9, v3  }
0x11: {  	v4 =	vmul.u32 $0x3E9, v3;
	s25 =	sadd.s32 $0x3000, s8;
	s26 =	sadd.s32 $0x3400, s8;
	s28 =	sadd.s32 $0x3800, s8;
	v2 =	vsub.s32 v0, v1  }
0x12: {  	s29 =	sadd.s32 $0x3C00, s8;
	s4 =	sadd.s32 s24, s0;
	[dreg:$0x7] =	wrdreg s1;
	v5 =	vmul.u32 $0x3E8, v2  }
0x13: {  	v6 =	vimm.f32 $0.0e+00;
	v4 =	vadd.s32 s5, v4;
	s23 =	smax.u32 s2, $0x1;
	s24 =	sadd.s32 $0x7, s7;
	s7 =	sadd.s32 $0x20, s5;
	v3 =	vor.u32 s5, v3  }
0x14: {  	s0 =	simm.s32 $0x7D00;
	s1 =	simm.s32 $0x8500;
	s6 =	sshrl.u32 s6, $0x2;
	vm0 =	vlt.u32 v3, $0x3E8;
	vm1 =	vlt.u32 v0, $0x3E8;
	v5 =	vadd.s32 v0, v5  }
0x15: {  	s2 =	simm.s32 $0x8980;
	s21 =	sadd.s32 $0x2E00, s4;
	s30 =	sadd.s32 $0x3EC0, s6;
	v2 =	vmov s7;
	v4 =	vnsel vm0, $0x0, v4;
	v5 =	vnsel vm1, $0x0, v5  }
.LBB2_1:
0x16: {  	s4 =	simm.s32 $0x0;
	s5 =	rddreg [dreg:$0x4]  }
0x17: {  	[tilespmem:s4], [sflag:$0x1] =	stream.linear.gather [hbm4b:s5+s4], $0x3E80, $0x38;
	[tilespmem:$0x10AC0] =	vst v63  }
0x18: {  	_ =	swait.ge [sflag:s31], $0x3E80  }
0x19: {  	[sflag:s31] =	ssyncset.done $0x0  }
0x1a: {  	s7 =	simm.s32 $0x3E80;
	s9 =	rddreg [dreg:$0x5];
	[sflag:s31] =	ssyncadd.s32 $0xFFFFC180  }
0x1b: {  	[tilespmem:s7], [sflag:$0x1] =	stream.linear.gather [hbm4b:s9+s4], $0x3E80, $0x38;
	[tilespmem:$0x10AC0] =	vst v63  }
0x1c: {  	_ =	swait.ge [sflag:s31], $0x3E80  }
0x1d: {  	[sflag:s31] =	ssyncset.done $0x0  }
0x1e: {  	[sflag:s31] =	ssyncadd.s32 $0xFFFFC180  }
0x1f: {  	[tilespmem:$0x7D00] =	vst v6  }
0x20: {  	[tilespmem:$0x7D10] =	vst v6  }
0x21: {  	[tilespmem:$0x7D20] =	vst v6  }
0x22: {  	[tilespmem:$0x7D30] =	vst v6  }
0x23: {  	[tilespmem:$0x7D40] =	vst v6  }
0x24: {  	[tilespmem:$0x7D50] =	vst v6  }
0x25: {  	[tilespmem:$0x7D60] =	vst v6  }
0x26: {  	[tilespmem:$0x7D70] =	vst v6  }
0x27: {  	[tilespmem:$0x7D80] =	vst v6  }
0x28: {  	[tilespmem:$0x7D90] =	vst v6  }
0x29: {  	[tilespmem:$0x7DA0] =	vst v6  }
0x2a: {  	[tilespmem:$0x7DB0] =	vst v6  }
0x2b: {  	[tilespmem:$0x7DC0] =	vst v6  }
0x2c: {  	[tilespmem:$0x7DD0] =	vst v6  }
0x2d: {  	[tilespmem:$0x7DE0] =	vst v6  }
0x2e: {  	[tilespmem:$0x7DF0] =	vst v6  }
0x2f: {  	[tilespmem:$0x7E00] =	vst v6  }
0x30: {  	[tilespmem:$0x7E10] =	vst v6  }
0x31: {  	[tilespmem:$0x7E20] =	vst v6  }
0x32: {  	[tilespmem:$0x7E30] =	vst v6  }
0x33: {  	[tilespmem:$0x7E40] =	vst v6  }
0x34: {  	[tilespmem:$0x7E50] =	vst v6  }
0x35: {  	[tilespmem:$0x7E60] =	vst v6  }
0x36: {  	[tilespmem:$0x7E70] =	vst v6  }
0x37: {  	[tilespmem:$0x7E80] =	vst v6  }
0x38: {  	[tilespmem:$0x7E90] =	vst v6  }
0x39: {  	[tilespmem:$0x7EA0] =	vst v6  }
0x3a: {  	[tilespmem:$0x7EB0] =	vst v6  }
0x3b: {  	[tilespmem:$0x7EC0] =	vst v6  }
0x3c: {  	[tilespmem:$0x7ED0] =	vst v6  }
0x3d: {  	[tilespmem:$0x7EE0] =	vst v6  }
0x3e: {  	[tilespmem:$0x7EF0] =	vst v6  }
0x3f: {  	[tilespmem:$0x7F00] =	vst v6  }
0x40: {  	[tilespmem:$0x7F10] =	vst v6  }
0x41: {  	[tilespmem:$0x7F20] =	vst v6  }
0x42: {  	[tilespmem:$0x7F30] =	vst v6  }
0x43: {  	[tilespmem:$0x7F40] =	vst v6  }
0x44: {  	[tilespmem:$0x7F50] =	vst v6  }
0x45: {  	[tilespmem:$0x7F60] =	vst v6  }
0x46: {  	[tilespmem:$0x7F70] =	vst v6  }
0x47: {  	[tilespmem:$0x7F80] =	vst v6  }
0x48: {  	[tilespmem:$0x7F90] =	vst v6  }
0x49: {  	[tilespmem:$0x7FA0] =	vst v6  }
0x4a: {  	[tilespmem:$0x7FB0] =	vst v6  }
0x4b: {  	[tilespmem:$0x7FC0] =	vst v6  }
0x4c: {  	[tilespmem:$0x7FD0] =	vst v6  }
0x4d: {  	[tilespmem:$0x7FE0] =	vst v6  }
0x4e: {  	[tilespmem:$0x7FF0] =	vst v6  }
0x4f: {  	[tilespmem:$0x8000] =	vst v6  }
0x50: {  	[tilespmem:$0x8010] =	vst v6  }
0x51: {  	[tilespmem:$0x8020] =	vst v6  }
0x52: {  	[tilespmem:$0x8030] =	vst v6  }
0x53: {  	[tilespmem:$0x8040] =	vst v6  }
0x54: {  	[tilespmem:$0x8050] =	vst v6  }
0x55: {  	[tilespmem:$0x8060] =	vst v6  }
0x56: {  	[tilespmem:$0x8070] =	vst v6  }
0x57: {  	[tilespmem:$0x8080] =	vst v6  }
0x58: {  	[tilespmem:$0x8090] =	vst v6  }
0x59: {  	[tilespmem:$0x80A0] =	vst v6  }
0x5a: {  	[tilespmem:$0x80B0] =	vst v6  }
0x5b: {  	[tilespmem:$0x80C0] =	vst v6  }
0x5c: {  	[tilespmem:$0x80D0] =	vst v6  }
0x5d: {  	[tilespmem:$0x80E0] =	vst v6  }
0x5e: {  	s5 =	smov.u32 s30;
	s4 =	simm.s32 $0xFFFFFFF8;
	[tilespmem:$0x80F0] =	vst v6  }
.LBB2_2:
0x5f: {  	v7 =	vld [tilespmem:s5+$0xFFFFFFC0];
	_ =	sdelay $0x4  }
0x60: {  	(xrf1) =	vunique.msk.u32 $0xffff, v7;
	_ =	sdelay $0xd  }
0x61: {  	_, v8, vm2 =	vpop (xrf1);
	_ =	sdelay $0x3  }
0x62: {  	v8 =	vcvt.s32.f32 v8;
	_ =	sdelay $0x1  }
0x63: {  	[tilespmem:v7+s0+$0x0] =	vst.idx.add.f32.msk vm2, v8  }
0x64: {  	v7 =	vld [tilespmem:s5+$0xFFFFFFD0];
	_ =	sdelay $0x4  }
0x65: {  	(xrf1) =	vunique.msk.u32 $0xffff, v7;
	_ =	sdelay $0xd  }
0x66: {  	_, v8, vm2 =	vpop (xrf1);
	_ =	sdelay $0x3  }
0x67: {  	v8 =	vcvt.s32.f32 v8;
	_ =	sdelay $0x1  }
0x68: {  	[tilespmem:v7+s0+$0x0] =	vst.idx.add.f32.msk vm2, v8  }
0x69: {  	v7 =	vld [tilespmem:s5+$0xFFFFFFE0];
	_ =	sdelay $0x4  }
0x6a: {  	(xrf1) =	vunique.msk.u32 $0xffff, v7;
	_ =	sdelay $0xd  }
0x6b: {  	_, v8, vm2 =	vpop (xrf1);
	_ =	sdelay $0x3  }
0x6c: {  	v8 =	vcvt.s32.f32 v8;
	_ =	sdelay $0x1  }
0x6d: {  	[tilespmem:v7+s0+$0x0] =	vst.idx.add.f32.msk vm2, v8  }
0x6e: {  	v7 =	vld [tilespmem:s5+$0xFFFFFFF0];
	_ =	sdelay $0x4  }
0x6f: {  	(xrf1) =	vunique.msk.u32 $0xffff, v7;
	_ =	sdelay $0xd  }
0x70: {  	_, v8, vm2 =	vpop (xrf1);
	_ =	sdelay $0x3  }
0x71: {  	v8 =	vcvt.s32.f32 v8;
	_ =	sdelay $0x1  }
0x72: {  	[tilespmem:v7+s0+$0x0] =	vst.idx.add.f32.msk vm2, v8  }
0x73: {  	v7 =	vld [tilespmem:s5+$0x0];
	_ =	sdelay $0x4  }
0x74: {  	(xrf1) =	vunique.msk.u32 $0xffff, v7;
	_ =	sdelay $0xd  }
0x75: {  	_, v8, vm2 =	vpop (xrf1);
	_ =	sdelay $0x3  }
0x76: {  	v8 =	vcvt.s32.f32 v8;
	_ =	sdelay $0x1  }
0x77: {  	[tilespmem:v7+s0+$0x0] =	vst.idx.add.f32.msk vm2, v8  }
0x78: {  	v7 =	vld [tilespmem:s5+$0x10];
	_ =	sdelay $0x4  }
0x79: {  	(xrf1) =	vunique.msk.u32 $0xffff, v7;
	_ =	sdelay $0xd  }
0x7a: {  	_, v8, vm2 =	vpop (xrf1);
	_ =	sdelay $0x3  }
0x7b: {  	v8 =	vcvt.s32.f32 v8;
	_ =	sdelay $0x1  }
0x7c: {  	[tilespmem:v7+s0+$0x0] =	vst.idx.add.f32.msk vm2, v8  }
0x7d: {  	v7 =	vld [tilespmem:s5+$0x20];
	_ =	sdelay $0x4  }
0x7e: {  	(xrf1) =	vunique.msk.u32 $0xffff, v7;
	_ =	sdelay $0xd  }
0x7f: {  	_, v8, vm2 =	vpop (xrf1);
	_ =	sdelay $0x3  }
0x80: {  	s7 =	sadd.s32 s4, s24;
	v8 =	vcvt.s32.f32 v8  }
0x81: {  	s7 =	sadd.s32 $0x8, s7  }
0x82: {  	p2 =	sgt.u32 s7, $0x3E7;
	[tilespmem:v7+s0+$0x0] =	vst.idx.add.f32.msk vm2, v8  }
0x83: {  	v7 =	vld @!p2 [tilespmem:s5+$0x30];
	_ =	sdelay $0x4  }
0x84: {  	(xrf1) =	vunique.msk.u32 @!p2 $0xffff, v7;
	_ =	sdelay $0xd  }
0x85: {  	s4 =	sadd.s32 $0x8, s4;
	_, v8, vm2 =	vpop @!p2 (xrf1)  }
0x86: {  	p3 =	slt.u32 s4, $0x30  }
.Ltmp0:
0x87: {  	_ = 	snop;
	(pc) =	sbr.rel @p3 .LBB2_2-.Ltmp0, $4  }
0x88: {  	_ = 	snop  }
0x89: {  	v8 =	vcvt.s32.f32 @!p2 v8  }
0x8a: {  	s7 =	simm.s32 @!p2 $0x7D00  }
0x8b: {  	s5 =	sadd.s32 $0x80, s5;
	[tilespmem:v7+s7+$0x0] =	vst.idx.add.f32.msk @!p2 vm2, v8  }
0x8c: {  	v7 =	vld @!p1 [tilespmem:s6+$0x4200];
	_ =	sdelay $0x4  }
0x8d: {  	(xrf1) =	vunique.msk.u32 @!p1 $0xffff, v7;
	_ =	sdelay $0xd  }
0x8e: {  	_, v8, vm2 =	vpop @!p1 (xrf1);
	_ =	sdelay $0x3  }
0x8f: {  	v8 =	vcvt.s32.f32 @!p1 v8  }
0x90: {  	s4 =	simm.s32 @!p1 $0x7D00  }
0x91: {  	[tilespmem:v7+s4+$0x0] =	vst.idx.add.f32.msk @!p1 vm2, v8  }
0x92: {  	v7 =	vld @!p1 [tilespmem:s6+$0x4210];
	_ =	sdelay $0x4  }
0x93: {  	(xrf1) =	vunique.msk.u32 @!p1 $0xffff, v7;
	_ =	sdelay $0xd  }
0x94: {  	_, v8, vm2 =	vpop @!p1 (xrf1);
	_ =	sdelay $0x3  }
0x95: {  	v8 =	vcvt.s32.f32 @!p1 v8;
	_ =	sdelay $0x1  }
0x96: {  	[tilespmem:v7+s4+$0x0] =	vst.idx.add.f32.msk @!p1 vm2, v8  }
0x97: {  	v7 =	vld @!p1 [tilespmem:s6+$0x4220];
	_ =	sdelay $0x4  }
0x98: {  	(xrf1) =	vunique.msk.u32 @!p1 $0xffff, v7;
	_ =	sdelay $0xd  }
0x99: {  	_, v8, vm2 =	vpop @!p1 (xrf1);
	_ =	sdelay $0x3  }
0x9a: {  	v8 =	vcvt.s32.f32 @!p1 v8;
	_ =	sdelay $0x1  }
0x9b: {  	[tilespmem:v7+s4+$0x0] =	vst.idx.add.f32.msk @!p1 vm2, v8  }
0x9c: {  	v7 =	vld @!p1 [tilespmem:s6+$0x4230];
	_ =	sdelay $0x4  }
0x9d: {  	(xrf1) =	vunique.msk.u32 @!p1 $0xffff, v7;
	_ =	sdelay $0xd  }
0x9e: {  	_, v8, vm2 =	vpop @!p1 (xrf1);
	_ =	sdelay $0x3  }
0x9f: {  	v8 =	vcvt.s32.f32 @!p1 v8;
	_ =	sdelay $0x1  }
0xa0: {  	[tilespmem:v7+s4+$0x0] =	vst.idx.add.f32.msk @!p1 vm2, v8  }
0xa1: {  	v7 =	vld @!p1 [tilespmem:s6+$0x4240];
	_ =	sdelay $0x4  }
0xa2: {  	(xrf1) =	vunique.msk.u32 @!p1 $0xffff, v7;
	_ =	sdelay $0xd  }
0xa3: {  	_, v8, vm2 =	vpop @!p1 (xrf1);
	_ =	sdelay $0x3  }
0xa4: {  	v8 =	vcvt.s32.f32 @!p1 v8;
	_ =	sdelay $0x1  }
0xa5: {  	[tilespmem:v7+s4+$0x0] =	vst.idx.add.f32.msk @!p1 vm2, v8  }
0xa6: {  	v7 =	vld @!p1 [tilespmem:s6+$0x4250];
	_ =	sdelay $0x4  }
0xa7: {  	(xrf1) =	vunique.msk.u32 @!p1 $0xffff, v7;
	_ =	sdelay $0xd  }
0xa8: {  	_, v8, vm2 =	vpop @!p1 (xrf1);
	_ =	sdelay $0x3  }
0xa9: {  	v8 =	vcvt.s32.f32 @!p1 v8;
	_ =	sdelay $0x1  }
0xaa: {  	[tilespmem:v7+s4+$0x0] =	vst.idx.add.f32.msk @!p1 vm2, v8  }
0xab: {  	v7 =	vld @!p1 [tilespmem:s6+$0x4260];
	_ =	sdelay $0x4  }
0xac: {  	(xrf1) =	vunique.msk.u32 @!p1 $0xffff, v7;
	_ =	sdelay $0xd  }
0xad: {  	_, v8, vm2 =	vpop @!p1 (xrf1);
	_ =	sdelay $0x3  }
0xae: {  	v8 =	vcvt.s32.f32 @!p1 v8;
	_ =	sdelay $0x1  }
0xaf: {  	s9 =	rddreg [dreg:$0x6];
	[tilespmem:v7+s4+$0x0] =	vst.idx.add.f32.msk @!p1 vm2, v8  }
0xb0: {  	[spmem:s9] =	stream.linear.scatter [tilespmem:s0], [sflag:$0x1], $0x400, $0x38;
	[tilespmem:$0x10AC0] =	vst v63  }
0xb1: {  	_ =	swait.ge [sflag:s31], $0x400  }
0xb2: {  	[sflag:s31] =	ssyncset.done $0x0  }
0xb3: {  	[sflag:s31] =	ssyncadd.s32 $0xFFFFFC00  }
0xb4: {  	s5 =	simm.s32 $0x8100;
	[bflag:$0x0] =	sbarrier.arrive $0xFFFF  }
0xb5: {  	[tilespmem:s5], [sflag:$0x1] =	stream.linear.gather [spmem:s8], $0x40, $0x38;
	[tilespmem:$0x10AC0] =	vst v63  }
0xb6: {  	_ =	swait.ge [sflag:s31], $0x40  }
0xb7: {  	[sflag:s31] =	ssyncset.done $0x0  }
0xb8: {  	s5 =	simm.s32 $0x8140;
	s7 =	rddreg [dreg:$0x7];
	[sflag:s31] =	ssyncadd.s32 $0xFFFFFFC0  }
0xb9: {  	[tilespmem:s5], [sflag:$0x1] =	stream.linear.gather [spmem:s7], $0x40, $0x38;
	[tilespmem:$0x10AC0] =	vst v63  }
0xba: {  	_ =	swait.ge [sflag:s31], $0x40  }
0xbb: {  	[sflag:s31] =	ssyncset.done $0x0  }
0xbc: {  	s9 =	simm.s32 $0x8180;
	[sflag:s31] =	ssyncadd.s32 $0xFFFFFFC0  }
0xbd: {  	[tilespmem:s9], [sflag:$0x1] =	stream.linear.gather [spmem:s10], $0x40, $0x38;
	[tilespmem:$0x10AC0] =	vst v63  }
0xbe: {  	_ =	swait.ge [sflag:s31], $0x40  }
0xbf: {  	[sflag:s31] =	ssyncset.done $0x0  }
0xc0: {  	s5 =	simm.s32 $0x81C0;
	[sflag:s31] =	ssyncadd.s32 $0xFFFFFFC0  }
0xc1: {  	[tilespmem:s5], [sflag:$0x1] =	stream.linear.gather [spmem:s11], $0x40, $0x38;
	[tilespmem:$0x10AC0] =	vst v63  }
0xc2: {  	_ =	swait.ge [sflag:s31], $0x40  }
0xc3: {  	[sflag:s31] =	ssyncset.done $0x0  }
0xc4: {  	s7 =	simm.s32 $0x8200;
	[sflag:s31] =	ssyncadd.s32 $0xFFFFFFC0  }
0xc5: {  	[tilespmem:s7], [sflag:$0x1] =	stream.linear.gather [spmem:s12], $0x40, $0x38;
	[tilespmem:$0x10AC0] =	vst v63  }
0xc6: {  	_ =	swait.ge [sflag:s31], $0x40  }
0xc7: {  	[sflag:s31] =	ssyncset.done $0x0  }
0xc8: {  	s9 =	simm.s32 $0x8240;
	[sflag:s31] =	ssyncadd.s32 $0xFFFFFFC0  }
0xc9: {  	[tilespmem:s9], [sflag:$0x1] =	stream.linear.gather [spmem:s13], $0x40, $0x38;
	[tilespmem:$0x10AC0] =	vst v63  }
0xca: {  	_ =	swait.ge [sflag:s31], $0x40  }
0xcb: {  	[sflag:s31] =	ssyncset.done $0x0  }
0xcc: {  	s5 =	simm.s32 $0x8280;
	[sflag:s31] =	ssyncadd.s32 $0xFFFFFFC0  }
0xcd: {  	[tilespmem:s5], [sflag:$0x1] =	stream.linear.gather [spmem:s14], $0x40, $0x38;
	[tilespmem:$0x10AC0] =	vst v63  }
0xce: {  	_ =	swait.ge [sflag:s31], $0x40  }
0xcf: {  	[sflag:s31] =	ssyncset.done $0x0  }
0xd0: {  	s7 =	simm.s32 $0x82C0;
	[sflag:s31] =	ssyncadd.s32 $0xFFFFFFC0  }
0xd1: {  	[tilespmem:s7], [sflag:$0x1] =	stream.linear.gather [spmem:s15], $0x40, $0x38;
	[tilespmem:$0x10AC0] =	vst v63  }
0xd2: {  	_ =	swait.ge [sflag:s31], $0x40  }
0xd3: {  	[sflag:s31] =	ssyncset.done $0x0  }
0xd4: {  	s9 =	simm.s32 $0x8300;
	[sflag:s31] =	ssyncadd.s32 $0xFFFFFFC0  }
0xd5: {  	[tilespmem:s9], [sflag:$0x1] =	stream.linear.gather [spmem:s16], $0x40, $0x38;
	[tilespmem:$0x10AC0] =	vst v63  }
0xd6: {  	_ =	swait.ge [sflag:s31], $0x40  }
0xd7: {  	[sflag:s31] =	ssyncset.done $0x0  }
0xd8: {  	s5 =	simm.s32 $0x8340;
	[sflag:s31] =	ssyncadd.s32 $0xFFFFFFC0  }
0xd9: {  	[tilespmem:s5], [sflag:$0x1] =	stream.linear.gather [spmem:s17], $0x40, $0x38;
	[tilespmem:$0x10AC0] =	vst v63  }
0xda: {  	_ =	swait.ge [sflag:s31], $0x40  }
0xdb: {  	[sflag:s31] =	ssyncset.done $0x0  }
0xdc: {  	s7 =	simm.s32 $0x8380;
	[sflag:s31] =	ssyncadd.s32 $0xFFFFFFC0  }
0xdd: {  	[tilespmem:s7], [sflag:$0x1] =	stream.linear.gather [spmem:s18], $0x40, $0x38;
	[tilespmem:$0x10AC0] =	vst v63  }
0xde: {  	_ =	swait.ge [sflag:s31], $0x40  }
0xdf: {  	[sflag:s31] =	ssyncset.done $0x0  }
0xe0: {  	s9 =	simm.s32 $0x83C0;
	[sflag:s31] =	ssyncadd.s32 $0xFFFFFFC0  }
0xe1: {  	[tilespmem:s9], [sflag:$0x1] =	stream.linear.gather [spmem:s19], $0x40, $0x38;
	[tilespmem:$0x10AC0] =	vst v63  }
0xe2: {  	_ =	swait.ge [sflag:s31], $0x40  }
0xe3: {  	[sflag:s31] =	ssyncset.done $0x0  }
0xe4: {  	s5 =	simm.s32 $0x8400;
	[sflag:s31] =	ssyncadd.s32 $0xFFFFFFC0  }
0xe5: {  	[tilespmem:s5], [sflag:$0x1] =	stream.linear.gather [spmem:s25], $0x40, $0x38;
	[tilespmem:$0x10AC0] =	vst v63  }
0xe6: {  	_ =	swait.ge [sflag:s31], $0x40  }
0xe7: {  	[sflag:s31] =	ssyncset.done $0x0  }
0xe8: {  	s7 =	simm.s32 $0x8440;
	[sflag:s31] =	ssyncadd.s32 $0xFFFFFFC0  }
0xe9: {  	[tilespmem:s7], [sflag:$0x1] =	stream.linear.gather [spmem:s26], $0x40, $0x38;
	[tilespmem:$0x10AC0] =	vst v63  }
0xea: {  	_ =	swait.ge [sflag:s31], $0x40  }
0xeb: {  	[sflag:s31] =	ssyncset.done $0x0  }
0xec: {  	s9 =	simm.s32 $0x8480;
	[sflag:s31] =	ssyncadd.s32 $0xFFFFFFC0  }
0xed: {  	[tilespmem:s9], [sflag:$0x1] =	stream.linear.gather [spmem:s28], $0x40, $0x38;
	[tilespmem:$0x10AC0] =	vst v63  }
0xee: {  	_ =	swait.ge [sflag:s31], $0x40  }
0xef: {  	[sflag:s31] =	ssyncset.done $0x0  }
0xf0: {  	s5 =	simm.s32 $0x84C0;
	[sflag:s31] =	ssyncadd.s32 $0xFFFFFFC0  }
0xf1: {  	[tilespmem:s5], [sflag:$0x1] =	stream.linear.gather [spmem:s29], $0x40, $0x38;
	[tilespmem:$0x10AC0] =	vst v63  }
0xf2: {  	_ =	swait.ge [sflag:s31], $0x40  }
0xf3: {  	[sflag:s31] =	ssyncset.done $0x0  }
0xf4: {  	[sflag:s31] =	ssyncadd.s32 $0xFFFFFFC0  }
0xf5: {  	v7 =	vld [tilespmem:$0x8100]  }
0xf6: {  	v8 =	vld [tilespmem:$0x8140]  }
0xf7: {  	v9 =	vld [tilespmem:$0x8180]  }
0xf8: {  	v10 =	vld [tilespmem:$0x81C0]  }
0xf9: {  	v11 =	vld [tilespmem:$0x8200]  }
0xfa: {  	v12 =	vld [tilespmem:$0x8240]  }
0xfb: {  	v13 =	vld [tilespmem:$0x8280]  }
0xfc: {  	v14 =	vld [tilespmem:$0x82C0]  }
0xfd: {  	v15 =	vld [tilespmem:$0x8300]  }
0xfe: {  	v16 =	vld [tilespmem:$0x8340]  }
0xff: {  	v17 =	vld [tilespmem:$0x8380]  }
0x100: {  	v18 =	vld [tilespmem:$0x83C0]  }
0x101: {  	v19 =	vld [tilespmem:$0x8400]  }
0x102: {  	v20 =	vld [tilespmem:$0x8440]  }
0x103: {  	v21 =	vld [tilespmem:$0x8480]  }
0x104: {  	v22 =	vld [tilespmem:$0x84C0]  }
0x105: {  	v23 =	vld [tilespmem:$0x8110]  }
0x106: {  	v24 =	vld [tilespmem:$0x8150]  }
0x107: {  	v25 =	vld [tilespmem:$0x8190]  }
0x108: {  	v26 =	vld [tilespmem:$0x81D0]  }
0x109: {  	v27 =	vld [tilespmem:$0x8210]  }
0x10a: {  	v28 =	vld [tilespmem:$0x8250]  }
0x10b: {  	v29 =	vld [tilespmem:$0x8290]  }
0x10c: {  	v30 =	vld [tilespmem:$0x82D0]  }
0x10d: {  	v31 =	vld [tilespmem:$0x8310]  }
0x10e: {  	v32 =	vld [tilespmem:$0x8350]  }
0x10f: {  	v33 =	vld [tilespmem:$0x8390]  }
0x110: {  	v34 =	vld [tilespmem:$0x83D0]  }
0x111: {  	v35 =	vld [tilespmem:$0x8410]  }
0x112: {  	v36 =	vld [tilespmem:$0x8450]  }
0x113: {  	v37 =	vld [tilespmem:$0x8490]  }
0x114: {  	v38 =	vld [tilespmem:$0x84D0]  }
0x115: {  	v39 =	vld [tilespmem:$0x8120];
	v7 =	vadd.f32 $1.000000000e+00, v7  }
0x116: {  	v40 =	vld [tilespmem:$0x8130]  }
0x117: {  	v23 =	vadd.f32 $1.000000000e+00, v23;
	v7 =	vadd.f32 v8, v7;
	v8 =	vld [tilespmem:$0x8160]  }
0x118: {  	v41 =	vld [tilespmem:$0x8170]  }
0x119: {  	v50 =	vld [tilespmem:$0x81A0];
	v23 =	vadd.f32 v24, v23  }
0x11a: {  	v52 =	vld [tilespmem:$0x81B0];
	v51 =	vadd.f32 $1.000000000e+00, v39;
	v7 =	vadd.f32 v9, v7  }
0x11b: {  	v53 =	vld [tilespmem:$0x81E0];
	v40 =	vadd.f32 $1.000000000e+00, v40;
	v23 =	vadd.f32 v25, v23  }
0x11c: {  	v54 =	vld [tilespmem:$0x81F0];
	v7 =	vadd.f32 v10, v7;
	v8 =	vadd.f32 v8, v51  }
0x11d: {  	v56 =	vld [tilespmem:$0x8220];
	v55 =	vadd.f32 v41, v40;
	v23 =	vadd.f32 v26, v23  }
0x11e: {  	v57 =	vld [tilespmem:$0x8230];
	v7 =	vadd.f32 v11, v7;
	v8 =	vadd.f32 v50, v8  }
0x11f: {  	v58 =	vld [tilespmem:$0x8260];
	v11 =	vadd.f32 v52, v55;
	v23 =	vadd.f32 v27, v23  }
0x120: {  	v59 =	vld [tilespmem:$0x8270];
	v7 =	vadd.f32 v12, v7;
	v8 =	vadd.f32 v53, v8  }
0x121: {  	v60 =	vld [tilespmem:$0x82A0];
	v11 =	vadd.f32 v54, v11;
	v23 =	vadd.f32 v28, v23  }
0x122: {  	v61 =	vld [tilespmem:$0x82B0];
	v7 =	vadd.f32 v13, v7;
	v8 =	vadd.f32 v56, v8  }
0x123: {  	v62 =	vld [tilespmem:$0x82E0];
	v9 =	vadd.f32 v57, v11;
	v63 =	vadd.f32 v29, v23  }
0x124: {  	v23 =	vld [tilespmem:$0x82F0];
	v7 =	vadd.f32 v14, v7;
	v8 =	vadd.f32 v58, v8  }
0x125: {  	v25 =	vld [tilespmem:$0x8320];
	v9 =	vadd.f32 v59, v9;
	v14 =	vadd.f32 v30, v63  }
0x126: {  	v26 =	vld [tilespmem:$0x8330];
	v7 =	vadd.f32 v15, v7;
	v8 =	vadd.f32 v60, v8  }
0x127: {  	v27 =	vld [tilespmem:$0x8360];
	v9 =	vadd.f32 v61, v9;
	v14 =	vadd.f32 v31, v14  }
0x128: {  	v28 =	vld [tilespmem:$0x8370];
	v7 =	vadd.f32 v16, v7;
	v8 =	vadd.f32 v62, v8  }
0x129: {  	v29 =	vld [tilespmem:$0x83A0];
	v9 =	vadd.f32 v23, v9;
	v14 =	vadd.f32 v32, v14  }
0x12a: {  	v30 =	vld [tilespmem:$0x83B0];
	v7 =	vadd.f32 v17, v7;
	v8 =	vadd.f32 v25, v8  }
0x12b: {  	v31 =	vld [tilespmem:$0x83E0];
	v9 =	vadd.f32 v26, v9;
	v14 =	vadd.f32 v33, v14  }
0x12c: {  	v32 =	vld [tilespmem:$0x83F0];
	v7 =	vadd.f32 v18, v7;
	v8 =	vadd.f32 v27, v8  }
0x12d: {  	v33 =	vld [tilespmem:$0x8420];
	v9 =	vadd.f32 v28, v9;
	v14 =	vadd.f32 v34, v14  }
0x12e: {  	v39 =	vld [tilespmem:$0x8430];
	v7 =	vadd.f32 v19, v7;
	v8 =	vadd.f32 v29, v8  }
0x12f: {  	v40 =	vld [tilespmem:$0x8460];
	v9 =	vadd.f32 v30, v9;
	v14 =	vadd.f32 v35, v14  }
0x130: {  	v41 =	vld [tilespmem:$0x8470];
	v7 =	vadd.f32 v20, v7;
	v8 =	vadd.f32 v31, v8  }
0x131: {  	v42 =	vld [tilespmem:$0x84A0];
	v9 =	vadd.f32 v32, v9;
	v14 =	vadd.f32 v36, v14  }
0x132: {  	v43 =	vld [tilespmem:$0x84B0];
	v7 =	vadd.f32 v21, v7;
	v8 =	vadd.f32 v33, v8  }
0x133: {  	v44 =	vld [tilespmem:$0x84E0];
	v9 =	vadd.f32 v39, v9;
	v45 =	vadd.f32 v37, v14  }
0x134: {  	v46 =	vld [tilespmem:$0x84F0];
	v7 =	vadd.f32 v22, v7;
	v8 =	vadd.f32 v40, v8  }
0x135: {  	v9 =	vadd.f32 v41, v9;
	v12 =	vadd.f32 v38, v45  }
0x136: {  	v47 =	vshra.s32 v7, $0x1;
	v8 =	vadd.f32 v42, v8  }
0x137: {  	v7 =	vmul.f32 $5.000000000e-01, v7;
	v9 =	vadd.f32 v43, v9;
	v48 =	vshra.s32 v12, $0x1  }
0x138: {  	v12 =	vmul.f32 $5.000000000e-01, v12;
	v13 =	vsub.s32 $0x5F3759DF, v47;
	v8 =	vadd.f32 v44, v8  }
0x139: {  	v11 =	vsub.s32 $0x5F3759DF, v48;
	v49 =	vmul.f32 v13, v7;
	v9 =	vadd.f32 v46, v9  }
0x13a: {  	v50 =	vmul.f32 v11, v12;
	v51 =	vshra.s32 v8, $0x1;
	v8 =	vmul.f32 $5.000000000e-01, v8  }
0x13b: {  	v52 =	vshra.s32 v9, $0x1;
	v9 =	vmul.f32 $5.000000000e-01, v9;
	v15 =	vsub.s32 $0x5F3759DF, v51  }
0x13c: {  	v14 =	vmul.f32 v13, v49;
	v16 =	vsub.s32 $0x5F3759DF, v52;
	v53 =	vmul.f32 v15, v8  }
0x13d: {  	v10 =	vmul.f32 v11, v50;
	v54 =	vmul.f32 v16, v9  }
0x13e: {  	v14 =	vsub.f32 $1.500000000e+00, v14;
	v17 =	vmul.f32 v15, v53  }
0x13f: {  	v10 =	vsub.f32 $1.500000000e+00, v10;
	v18 =	vmul.f32 v16, v54  }
0x140: {  	v13 =	vmul.f32 v13, v14;
	v55 =	vsub.f32 $1.500000000e+00, v17  }
0x141: {  	v10 =	vmul.f32 v11, v10;
	v56 =	vsub.f32 $1.500000000e+00, v18  }
0x142: {  	v57 =	vmul.f32 v13, v7;
	v14 =	vmul.f32 v15, v55  }
0x143: {  	v58 =	vmul.f32 v10, v12;
	v11 =	vmul.f32 v16, v56  }
0x144: {  	v59 =	vmul.f32 v57, v13;
	v60 =	vmul.f32 v14, v8  }
0x145: {  	v15 =	vmul.f32 v58, v10;
	v61 =	vmul.f32 v11, v9  }
0x146: {  	v16 =	vsub.f32 $1.500000000e+00, v59;
	v17 =	vmul.f32 v60, v14  }
0x147: {  	v15 =	vsub.f32 $1.500000000e+00, v15;
	v18 =	vmul.f32 v61, v11  }
0x148: {  	v13 =	vmul.f32 v16, v13;
	v62 =	vsub.f32 $1.500000000e+00, v17  }
0x149: {  	v10 =	vmul.f32 v15, v10;
	v63 =	vsub.f32 $1.500000000e+00, v18  }
0x14a: {  	v7 =	vmul.f32 v13, v7;
	v14 =	vmul.f32 v62, v14  }
0x14b: {  	v12 =	vmul.f32 v10, v12;
	v11 =	vmul.f32 v63, v11  }
0x14c: {  	v7 =	vmul.f32 v7, v13;
	v8 =	vmul.f32 v14, v8  }
0x14d: {  	v12 =	vmul.f32 v12, v10;
	v9 =	vmul.f32 v11, v9  }
0x14e: {  	v7 =	vsub.f32 $1.500000000e+00, v7;
	v8 =	vmul.f32 v8, v14  }
0x14f: {  	v12 =	vsub.f32 $1.500000000e+00, v12;
	v9 =	vmul.f32 v9, v11  }
0x150: {  	v7 =	vmul.f32 v7, v13;
	v8 =	vsub.f32 $1.500000000e+00, v8  }
0x151: {  	v10 =	vmul.f32 v12, v10;
	v9 =	vsub.f32 $1.500000000e+00, v9  }
0x152: {  	[tilespmem:$0x8900] =	vst v7;
	v7 =	vmul.f32 v8, v14  }
0x153: {  	[tilespmem:$0x8910] =	vst v10;
	v8 =	vmul.f32 v9, v11  }
0x154: {  	[tilespmem:$0x8920] =	vst v7  }
0x155: {  	s7 =	simm.s32 $0x8900;
	[tilespmem:$0x8930] =	vst v8  }
0x156: {  	[spmem:s20] =	stream.linear.scatter [tilespmem:s7], [sflag:$0x1], $0x40, $0x38;
	[tilespmem:$0x10AC0] =	vst v63  }
0x157: {  	_ =	swait.ge [sflag:s31], $0x40  }
0x158: {  	[sflag:s31] =	ssyncset.done $0x0  }
0x159: {  	[sflag:s31] =	ssyncadd.s32 $0xFFFFFFC0  }
0x15a: {  	[bflag:$0x0] =	sbarrier.arrive $0xFFFF  }
0x15b: {  	s9 =	rddreg [dreg:$0x2]  }
0x15c: {  	[tilespmem:s1], [sflag:$0x1] =	stream.linear.gather [spmem:s9], $0x400, $0x38;
	[tilespmem:$0x10AC0] =	vst v63  }
0x15d: {  	_ =	swait.ge [sflag:s31], $0x400  }
0x15e: {  	[sflag:s31] =	ssyncset.done $0x0  }
0x15f: {  	s7 =	simm.s32 $0x8A00;
	[sflag:s31] =	ssyncadd.s32 $0xFFFFFC00  }
0x160: {  	[tilespmem:s7+$0xFFFFFF80] =	vst v6  }
0x161: {  	[tilespmem:s7+$0x70] =	vst v6  }
0x162: {  	[tilespmem:s7+$0x60] =	vst v6  }
0x163: {  	[tilespmem:s7+$0x50] =	vst v6  }
0x164: {  	[tilespmem:s7+$0x40] =	vst v6  }
0x165: {  	[tilespmem:s7+$0x30] =	vst v6  }
0x166: {  	[tilespmem:s7+$0x20] =	vst v6  }
0x167: {  	[tilespmem:s7+$0x10] =	vst v6  }
0x168: {  	[tilespmem:s7+$0x0] =	vst v6  }
0x169: {  	[tilespmem:s7+$0xFFFFFFF0] =	vst v6  }
0x16a: {  	[tilespmem:s7+$0xFFFFFFE0] =	vst v6  }
0x16b: {  	[tilespmem:s7+$0xFFFFFFD0] =	vst v6  }
0x16c: {  	[tilespmem:s7+$0xFFFFFFC0] =	vst v6  }
0x16d: {  	[tilespmem:s7+$0xFFFFFFB0] =	vst v6  }
0x16e: {  	s4 =	simm.s32 $0x40;
	s5 =	simm.s32 $0x3EC0;
	s9 =	simm.s32 $0x0;
	[tilespmem:s7+$0xFFFFFFA0] =	vst v6  }
.LBB2_4:
0x16f: {  	s9 =	sadd.s32 $0x10, s9;
	[tilespmem:s7+$0xFFFFFF90] =	vst v6;
	s7 =	sadd.s32 $0x100, s7  }
0x170: {  	[tilespmem:s7+$0xFFFFFF80] =	vst v6;
	p2 =	slt.u32 s9, $0x7C0  }
0x171: {  	[tilespmem:s7+$0x70] =	vst v6  }
0x172: {  	[tilespmem:s7+$0x60] =	vst v6  }
0x173: {  	[tilespmem:s7+$0x50] =	vst v6  }
0x174: {  	[tilespmem:s7+$0x40] =	vst v6  }
0x175: {  	[tilespmem:s7+$0x30] =	vst v6  }
0x176: {  	[tilespmem:s7+$0x20] =	vst v6  }
0x177: {  	[tilespmem:s7+$0x10] =	vst v6  }
0x178: {  	[tilespmem:s7+$0x0] =	vst v6  }
0x179: {  	[tilespmem:s7+$0xFFFFFFF0] =	vst v6  }
.Ltmp1:
0x17a: {  	[tilespmem:s7+$0xFFFFFFE0] =	vst v6;
	(pc) =	sbr.rel @p2 .LBB2_4-.Ltmp1, $4  }
0x17b: {  	[tilespmem:s7+$0xFFFFFFD0] =	vst v6  }
0x17c: {  	[tilespmem:s7+$0xFFFFFFC0] =	vst v6  }
0x17d: {  	[tilespmem:s7+$0xFFFFFFB0] =	vst v6  }
0x17e: {  	[tilespmem:s7+$0xFFFFFFA0] =	vst v6  }
0x17f: {  	[tilespmem:s7+$0xFFFFFF90] =	vst v6;
	s7 =	simm.s32 $0xFFFFFFF8  }
.LBB2_6:
0x180: {  	v7 =	vld [tilespmem:s5+$0xFFFFFFC0];
	_ =	sdelay $0x2  }
0x181: {  	v8 =	vld [tilespmem:s4+$0xFFFFFFC0];
	_ =	sdelay $0x1  }
0x182: {  	v9 =	vsub.s32 v7, v1  }
0x183: {  	v9 =	vmul.u32 $0x3E8, v9  }
0x184: {  	vm2 =	vge.s32 v7, v1;
	vm3 =	vlt.s32 v7, v2  }
0x185: {  	vm2 =	vmand vm2, vm3;
	v9 =	vadd.s32 v8, v9  }
0x186: {  	v9 =	vnsel vm2, $0x0, v9  }
0x187: {  	(xrf1) =	vunique.msk.u32 vm2, v9;
	_ =	sdelay $0x9  }
0x188: {  	v8 =	vld.idx.msk [tilespmem:v8+s1+$0x0], $0xffff  }
0x189: {  	v7 =	vld.idx.msk [tilespmem:v7+s1+$0x0], $0xffff;
	_ =	sdelay $0x2  }
0x18a: {  	_, v10, vm2 =	vpop (xrf1);
	_ =	sdelay $0x1  }
0x18b: {  	v7 =	vmul.f32 v7, v8;
	v8 =	vcvt.s32.f32 v10;
	_ =	sdelay $0x1  }
0x18c: {  	v7 =	vmul.f32 v8, v7;
	_ =	sdelay $0x1  }
0x18d: {  	[tilespmem:v9+s2+$0x0] =	vst.idx.add.f32.msk vm2, v7  }
0x18e: {  	v7 =	vld [tilespmem:s5+$0xFFFFFFD0];
	_ =	sdelay $0x2  }
0x18f: {  	v8 =	vld [tilespmem:s4+$0xFFFFFFD0];
	_ =	sdelay $0x1  }
0x190: {  	v50 =	vsub.s32 v7, v1  }
0x191: {  	v9 =	vmul.u32 $0x3E8, v50  }
0x192: {  	vm2 =	vge.s32 v7, v1;
	vm3 =	vlt.s32 v7, v2  }
0x193: {  	vm2 =	vmand vm2, vm3;
	v9 =	vadd.s32 v8, v9  }
0x194: {  	v9 =	vnsel vm2, $0x0, v9  }
0x195: {  	(xrf1) =	vunique.msk.u32 vm2, v9;
	_ =	sdelay $0x9  }
0x196: {  	v8 =	vld.idx.msk [tilespmem:v8+s1+$0x0], $0xffff  }
0x197: {  	v7 =	vld.idx.msk [tilespmem:v7+s1+$0x0], $0xffff;
	_ =	sdelay $0x2  }
0x198: {  	_, v51, vm2 =	vpop (xrf1);
	_ =	sdelay $0x1  }
0x199: {  	v7 =	vmul.f32 v7, v8;
	v8 =	vcvt.s32.f32 v51;
	_ =	sdelay $0x1  }
0x19a: {  	v7 =	vmul.f32 v8, v7;
	_ =	sdelay $0x1  }
0x19b: {  	[tilespmem:v9+s2+$0x0] =	vst.idx.add.f32.msk vm2, v7  }
0x19c: {  	v7 =	vld [tilespmem:s5+$0xFFFFFFE0];
	_ =	sdelay $0x2  }
0x19d: {  	v8 =	vld [tilespmem:s4+$0xFFFFFFE0];
	_ =	sdelay $0x1  }
0x19e: {  	v52 =	vsub.s32 v7, v1  }
0x19f: {  	v9 =	vmul.u32 $0x3E8, v52  }
0x1a0: {  	vm2 =	vge.s32 v7, v1;
	vm3 =	vlt.s32 v7, v2  }
0x1a1: {  	vm2 =	vmand vm2, vm3;
	v9 =	vadd.s32 v8, v9  }
0x1a2: {  	v9 =	vnsel vm2, $0x0, v9  }
0x1a3: {  	(xrf1) =	vunique.msk.u32 vm2, v9;
	_ =	sdelay $0x9  }
0x1a4: {  	v8 =	vld.idx.msk [tilespmem:v8+s1+$0x0], $0xffff  }
0x1a5: {  	v7 =	vld.idx.msk [tilespmem:v7+s1+$0x0], $0xffff;
	_ =	sdelay $0x2  }
0x1a6: {  	_, v53, vm2 =	vpop (xrf1);
	_ =	sdelay $0x1  }
0x1a7: {  	v7 =	vmul.f32 v7, v8;
	v8 =	vcvt.s32.f32 v53;
	_ =	sdelay $0x1  }
0x1a8: {  	v7 =	vmul.f32 v8, v7;
	_ =	sdelay $0x1  }
0x1a9: {  	[tilespmem:v9+s2+$0x0] =	vst.idx.add.f32.msk vm2, v7  }
0x1aa: {  	v7 =	vld [tilespmem:s5+$0xFFFFFFF0];
	_ =	sdelay $0x2  }
0x1ab: {  	v8 =	vld [tilespmem:s4+$0xFFFFFFF0];
	_ =	sdelay $0x1  }
0x1ac: {  	v54 =	vsub.s32 v7, v1  }
0x1ad: {  	v9 =	vmul.u32 $0x3E8, v54  }
0x1ae: {  	vm2 =	vge.s32 v7, v1;
	vm3 =	vlt.s32 v7, v2  }
0x1af: {  	vm2 =	vmand vm2, vm3;
	v9 =	vadd.s32 v8, v9  }
0x1b0: {  	v9 =	vnsel vm2, $0x0, v9  }
0x1b1: {  	(xrf1) =	vunique.msk.u32 vm2, v9;
	_ =	sdelay $0x9  }
0x1b2: {  	v8 =	vld.idx.msk [tilespmem:v8+s1+$0x0], $0xffff  }
0x1b3: {  	v7 =	vld.idx.msk [tilespmem:v7+s1+$0x0], $0xffff;
	_ =	sdelay $0x2  }
0x1b4: {  	_, v55, vm2 =	vpop (xrf1);
	_ =	sdelay $0x1  }
0x1b5: {  	v7 =	vmul.f32 v7, v8;
	v8 =	vcvt.s32.f32 v55;
	_ =	sdelay $0x1  }
0x1b6: {  	v7 =	vmul.f32 v8, v7;
	_ =	sdelay $0x1  }
0x1b7: {  	[tilespmem:v9+s2+$0x0] =	vst.idx.add.f32.msk vm2, v7  }
0x1b8: {  	v7 =	vld [tilespmem:s5+$0x0];
	_ =	sdelay $0x2  }
0x1b9: {  	v8 =	vld [tilespmem:s4+$0x0];
	_ =	sdelay $0x1  }
0x1ba: {  	v56 =	vsub.s32 v7, v1  }
0x1bb: {  	v9 =	vmul.u32 $0x3E8, v56  }
0x1bc: {  	vm2 =	vge.s32 v7, v1;
	vm3 =	vlt.s32 v7, v2  }
0x1bd: {  	vm2 =	vmand vm2, vm3;
	v9 =	vadd.s32 v8, v9  }
0x1be: {  	v9 =	vnsel vm2, $0x0, v9  }
0x1bf: {  	(xrf1) =	vunique.msk.u32 vm2, v9;
	_ =	sdelay $0x9  }
0x1c0: {  	v8 =	vld.idx.msk [tilespmem:v8+s1+$0x0], $0xffff  }
0x1c1: {  	v7 =	vld.idx.msk [tilespmem:v7+s1+$0x0], $0xffff;
	_ =	sdelay $0x2  }
0x1c2: {  	_, v57, vm2 =	vpop (xrf1);
	_ =	sdelay $0x1  }
0x1c3: {  	v7 =	vmul.f32 v7, v8;
	v8 =	vcvt.s32.f32 v57;
	_ =	sdelay $0x1  }
0x1c4: {  	v7 =	vmul.f32 v8, v7;
	_ =	sdelay $0x1  }
0x1c5: {  	[tilespmem:v9+s2+$0x0] =	vst.idx.add.f32.msk vm2, v7  }
0x1c6: {  	v7 =	vld [tilespmem:s5+$0x10];
	_ =	sdelay $0x2  }
0x1c7: {  	v8 =	vld [tilespmem:s4+$0x10];
	_ =	sdelay $0x1  }
0x1c8: {  	v58 =	vsub.s32 v7, v1  }
0x1c9: {  	v9 =	vmul.u32 $0x3E8, v58  }
0x1ca: {  	vm2 =	vge.s32 v7, v1;
	vm3 =	vlt.s32 v7, v2  }
0x1cb: {  	vm2 =	vmand vm2, vm3;
	v9 =	vadd.s32 v8, v9  }
0x1cc: {  	v9 =	vnsel vm2, $0x0, v9  }
0x1cd: {  	(xrf1) =	vunique.msk.u32 vm2, v9;
	_ =	sdelay $0x9  }
0x1ce: {  	v8 =	vld.idx.msk [tilespmem:v8+s1+$0x0], $0xffff  }
0x1cf: {  	v7 =	vld.idx.msk [tilespmem:v7+s1+$0x0], $0xffff;
	_ =	sdelay $0x2  }
0x1d0: {  	_, v59, vm2 =	vpop (xrf1);
	_ =	sdelay $0x1  }
0x1d1: {  	v7 =	vmul.f32 v7, v8;
	v8 =	vcvt.s32.f32 v59;
	_ =	sdelay $0x1  }
0x1d2: {  	v7 =	vmul.f32 v8, v7;
	_ =	sdelay $0x1  }
0x1d3: {  	[tilespmem:v9+s2+$0x0] =	vst.idx.add.f32.msk vm2, v7  }
0x1d4: {  	v7 =	vld [tilespmem:s5+$0x20];
	_ =	sdelay $0x2  }
0x1d5: {  	v8 =	vld [tilespmem:s4+$0x20];
	_ =	sdelay $0x1  }
0x1d6: {  	v60 =	vsub.s32 v7, v1  }
0x1d7: {  	v9 =	vmul.u32 $0x3E8, v60  }
0x1d8: {  	vm2 =	vge.s32 v7, v1;
	vm3 =	vlt.s32 v7, v2  }
0x1d9: {  	vm2 =	vmand vm2, vm3;
	v9 =	vadd.s32 v8, v9  }
0x1da: {  	v9 =	vnsel vm2, $0x0, v9  }
0x1db: {  	(xrf1) =	vunique.msk.u32 vm2, v9;
	_ =	sdelay $0x9  }
0x1dc: {  	v8 =	vld.idx.msk [tilespmem:v8+s1+$0x0], $0xffff  }
0x1dd: {  	v7 =	vld.idx.msk [tilespmem:v7+s1+$0x0], $0xffff;
	_ =	sdelay $0x2  }
0x1de: {  	_, v61, vm2 =	vpop (xrf1);
	_ =	sdelay $0x1  }
0x1df: {  	v7 =	vmul.f32 v7, v8;
	v8 =	vcvt.s32.f32 v61;
	_ =	sdelay $0x1  }
0x1e0: {  	v7 =	vmul.f32 v8, v7;
	_ =	sdelay $0x1  }
0x1e1: {  	[tilespmem:v9+s2+$0x0] =	vst.idx.add.f32.msk vm2, v7  }
0x1e2: {  	v7 =	vld [tilespmem:s5+$0x30];
	_ =	sdelay $0x2  }
0x1e3: {  	v8 =	vld [tilespmem:s4+$0x30];
	_ =	sdelay $0x1  }
0x1e4: {  	v62 =	vsub.s32 v7, v1  }
0x1e5: {  	v9 =	vmul.u32 $0x3E8, v62  }
0x1e6: {  	vm2 =	vge.s32 v7, v1;
	vm3 =	vlt.s32 v7, v2  }
0x1e7: {  	vm2 =	vmand vm2, vm3;
	v9 =	vadd.s32 v8, v9  }
0x1e8: {  	v9 =	vnsel vm2, $0x0, v9  }
0x1e9: {  	(xrf1) =	vunique.msk.u32 vm2, v9;
	_ =	sdelay $0x9  }
0x1ea: {  	v8 =	vld.idx.msk [tilespmem:v8+s1+$0x0], $0xffff  }
0x1eb: {  	v7 =	vld.idx.msk [tilespmem:v7+s1+$0x0], $0xffff;
	_ =	sdelay $0x2  }
0x1ec: {  	s7 =	sadd.s32 $0x8, s7;
	_, v63, vm2 =	vpop (xrf1)  }
0x1ed: {  	p2 =	slt.u32 s7, $0x3E0  }
.Ltmp2:
0x1ee: {  	v7 =	vmul.f32 v7, v8;
	v8 =	vcvt.s32.f32 v63;
	(pc) =	sbr.rel @p2 .LBB2_6-.Ltmp2, $3  }
0x1ef: {  	_ = 	snop  }
0x1f0: {  	v7 =	vmul.f32 v8, v7;
	_ =	sdelay $0x1  }
0x1f1: {  	s4 =	sadd.s32 $0x80, s4;
	s5 =	sadd.s32 $0x80, s5;
	[tilespmem:v9+s2+$0x0] =	vst.idx.add.f32.msk vm2, v7  }
0x1f2: {  	_ =	sdelay $0x3  }
0x1f3: {  	v7 =	vld.idx.msk [tilespmem:v3+s1+$0x0], $0xffff;
	_ =	sdelay $0x4  }
0x1f4: {  	v7 =	vmul.f32 v7, v7;
	_ =	sdelay $0x1  }
0x1f5: {  	[tilespmem:v4+s2+$0x0] =	vst.idx.add.f32.msk vm0, v7  }
0x1f6: {  	v7 =	vld.idx.msk [tilespmem:v0+s1+$0x0], $0xffff;
	_ =	sdelay $0x4  }
0x1f7: {  	v7 =	vmul.f32 v7, v7;
	_ =	sdelay $0x1  }
0x1f8: {  	s4 =	simm.s32 @p0 $0x0;
	s5 =	simm.s32 @p0 $0x8980;
	[tilespmem:v5+s2+$0x0] =	vst.idx.add.f32.msk vm1, v7  }
0x1f9: {  	[hbm4b:s22+s4] =	stream.linear.scatter @p0 [tilespmem:s5], [sflag:$0x1], $0x1F40, $0x38;
	[tilespmem:$0x10AC0] =	vst v63  }
0x1fa: {  	s4 =	simm.s32 @p0 $0x1  }
0x1fb: {  	s3 =	sadd.s32 $0x1, s3;
	_ =	swait.ge @p0 [sflag:s4], $0x1F40  }
0x1fc: {  	p2 =	sne.s32 s3, s23;
	[sflag:s4] =	ssyncset.done @p0 $0x0  }
0x1fd: {  	s5 =	simm.s32 @!p0 $0x8980;
	[sflag:s4] =	ssyncadd.s32 @p0 $0xFFFFE0C0;
	s4 =	simm.s32 @!p0 $0x0  }
0x1fe: {  	[hbm4b:s21+s4] =	stream.linear.scatter @!p0 [tilespmem:s5], [sflag:$0x1], $0x7D00, $0x38;
	[tilespmem:$0x10AC0] =	vst v63  }
.Ltmp3:
0x1ff: {  	_ = 	snop;
	(pc) =	sbr.rel @p2 .LBB2_1-.Ltmp3, $4  }
0x200: {  	s4 =	simm.s32 @!p0 $0x1  }
0x201: {  	_ =	swait.ge @!p0 [sflag:s4], $0x7D00  }
0x202: {  	[sflag:s4] =	ssyncset.done @!p0 $0x0  }
0x203: {  	[sflag:s4] =	ssyncadd.s32 @!p0 $0xFFFF8300  }
0x204: {  	_ =	sfence.sel $0x180000  }
0x205: {  	[bflag:$0x0] =	sbarrier.arrive $0xFFFF  }
0x206: {  	_ =	strace $0x90000047  }
0x207: {  	s0 =	stileid.u32;
	[bflag:$0x2] =	sbarrier.arrive $0xFFFF  }
0x208: {  	p0 =	sne.s32 s0, $0x0;
	s0 =	rddreg [dreg:$0x3]  }
0x209: {  	s0 =	sadd.s32 @!p0 $0x100000, s0  }
0x20a: {  	[sflag:s0] =	ssyncadd.tile.s32 @!p0 $0x1;
	_ =	shalt  }
.Lfunc_end2:
_tile_overlayer_lowered:
.L_overlay_start_2:
0x20b: {  	(tag) =	ssettag $0x2  }
0x20c: {  	s0 =	rddreg [dreg:$0x0];
	s2 =	stileid.u32  }
0x20d: {  	s1 =	rddreg [dreg:$0x1];
	p0 =	sne.s32 s2, $0x0  }
0x20e: {  	s3 =	rddreg [dreg:$0x2];
	[bflag:$0x3] =	sbarrier.arrive $0xFFFF;
	s2 =	simm.s32 @!p0 $0x1C01  }
0x20f: {  	[timem:s3], [sflag:s2] =	dma.local @!p0 [hbm:s0], s1  }
0x210: {  	s0 =	simm.s32 @!p0 $0x1  }
0x211: {  	_ =	swait.ge @!p0 [sflag:s0], s1  }
0x212: {  	s1 =	ssub.s32 @!p0 $0x0, s1;
	[sflag:s0] =	ssyncset.done @!p0 $0x0  }
0x213: {  	[sflag:s0] =	ssyncadd.s32 @!p0 s1  }
0x214: {  	[bflag:$0x3] =	sbarrier.arrive $0xFFFF  }
0x215: {  	_ =	shalt  }

</sc_bundles>
